<compile_context>
chip_gen: v7x
topology: tpu7x:2x2x1
jax: 0.10.2.dev20260603
libtpu: 0.0.44.dev20260713+nightly
codegen_flags: <defaults>
</compile_context>

<pallas_src>
import functools

import jax
import jax.numpy as jnp
from jax import lax
from jax.experimental import pallas as pl
from jax.experimental.pallas import tpu as pltpu
from jax.experimental.pallas import tpu_sc as plsc


def _prep(table_t, x_t):
    e, v = table_t.shape
    b = x_t.shape[1]
    blk = 16384
    grid = ((v + blk - 1) // blk,)
    rowmap = (0, 2, 4, 1, 3, 5)

    def k(a_ref, x_ref, o_ref, xo_ref):
        stk = jnp.concatenate([a_ref[:, :blk // 2], a_ref[:, blk // 2:]],
                              axis=0)
        o_ref[...] = jnp.transpose(stk)

        @pl.when(pl.program_id(0) == 0)
        def _():
            for j in range(6):
                w = x_ref[rowmap[j]].reshape(b // 128, 128)
                xo_ref[j] = (w & ~16383) + ((w & 8191) << 1) + ((w >> 13) & 1)

    return pl.pallas_call(
        k,
        grid=grid,
        in_specs=[
            pl.BlockSpec((e, blk), lambda i: (0, i)),
            pl.BlockSpec((6, b), lambda i: (0, 0)),
        ],
        out_specs=[
            pl.BlockSpec((blk // 2, 2 * e), lambda i: (i, 0)),
            pl.BlockSpec((6, b // 128, 128), lambda i: (0, 0, 0)),
        ],
        out_shape=[
            jax.ShapeDtypeStruct((grid[0] * blk // 2, 2 * e), jnp.float32),
            jax.ShapeDtypeStruct((6, b // 128, 128), jnp.int32),
        ],
    )(table_t, x_t)


def _gather_rows(table, xp, batch):
    info = plsc.get_sparse_core_info()
    nw = info.num_cores * info.num_subcores
    n, e = 6 * batch, table.shape[1]
    per_w = n // nw
    chunk = 512
    n_ch = per_w // chunk

    mesh = plsc.VectorSubcoreMesh(core_axis_name="c", subcore_axis_name="s")

    half = chunk // 2

    @functools.partial(
        pl.kernel,
        mesh=mesh,
        compiler_params=pltpu.CompilerParams(use_tc_tiling_on_sc=False),
        out_type=jax.ShapeDtypeStruct((n // 2, 2, e), jnp.float32),
        scratch_types=[
            pltpu.VMEM((3, 2, half), jnp.int32),
            pltpu.VMEM((3, half, e), jnp.float32),
            pltpu.VMEM((3, half, e), jnp.float32),
            [pltpu.SemaphoreType.DMA] * 3,
            [pltpu.SemaphoreType.DMA] * 3,
            [pltpu.SemaphoreType.DMA] * 3,
        ],
    )
    def gather_k(table_hbm, xp_hbm, out_hbm, idx, ev, od, isem, gsem, ssem):
        wid = lax.axis_index("s") * info.num_cores + lax.axis_index("c")
        base = wid * per_w

        def idx_fetch(c):
            s0 = base + c * chunk
            ct = s0 // (2 * batch)
            b0 = pl.multiple_of((s0 % (2 * batch)) // 2, half)
            sl = c % 3
            cp0 = pltpu.async_copy(
                xp_hbm.at[pl.ds(ct * batch + b0, half)],
                idx.at[sl, 0], isem[sl])
            cp1 = pltpu.async_copy(
                xp_hbm.at[pl.ds((3 + ct) * batch + b0, half)],
                idx.at[sl, 1], isem[sl])
            return (cp0, cp1)

        idx_cps = {}
        g_cps = {}
        s_cps = {}
        idx_cps[0] = idx_fetch(0)
        if n_ch > 1:
            idx_cps[1] = idx_fetch(1)
        for c in range(n_ch + 1):
            if c >= 1:
                for cp in g_cps.pop(c - 1):
                    cp.wait()
                sl = (c - 1) % 3
                q0 = (base + (c - 1) * chunk) // 2
                s_cps[c - 1] = (
                    pltpu.async_copy(ev.at[sl], out_hbm.at[pl.ds(q0, half), 0],
                                     ssem[sl]),
                    pltpu.async_copy(od.at[sl], out_hbm.at[pl.ds(q0, half), 1],
                                     ssem[sl]),
                )
            if c < n_ch:
                if c >= 3:
                    for cp in s_cps.pop(c - 3):
                        cp.wait()
                sl = c % 3
                for cp in idx_cps.pop(c):
                    cp.wait()
                g_cps[c] = (
                    pltpu.async_copy(table_hbm.at[idx.at[sl, 0]], ev.at[sl],
                                     gsem[sl]),
                    pltpu.async_copy(table_hbm.at[idx.at[sl, 1]], od.at[sl],
                                     gsem[sl]),
                )
                if c + 2 < n_ch:
                    idx_cps[c + 2] = idx_fetch(c + 2)
        for k in sorted(s_cps):
            for cp in s_cps.pop(k):
                cp.wait()

    return gather_k(table, xp)


def _mlp_panes(emb3, w1r, b1, w2, b2):
    _, b, _ = emb3.shape
    d_h = w1r.shape[2]
    d_out = w2.shape[1]
    blk = 4096

    def mlp_k(e_ref, w1_ref, b1_ref, w2_ref, b2_ref, o_ref):
        acc = b1_ref[...]
        for ct in range(3):
            acc = acc + jnp.dot(e_ref[ct], w1_ref[ct],
                                preferred_element_type=jnp.float32)
        h = jnp.tanh(acc)
        o_ref[...] = jnp.dot(h, w2_ref[...],
                             preferred_element_type=jnp.float32) + b2_ref[...]

    return pl.pallas_call(
        mlp_k,
        grid=(b // blk,),
        in_specs=[
            pl.BlockSpec((3, blk, 128), lambda i: (0, i, 0)),
            pl.BlockSpec((3, 128, d_h), lambda i: (0, 0, 0)),
            pl.BlockSpec((1, d_h), lambda i: (0, 0)),
            pl.BlockSpec((d_h, d_out), lambda i: (0, 0)),
            pl.BlockSpec((1, d_out), lambda i: (0, 0)),
        ],
        out_specs=pl.BlockSpec((blk, d_out), lambda i: (i, 0)),
        out_shape=jax.ShapeDtypeStruct((b, d_out), jnp.float32),
    )(emb3, w1r, b1.reshape(1, -1), w2, b2.reshape(1, -1))


def kernel(X, table, W1, b1, W2, b2):
    batch, n_words = X.shape
    vocab, embed = table.shape
    t2, xp3 = _prep(table.T, X.T.astype(jnp.int32))
    xp = xp3.reshape(-1)
    rows = _gather_rows(t2.reshape(-1, embed), xp, batch)
    emb3 = rows.reshape(n_words // 2, batch, 2 * embed)
    w1r = W1.reshape(n_words // 2, 2 * embed, W1.shape[1])
    return _mlp_panes(emb3, w1r, b1, W2, b2)

# --- scband reference (transcript-rebuilt; emitter-appended) ---
"""Pipeline reference for scband-part-model-59004260712743 (READ-ONLY COPY).

The authoritative reference and input builder live on the scoring server;
editing this copy changes nothing except your own understanding.
"""

import jax, jax.numpy as jnp
import numpy as np

VOCAB = 100000
EMBED = 64
BATCH = 16384
N_WORDS = 6


def setup_inputs(seed: int = 0) -> dict:
    key = jax.random.key(seed)
    k1, k2, k3, k4 = jax.random.split(key, 4)
    X = jax.random.randint(k1, (BATCH, N_WORDS), 0, VOCAB)
    table = jax.random.normal(k2, (VOCAB, EMBED), dtype=jnp.float32) * 0.02
    W1 = jax.random.normal(k3, (N_WORDS * EMBED, 2 * EMBED), dtype=jnp.float32) * (1.0 / np.sqrt(N_WORDS * EMBED))
    b1 = jnp.zeros((2 * EMBED,), dtype=jnp.float32)
    W2 = jax.random.normal(k4, (2 * EMBED, 2 * EMBED), dtype=jnp.float32) * (1.0 / np.sqrt(2 * EMBED))
    b2 = jnp.zeros((2 * EMBED,), dtype=jnp.float32)
    return {"X": X, "table": table, "W1": W1, "b1": b1, "W2": W2, "b2": b2}


def reference(X, table, W1, b1, W2, b2):
    # embedding lookup: gather rows of the table
    emb = jnp.take(table, X, axis=0)            # [B, 6, E]
    flat = emb.reshape(emb.shape[0], -1)        # [B, 6*E]
    h = jnp.tanh(flat @ W1 + b1)                # Linear + Tanh
    out = h @ W2 + b2                           # final Linear
    return out

if __name__ == "__main__":
    import jax
    _d = setup_inputs()
    print(jax.jit(kernel)(*tuple(_d.values())))

</pallas_src>

<mosaic_0001>
#map = affine_map<(d0, d1) -> (0, 0)>
#map1 = affine_map<(d0, d1) -> (0)>
#map2 = affine_map<(d0, d1) -> (0, 0, 0)>
module attributes {stable_mosaic.version = 14 : i64} {
  func.func @gather_k(%arg0: i32, %arg1: i32, %arg2: memref<114688x64xf32, #tpu.memory_space<hbm>>, %arg3: memref<98304xi32, #tpu.memory_space<hbm>>, %arg4: memref<49152x2x64xf32, #tpu.memory_space<hbm>>, %arg5: memref<3x2x256xi32, #tpu.memory_space<vmem>>, %arg6: memref<3x256x64xf32, #tpu.memory_space<vmem>>, %arg7: memref<3x256x64xf32, #tpu.memory_space<vmem>>, %arg8: memref<!tpu.dma_semaphore, #tpu.memory_space<semaphore_mem>>, %arg9: memref<!tpu.dma_semaphore, #tpu.memory_space<semaphore_mem>>, %arg10: memref<!tpu.dma_semaphore, #tpu.memory_space<semaphore_mem>>, %arg11: memref<!tpu.dma_semaphore, #tpu.memory_space<semaphore_mem>>, %arg12: memref<!tpu.dma_semaphore, #tpu.memory_space<semaphore_mem>>, %arg13: memref<!tpu.dma_semaphore, #tpu.memory_space<semaphore_mem>>, %arg14: memref<!tpu.dma_semaphore, #tpu.memory_space<semaphore_mem>>, %arg15: memref<!tpu.dma_semaphore, #tpu.memory_space<semaphore_mem>>, %arg16: memref<!tpu.dma_semaphore, #tpu.memory_space<semaphore_mem>>) attributes {dimension_semantics = [#tpu.dimension_semantics<core_parallel>, #tpu.dimension_semantics<subcore_parallel>], iteration_bounds = array<i64: 2, 16>, scalar_prefetch = 0 : i64, scratch_operands = 12 : i64, tpu.core_type = #tpu.core_type<sc_vector_subcore>, window_params = [{transform_indices = #map}, {transform_indices = #map1}, {transform_indices = #map2}]} {
    %mul3A = arith.constant 2 : i32
    %mul3A_0 = arith.muli %arg1, %mul3A : i32
    %add3A = arith.addi %mul3A_0, %arg0 : i32
    %mul3A_1 = arith.constant 3072 : i32
    %mul3A_2 = arith.muli %add3A, %mul3A_1 : i32
    %add3A_3 = arith.constant 0 : i32
    %add3A_4 = arith.addi %mul3A_2, %add3A_3 : i32
    %jit3A = arith.constant 32768 : i32
    %div3A = arith.divsi %add3A_4, %jit3A : i32
    %sign3A = arith.constant 0 : i32
    %sign3A_5 = arith.cmpi sgt, %add3A_4, %sign3A : i32
    %sign3A_6 = arith.extui %sign3A_5 : i1 to i32
    %sign3A_7 = arith.constant 0 : i32
    %sign3A_8 = arith.cmpi slt, %add3A_4, %sign3A_7 : i32
    %sign3A_9 = arith.extui %sign3A_8 : i1 to i32
    %sign3A_10 = arith.subi %sign3A_6, %sign3A_9 : i32
    %sign3A_11 = arith.constant 0 : i32
    %sign3A_12 = arith.cmpi sgt, %jit3A, %sign3A_11 : i32
    %sign3A_13 = arith.extui %sign3A_12 : i1 to i32
    %sign3A_14 = arith.constant 0 : i32
    %sign3A_15 = arith.cmpi slt, %jit3A, %sign3A_14 : i32
    %sign3A_16 = arith.extui %sign3A_15 : i1 to i32
    %sign3A_17 = arith.subi %sign3A_13, %sign3A_16 : i32
    %ne3A = arith.cmpi ne, %sign3A_10, %sign3A_17 : i32
    %rem3A = arith.remsi %add3A_4, %jit3A : i32
    %ne3A_18 = arith.constant 0 : i32
    %ne3A_19 = arith.cmpi ne, %rem3A, %ne3A_18 : i32
    %and3A = arith.andi %ne3A, %ne3A_19 : i1
    %sub3A = arith.constant 1 : i32
    %sub3A_20 = arith.subi %div3A, %sub3A : i32
    %select_n3A = arith.select %and3A, %sub3A_20, %div3A : i32
    %jit3A_21 = arith.constant 32768 : i32
    %eq3A = arith.constant 0 : i32
    %eq3A_22 = arith.cmpi eq, %jit3A_21, %eq3A : i32
    %jit3A_23 = arith.constant 1 : i32
    %select_n3A_24 = arith.select %eq3A_22, %jit3A_23, %jit3A_21 : i32
    %rem3A_25 = arith.remsi %add3A_4, %select_n3A_24 : i32
    %ne3A_26 = arith.constant 0 : i32
    %ne3A_27 = arith.cmpi ne, %rem3A_25, %ne3A_26 : i32
    %lt3A = arith.constant 0 : i32
    %lt3A_28 = arith.cmpi slt, %rem3A_25, %lt3A : i32
    %lt3A_29 = arith.constant 0 : i32
    %lt3A_30 = arith.cmpi slt, %select_n3A_24, %lt3A_29 : i32
    %ne3A_31 = arith.xori %lt3A_28, %lt3A_30 : i1
    %and3A_32 = arith.andi %ne3A_31, %ne3A_27 : i1
    %add3A_33 = arith.addi %rem3A_25, %select_n3A_24 : i32
    %select_n3A_34 = arith.select %and3A_32, %add3A_33, %rem3A_25 : i32
    %jit3A_35 = arith.constant 2 : i32
    %div3A_36 = arith.divsi %select_n3A_34, %jit3A_35 : i32
    %sign3A_37 = arith.constant 0 : i32
    %sign3A_38 = arith.cmpi sgt, %select_n3A_34, %sign3A_37 : i32
    %sign3A_39 = arith.extui %sign3A_38 : i1 to i32
    %sign3A_40 = arith.constant 0 : i32
    %sign3A_41 = arith.cmpi slt, %select_n3A_34, %sign3A_40 : i32
    %sign3A_42 = arith.extui %sign3A_41 : i1 to i32
    %sign3A_43 = arith.subi %sign3A_39, %sign3A_42 : i32
    %sign3A_44 = arith.constant 0 : i32
    %sign3A_45 = arith.cmpi sgt, %jit3A_35, %sign3A_44 : i32
    %sign3A_46 = arith.extui %sign3A_45 : i1 to i32
    %sign3A_47 = arith.constant 0 : i32
    %sign3A_48 = arith.cmpi slt, %jit3A_35, %sign3A_47 : i32
    %sign3A_49 = arith.extui %sign3A_48 : i1 to i32
    %sign3A_50 = arith.subi %sign3A_46, %sign3A_49 : i32
    %ne3A_51 = arith.cmpi ne, %sign3A_43, %sign3A_50 : i32
    %rem3A_52 = arith.remsi %select_n3A_34, %jit3A_35 : i32
    %ne3A_53 = arith.constant 0 : i32
    %ne3A_54 = arith.cmpi ne, %rem3A_52, %ne3A_53 : i32
    %and3A_55 = arith.andi %ne3A_51, %ne3A_54 : i1
    %sub3A_56 = arith.constant 1 : i32
    %sub3A_57 = arith.subi %div3A_36, %sub3A_56 : i32
    %select_n3A_58 = arith.select %and3A_55, %sub3A_57, %div3A_36 : i32
    %multiple_of3A = tpu.assume_multiple %select_n3A_58, 256 : i32
    %mul3A_59 = arith.constant 16384 : i32
    %mul3A_60 = arith.muli %select_n3A, %mul3A_59 : i32
    %add3A_61 = arith.addi %mul3A_60, %multiple_of3A : i32
    %dma_start3A = arith.constant 0 : i32
    %dma_start3A_62 = arith.constant 0 : i32
    %dma_start3A_63 = arith.constant 0 : i32
    %dma_start3A_64 = tpu.memref_slice %arg5[%dma_start3A, %dma_start3A_62, %dma_start3A_63] : memref<3x2x256xi32, #tpu.memory_space<vmem>> -> memref<1x1x256xi32, #tpu.memory_space<vmem>>
    %dma_start3A_65 = tpu.memref_squeeze %dma_start3A_64 : memref<1x1x256xi32, #tpu.memory_space<vmem>> -> memref<256xi32, #tpu.memory_space<vmem>>
    %dma_start3A_66 = tpu.memref_slice %arg3[%add3A_61] : memref<98304xi32, #tpu.memory_space<hbm>> -> memref<256xi32, #tpu.memory_space<hbm>>
    %dma_start3A_67 = arith.constant 0 : i32
    %dma_start3A_68 = tpu.memref_slice %arg5[%dma_start3A, %dma_start3A_62, %dma_start3A_67] : memref<3x2x256xi32, #tpu.memory_space<vmem>> -> memref<1x1x256xi32, #tpu.memory_space<vmem>>
    %dma_start3A_69 = tpu.memref_squeeze %dma_start3A_68 : memref<1x1x256xi32, #tpu.memory_space<vmem>> -> memref<256xi32, #tpu.memory_space<vmem>>
    %dma_start3A_70 = tpu.memref_slice %arg3[%add3A_61] : memref<98304xi32, #tpu.memory_space<hbm>> -> memref<256xi32, #tpu.memory_space<hbm>>
    tpu.enqueue_dma source(%dma_start3A_70 : memref<256xi32, #tpu.memory_space<hbm>>) target(%dma_start3A_69 : memref<256xi32, #tpu.memory_space<vmem>>) target_semaphore(%arg8 : memref<!tpu.dma_semaphore, #tpu.memory_space<semaphore_mem>>)
    %add3A_71 = arith.constant 3 : i32
    %add3A_72 = arith.addi %add3A_71, %select_n3A : i32
    %mul3A_73 = arith.constant 16384 : i32
    %mul3A_74 = arith.muli %add3A_72, %mul3A_73 : i32
    %add3A_75 = arith.addi %mul3A_74, %multiple_of3A : i32
    %dma_start3A_76 = arith.constant 0 : i32
    %dma_start3A_77 = arith.constant 1 : i32
    %dma_start3A_78 = arith.constant 0 : i32
    %dma_start3A_79 = tpu.memref_slice %arg5[%dma_start3A_76, %dma_start3A_77, %dma_start3A_78] : memref<3x2x256xi32, #tpu.memory_space<vmem>> -> memref<1x1x256xi32, #tpu.memory_space<vmem>>
    %dma_start3A_80 = tpu.memref_squeeze %dma_start3A_79 : memref<1x1x256xi32, #tpu.memory_space<vmem>> -> memref<256xi32, #tpu.memory_space<vmem>>
    %dma_start3A_81 = tpu.memref_slice %arg3[%add3A_75] : memref<98304xi32, #tpu.memory_space<hbm>> -> memref<256xi32, #tpu.memory_space<hbm>>
    %dma_start3A_82 = arith.constant 0 : i32
    %dma_start3A_83 = tpu.memref_slice %arg5[%dma_start3A_76, %dma_start3A_77, %dma_start3A_82] : memref<3x2x256xi32, #tpu.memory_space<vmem>> -> memref<1x1x256xi32, #tpu.memory_space<vmem>>
    %dma_start3A_84 = tpu.memref_squeeze %dma_start3A_83 : memref<1x1x256xi32, #tpu.memory_space<vmem>> -> memref<256xi32, #tpu.memory_space<vmem>>
    %dma_start3A_85 = tpu.memref_slice %arg3[%add3A_75] : memref<98304xi32, #tpu.memory_space<hbm>> -> memref<256xi32, #tpu.memory_space<hbm>>
    tpu.enqueue_dma source(%dma_start3A_85 : memref<256xi32, #tpu.memory_space<hbm>>) target(%dma_start3A_84 : memref<256xi32, #tpu.memory_space<vmem>>) target_semaphore(%arg8 : memref<!tpu.dma_semaphore, #tpu.memory_space<semaphore_mem>>)
    %add3A_86 = arith.constant 512 : i32
    %add3A_87 = arith.addi %mul3A_2, %add3A_86 : i32
    %jit3A_88 = arith.constant 32768 : i32
    %div3A_89 = arith.divsi %add3A_87, %jit3A_88 : i32
    %sign3A_90 = arith.constant 0 : i32
    %sign3A_91 = arith.cmpi sgt, %add3A_87, %sign3A_90 : i32
    %sign3A_92 = arith.extui %sign3A_91 : i1 to i32
    %sign3A_93 = arith.constant 0 : i32
    %sign3A_94 = arith.cmpi slt, %add3A_87, %sign3A_93 : i32
    %sign3A_95 = arith.extui %sign3A_94 : i1 to i32
    %sign3A_96 = arith.subi %sign3A_92, %sign3A_95 : i32
    %sign3A_97 = arith.constant 0 : i32
    %sign3A_98 = arith.cmpi sgt, %jit3A_88, %sign3A_97 : i32
    %sign3A_99 = arith.extui %sign3A_98 : i1 to i32
    %sign3A_100 = arith.constant 0 : i32
    %sign3A_101 = arith.cmpi slt, %jit3A_88, %sign3A_100 : i32
    %sign3A_102 = arith.extui %sign3A_101 : i1 to i32
    %sign3A_103 = arith.subi %sign3A_99, %sign3A_102 : i32
    %ne3A_104 = arith.cmpi ne, %sign3A_96, %sign3A_103 : i32
    %rem3A_105 = arith.remsi %add3A_87, %jit3A_88 : i32
    %ne3A_106 = arith.constant 0 : i32
    %ne3A_107 = arith.cmpi ne, %rem3A_105, %ne3A_106 : i32
    %and3A_108 = arith.andi %ne3A_104, %ne3A_107 : i1
    %sub3A_109 = arith.constant 1 : i32
    %sub3A_110 = arith.subi %div3A_89, %sub3A_109 : i32
    %select_n3A_111 = arith.select %and3A_108, %sub3A_110, %div3A_89 : i32
    %jit3A_112 = arith.constant 32768 : i32
    %eq3A_113 = arith.constant 0 : i32
    %eq3A_114 = arith.cmpi eq, %jit3A_112, %eq3A_113 : i32
    %jit3A_115 = arith.constant 1 : i32
    %select_n3A_116 = arith.select %eq3A_114, %jit3A_115, %jit3A_112 : i32
    %rem3A_117 = arith.remsi %add3A_87, %select_n3A_116 : i32
    %ne3A_118 = arith.constant 0 : i32
    %ne3A_119 = arith.cmpi ne, %rem3A_117, %ne3A_118 : i32
    %lt3A_120 = arith.constant 0 : i32
    %lt3A_121 = arith.cmpi slt, %rem3A_117, %lt3A_120 : i32
    %lt3A_122 = arith.constant 0 : i32
    %lt3A_123 = arith.cmpi slt, %select_n3A_116, %lt3A_122 : i32
    %ne3A_124 = arith.xori %lt3A_121, %lt3A_123 : i1
    %and3A_125 = arith.andi %ne3A_124, %ne3A_119 : i1
    %add3A_126 = arith.addi %rem3A_117, %select_n3A_116 : i32
    %select_n3A_127 = arith.select %and3A_125, %add3A_126, %rem3A_117 : i32
    %jit3A_128 = arith.constant 2 : i32
    %div3A_129 = arith.divsi %select_n3A_127, %jit3A_128 : i32
    %sign3A_130 = arith.constant 0 : i32
    %sign3A_131 = arith.cmpi sgt, %select_n3A_127, %sign3A_130 : i32
    %sign3A_132 = arith.extui %sign3A_131 : i1 to i32
    %sign3A_133 = arith.constant 0 : i32
    %sign3A_134 = arith.cmpi slt, %select_n3A_127, %sign3A_133 : i32
    %sign3A_135 = arith.extui %sign3A_134 : i1 to i32
    %sign3A_136 = arith.subi %sign3A_132, %sign3A_135 : i32
    %sign3A_137 = arith.constant 0 : i32
    %sign3A_138 = arith.cmpi sgt, %jit3A_128, %sign3A_137 : i32
    %sign3A_139 = arith.extui %sign3A_138 : i1 to i32
    %sign3A_140 = arith.constant 0 : i32
    %sign3A_141 = arith.cmpi slt, %jit3A_128, %sign3A_140 : i32
    %sign3A_142 = arith.extui %sign3A_141 : i1 to i32
    %sign3A_143 = arith.subi %sign3A_139, %sign3A_142 : i32
    %ne3A_144 = arith.cmpi ne, %sign3A_136, %sign3A_143 : i32
    %rem3A_145 = arith.remsi %select_n3A_127, %jit3A_128 : i32
    %ne3A_146 = arith.constant 0 : i32
    %ne3A_147 = arith.cmpi ne, %rem3A_145, %ne3A_146 : i32
    %and3A_148 = arith.andi %ne3A_144, %ne3A_147 : i1
    %sub3A_149 = arith.constant 1 : i32
    %sub3A_150 = arith.subi %div3A_129, %sub3A_149 : i32
    %select_n3A_151 = arith.select %and3A_148, %sub3A_150, %div3A_129 : i32
    %multiple_of3A_152 = tpu.assume_multiple %select_n3A_151, 256 : i32
    %mul3A_153 = arith.constant 16384 : i32
    %mul3A_154 = arith.muli %select_n3A_111, %mul3A_153 : i32
    %add3A_155 = arith.addi %mul3A_154, %multiple_of3A_152 : i32
    %dma_start3A_156 = arith.constant 1 : i32
    %dma_start3A_157 = arith.constant 0 : i32
    %dma_start3A_158 = arith.constant 0 : i32
    %dma_start3A_159 = tpu.memref_slice %arg5[%dma_start3A_156, %dma_start3A_157, %dma_start3A_158] : memref<3x2x256xi32, #tpu.memory_space<vmem>> -> memref<1x1x256xi32, #tpu.memory_space<vmem>>
    %dma_start3A_160 = tpu.memref_squeeze %dma_start3A_159 : memref<1x1x256xi32, #tpu.memory_space<vmem>> -> memref<256xi32, #tpu.memory_space<vmem>>
    %dma_start3A_161 = tpu.memref_slice %arg3[%add3A_155] : memref<98304xi32, #tpu.memory_space<hbm>> -> memref<256xi32, #tpu.memory_space<hbm>>
    %dma_start3A_162 = arith.constant 0 : i32
    %dma_start3A_163 = tpu.memref_slice %arg5[%dma_start3A_156, %dma_start3A_157, %dma_start3A_162] : memref<3x2x256xi32, #tpu.memory_space<vmem>> -> memref<1x1x256xi32, #tpu.memory_space<vmem>>
    %dma_start3A_164 = tpu.memref_squeeze %dma_start3A_163 : memref<1x1x256xi32, #tpu.memory_space<vmem>> -> memref<256xi32, #tpu.memory_space<vmem>>
    %dma_start3A_165 = tpu.memref_slice %arg3[%add3A_155] : memref<98304xi32, #tpu.memory_space<hbm>> -> memref<256xi32, #tpu.memory_space<hbm>>
    tpu.enqueue_dma source(%dma_start3A_165 : memref<256xi32, #tpu.memory_space<hbm>>) target(%dma_start3A_164 : memref<256xi32, #tpu.memory_space<vmem>>) target_semaphore(%arg9 : memref<!tpu.dma_semaphore, #tpu.memory_space<semaphore_mem>>)
    %add3A_166 = arith.constant 3 : i32
    %add3A_167 = arith.addi %add3A_166, %select_n3A_111 : i32
    %mul3A_168 = arith.constant 16384 : i32
    %mul3A_169 = arith.muli %add3A_167, %mul3A_168 : i32
    %add3A_170 = arith.addi %mul3A_169, %multiple_of3A_152 : i32
    %dma_start3A_171 = arith.constant 1 : i32
    %dma_start3A_172 = arith.constant 1 : i32
    %dma_start3A_173 = arith.constant 0 : i32
    %dma_start3A_174 = tpu.memref_slice %arg5[%dma_start3A_171, %dma_start3A_172, %dma_start3A_173] : memref<3x2x256xi32, #tpu.memory_space<vmem>> -> memref<1x1x256xi32, #tpu.memory_space<vmem>>
    %dma_start3A_175 = tpu.memref_squeeze %dma_start3A_174 : memref<1x1x256xi32, #tpu.memory_space<vmem>> -> memref<256xi32, #tpu.memory_space<vmem>>
    %dma_start3A_176 = tpu.memref_slice %arg3[%add3A_170] : memref<98304xi32, #tpu.memory_space<hbm>> -> memref<256xi32, #tpu.memory_space<hbm>>
    %dma_start3A_177 = arith.constant 0 : i32
    %dma_start3A_178 = tpu.memref_slice %arg5[%dma_start3A_171, %dma_start3A_172, %dma_start3A_177] : memref<3x2x256xi32, #tpu.memory_space<vmem>> -> memref<1x1x256xi32, #tpu.memory_space<vmem>>
    %dma_start3A_179 = tpu.memref_squeeze %dma_start3A_178 : memref<1x1x256xi32, #tpu.memory_space<vmem>> -> memref<256xi32, #tpu.memory_space<vmem>>
    %dma_start3A_180 = tpu.memref_slice %arg3[%add3A_170] : memref<98304xi32, #tpu.memory_space<hbm>> -> memref<256xi32, #tpu.memory_space<hbm>>
    tpu.enqueue_dma source(%dma_start3A_180 : memref<256xi32, #tpu.memory_space<hbm>>) target(%dma_start3A_179 : memref<256xi32, #tpu.memory_space<vmem>>) target_semaphore(%arg9 : memref<!tpu.dma_semaphore, #tpu.memory_space<semaphore_mem>>)
    %dma_wait3A = arith.constant 0 : i32
    %dma_wait3A_181 = arith.constant 0 : i32
    %dma_wait3A_182 = arith.constant 0 : i32
    %dma_wait3A_183 = tpu.memref_slice %arg5[%dma_wait3A, %dma_wait3A_181, %dma_wait3A_182] : memref<3x2x256xi32, #tpu.memory_space<vmem>> -> memref<1x1x256xi32, #tpu.memory_space<vmem>>
    %dma_wait3A_184 = tpu.memref_squeeze %dma_wait3A_183 : memref<1x1x256xi32, #tpu.memory_space<vmem>> -> memref<256xi32, #tpu.memory_space<vmem>>
    %dma_wait3A_185 = tpu.memref_slice %arg3[%add3A_61] : memref<98304xi32, #tpu.memory_space<hbm>> -> memref<256xi32, #tpu.memory_space<hbm>>
    %dma_wait3A_186 = arith.constant 0 : i32
    %dma_wait3A_187 = tpu.memref_slice %arg5[%dma_wait3A, %dma_wait3A_181, %dma_wait3A_186] : memref<3x2x256xi32, #tpu.memory_space<vmem>> -> memref<1x1x256xi32, #tpu.memory_space<vmem>>
    %dma_wait3A_188 = tpu.memref_squeeze %dma_wait3A_187 : memref<1x1x256xi32, #tpu.memory_space<vmem>> -> memref<256xi32, #tpu.memory_space<vmem>>
    %dma_wait3A_189 = tpu.memref_slice %arg3[%add3A_61] : memref<98304xi32, #tpu.memory_space<hbm>> -> memref<256xi32, #tpu.memory_space<hbm>>
    tpu.wait_dma2 semaphore(%arg8 : memref<!tpu.dma_semaphore, #tpu.memory_space<semaphore_mem>>) src(%dma_wait3A_189 : memref<256xi32, #tpu.memory_space<hbm>>) dst(%dma_wait3A_188 : memref<256xi32, #tpu.memory_space<vmem>>)
    %dma_wait3A_190 = arith.constant 0 : i32
    %dma_wait3A_191 = arith.constant 1 : i32
    %dma_wait3A_192 = arith.constant 0 : i32
    %dma_wait3A_193 = tpu.memref_slice %arg5[%dma_wait3A_190, %dma_wait3A_191, %dma_wait3A_192] : memref<3x2x256xi32, #tpu.memory_space<vmem>> -> memref<1x1x256xi32, #tpu.memory_space<vmem>>
    %dma_wait3A_194 = tpu.memref_squeeze %dma_wait3A_193 : memref<1x1x256xi32, #tpu.memory_space<vmem>> -> memref<256xi32, #tpu.memory_space<vmem>>
    %dma_wait3A_195 = tpu.memref_slice %arg3[%add3A_75] : memref<98304xi32, #tpu.memory_space<hbm>> -> memref<256xi32, #tpu.memory_space<hbm>>
    %dma_wait3A_196 = arith.constant 0 : i32
    %dma_wait3A_197 = tpu.memref_slice %arg5[%dma_wait3A_190, %dma_wait3A_191, %dma_wait3A_196] : memref<3x2x256xi32, #tpu.memory_space<vmem>> -> memref<1x1x256xi32, #tpu.memory_space<vmem>>
    %dma_wait3A_198 = tpu.memref_squeeze %dma_wait3A_197 : memref<1x1x256xi32, #tpu.memory_space<vmem>> -> memref<256xi32, #tpu.memory_space<vmem>>
    %dma_wait3A_199 = tpu.memref_slice %arg3[%add3A_75] : memref<98304xi32, #tpu.memory_space<hbm>> -> memref<256xi32, #tpu.memory_space<hbm>>
    tpu.wait_dma2 semaphore(%arg8 : memref<!tpu.dma_semaphore, #tpu.memory_space<semaphore_mem>>) src(%dma_wait3A_199 : memref<256xi32, #tpu.memory_space<hbm>>) dst(%dma_wait3A_198 : memref<256xi32, #tpu.memory_space<vmem>>)
    %dma_start3A_200 = arith.constant 0 : i32
    %dma_start3A_201 = arith.constant 0 : i32
    %dma_start3A_202 = arith.constant 0 : i32
    %dma_start3A_203 = arith.constant 0 : i32
    %dma_start3A_204 = arith.constant 0 : i32
    %dma_start3A_205 = tpu.memref_slice %arg6[%dma_start3A_202, %dma_start3A_203, %dma_start3A_204] : memref<3x256x64xf32, #tpu.memory_space<vmem>> -> memref<1x256x64xf32, #tpu.memory_space<vmem>>
    %dma_start3A_206 = tpu.memref_squeeze %dma_start3A_205 : memref<1x256x64xf32, #tpu.memory_space<vmem>> -> memref<256x64xf32, #tpu.memory_space<vmem>>
    %dma_start3A_207 = arith.constant 0 : i32
    %dma_start3A_208 = tpu.memref_slice %arg5[%dma_start3A_200, %dma_start3A_201, %dma_start3A_207] : memref<3x2x256xi32, #tpu.memory_space<vmem>> -> memref<1x1x256xi32, #tpu.memory_space<vmem>>
    %dma_start3A_209 = tpu.memref_squeeze %dma_start3A_208 : memref<1x1x256xi32, #tpu.memory_space<vmem>> -> memref<256xi32, #tpu.memory_space<vmem>>
    %dma_start3A_210 = arith.constant 0 : i32
    %dma_start3A_211 = arith.constant 0 : i32
    %dma_start3A_212 = tpu.memref_slice %arg2[%dma_start3A_210, %dma_start3A_211] : memref<114688x64xf32, #tpu.memory_space<hbm>> -> memref<114688x64xf32, #tpu.memory_space<hbm>>
    tpu.enqueue_indirect_dma source(%dma_start3A_212 : memref<114688x64xf32, #tpu.memory_space<hbm>>) target(%dma_start3A_206 : memref<256x64xf32, #tpu.memory_space<vmem>>) offsets(%dma_start3A_209 : memref<256xi32, #tpu.memory_space<vmem>>) semaphore(%arg11 : memref<!tpu.dma_semaphore, #tpu.memory_space<semaphore_mem>>)
    %dma_start3A_213 = arith.constant 0 : i32
    %dma_start3A_214 = arith.constant 1 : i32
    %dma_start3A_215 = arith.constant 0 : i32
    %dma_start3A_216 = arith.constant 0 : i32
    %dma_start3A_217 = arith.constant 0 : i32
    %dma_start3A_218 = tpu.memref_slice %arg7[%dma_start3A_215, %dma_start3A_216, %dma_start3A_217] : memref<3x256x64xf32, #tpu.memory_space<vmem>> -> memref<1x256x64xf32, #tpu.memory_space<vmem>>
    %dma_start3A_219 = tpu.memref_squeeze %dma_start3A_218 : memref<1x256x64xf32, #tpu.memory_space<vmem>> -> memref<256x64xf32, #tpu.memory_space<vmem>>
    %dma_start3A_220 = arith.constant 0 : i32
    %dma_start3A_221 = tpu.memref_slice %arg5[%dma_start3A_213, %dma_start3A_214, %dma_start3A_220] : memref<3x2x256xi32, #tpu.memory_space<vmem>> -> memref<1x1x256xi32, #tpu.memory_space<vmem>>
    %dma_start3A_222 = tpu.memref_squeeze %dma_start3A_221 : memref<1x1x256xi32, #tpu.memory_space<vmem>> -> memref<256xi32, #tpu.memory_space<vmem>>
    %dma_start3A_223 = arith.constant 0 : i32
    %dma_start3A_224 = arith.constant 0 : i32
    %dma_start3A_225 = tpu.memref_slice %arg2[%dma_start3A_223, %dma_start3A_224] : memref<114688x64xf32, #tpu.memory_space<hbm>> -> memref<114688x64xf32, #tpu.memory_space<hbm>>
    tpu.enqueue_indirect_dma source(%dma_start3A_225 : memref<114688x64xf32, #tpu.memory_space<hbm>>) target(%dma_start3A_219 : memref<256x64xf32, #tpu.memory_space<vmem>>) offsets(%dma_start3A_222 : memref<256xi32, #tpu.memory_space<vmem>>) semaphore(%arg11 : memref<!tpu.dma_semaphore, #tpu.memory_space<semaphore_mem>>)
    %add3A_226 = arith.constant 1024 : i32
    %add3A_227 = arith.addi %mul3A_2, %add3A_226 : i32
    %jit3A_228 = arith.constant 32768 : i32
    %div3A_229 = arith.divsi %add3A_227, %jit3A_228 : i32
    %sign3A_230 = arith.constant 0 : i32
    %sign3A_231 = arith.cmpi sgt, %add3A_227, %sign3A_230 : i32
    %sign3A_232 = arith.extui %sign3A_231 : i1 to i32
    %sign3A_233 = arith.constant 0 : i32
    %sign3A_234 = arith.cmpi slt, %add3A_227, %sign3A_233 : i32
    %sign3A_235 = arith.extui %sign3A_234 : i1 to i32
    %sign3A_236 = arith.subi %sign3A_232, %sign3A_235 : i32
    %sign3A_237 = arith.constant 0 : i32
    %sign3A_238 = arith.cmpi sgt, %jit3A_228, %sign3A_237 : i32
    %sign3A_239 = arith.extui %sign3A_238 : i1 to i32
    %sign3A_240 = arith.constant 0 : i32
    %sign3A_241 = arith.cmpi slt, %jit3A_228, %sign3A_240 : i32
    %sign3A_242 = arith.extui %sign3A_241 : i1 to i32
    %sign3A_243 = arith.subi %sign3A_239, %sign3A_242 : i32
    %ne3A_244 = arith.cmpi ne, %sign3A_236, %sign3A_243 : i32
    %rem3A_245 = arith.remsi %add3A_227, %jit3A_228 : i32
    %ne3A_246 = arith.constant 0 : i32
    %ne3A_247 = arith.cmpi ne, %rem3A_245, %ne3A_246 : i32
    %and3A_248 = arith.andi %ne3A_244, %ne3A_247 : i1
    %sub3A_249 = arith.constant 1 : i32
    %sub3A_250 = arith.subi %div3A_229, %sub3A_249 : i32
    %select_n3A_251 = arith.select %and3A_248, %sub3A_250, %div3A_229 : i32
    %jit3A_252 = arith.constant 32768 : i32
    %eq3A_253 = arith.constant 0 : i32
    %eq3A_254 = arith.cmpi eq, %jit3A_252, %eq3A_253 : i32
    %jit3A_255 = arith.constant 1 : i32
    %select_n3A_256 = arith.select %eq3A_254, %jit3A_255, %jit3A_252 : i32
    %rem3A_257 = arith.remsi %add3A_227, %select_n3A_256 : i32
    %ne3A_258 = arith.constant 0 : i32
    %ne3A_259 = arith.cmpi ne, %rem3A_257, %ne3A_258 : i32
    %lt3A_260 = arith.constant 0 : i32
    %lt3A_261 = arith.cmpi slt, %rem3A_257, %lt3A_260 : i32
    %lt3A_262 = arith.constant 0 : i32
    %lt3A_263 = arith.cmpi slt, %select_n3A_256, %lt3A_262 : i32
    %ne3A_264 = arith.xori %lt3A_261, %lt3A_263 : i1
    %and3A_265 = arith.andi %ne3A_264, %ne3A_259 : i1
    %add3A_266 = arith.addi %rem3A_257, %select_n3A_256 : i32
    %select_n3A_267 = arith.select %and3A_265, %add3A_266, %rem3A_257 : i32
    %jit3A_268 = arith.constant 2 : i32
    %div3A_269 = arith.divsi %select_n3A_267, %jit3A_268 : i32
    %sign3A_270 = arith.constant 0 : i32
    %sign3A_271 = arith.cmpi sgt, %select_n3A_267, %sign3A_270 : i32
    %sign3A_272 = arith.extui %sign3A_271 : i1 to i32
    %sign3A_273 = arith.constant 0 : i32
    %sign3A_274 = arith.cmpi slt, %select_n3A_267, %sign3A_273 : i32
    %sign3A_275 = arith.extui %sign3A_274 : i1 to i32
    %sign3A_276 = arith.subi %sign3A_272, %sign3A_275 : i32
    %sign3A_277 = arith.constant 0 : i32
    %sign3A_278 = arith.cmpi sgt, %jit3A_268, %sign3A_277 : i32
    %sign3A_279 = arith.extui %sign3A_278 : i1 to i32
    %sign3A_280 = arith.constant 0 : i32
    %sign3A_281 = arith.cmpi slt, %jit3A_268, %sign3A_280 : i32
    %sign3A_282 = arith.extui %sign3A_281 : i1 to i32
    %sign3A_283 = arith.subi %sign3A_279, %sign3A_282 : i32
    %ne3A_284 = arith.cmpi ne, %sign3A_276, %sign3A_283 : i32
    %rem3A_285 = arith.remsi %select_n3A_267, %jit3A_268 : i32
    %ne3A_286 = arith.constant 0 : i32
    %ne3A_287 = arith.cmpi ne, %rem3A_285, %ne3A_286 : i32
    %and3A_288 = arith.andi %ne3A_284, %ne3A_287 : i1
    %sub3A_289 = arith.constant 1 : i32
    %sub3A_290 = arith.subi %div3A_269, %sub3A_289 : i32
    %select_n3A_291 = arith.select %and3A_288, %sub3A_290, %div3A_269 : i32
    %multiple_of3A_292 = tpu.assume_multiple %select_n3A_291, 256 : i32
    %mul3A_293 = arith.constant 16384 : i32
    %mul3A_294 = arith.muli %select_n3A_251, %mul3A_293 : i32
    %add3A_295 = arith.addi %mul3A_294, %multiple_of3A_292 : i32
    %dma_start3A_296 = arith.constant 2 : i32
    %dma_start3A_297 = arith.constant 0 : i32
    %dma_start3A_298 = arith.constant 0 : i32
    %dma_start3A_299 = tpu.memref_slice %arg5[%dma_start3A_296, %dma_start3A_297, %dma_start3A_298] : memref<3x2x256xi32, #tpu.memory_space<vmem>> -> memref<1x1x256xi32, #tpu.memory_space<vmem>>
    %dma_start3A_300 = tpu.memref_squeeze %dma_start3A_299 : memref<1x1x256xi32, #tpu.memory_space<vmem>> -> memref<256xi32, #tpu.memory_space<vmem>>
    %dma_start3A_301 = tpu.memref_slice %arg3[%add3A_295] : memref<98304xi32, #tpu.memory_space<hbm>> -> memref<256xi32, #tpu.memory_space<hbm>>
    %dma_start3A_302 = arith.constant 0 : i32
    %dma_start3A_303 = tpu.memref_slice %arg5[%dma_start3A_296, %dma_start3A_297, %dma_start3A_302] : memref<3x2x256xi32, #tpu.memory_space<vmem>> -> memref<1x1x256xi32, #tpu.memory_space<vmem>>
    %dma_start3A_304 = tpu.memref_squeeze %dma_start3A_303 : memref<1x1x256xi32, #tpu.memory_space<vmem>> -> memref<256xi32, #tpu.memory_space<vmem>>
    %dma_start3A_305 = tpu.memref_slice %arg3[%add3A_295] : memref<98304xi32, #tpu.memory_space<hbm>> -> memref<256xi32, #tpu.memory_space<hbm>>
    tpu.enqueue_dma source(%dma_start3A_305 : memref<256xi32, #tpu.memory_space<hbm>>) target(%dma_start3A_304 : memref<256xi32, #tpu.memory_space<vmem>>) target_semaphore(%arg10 : memref<!tpu.dma_semaphore, #tpu.memory_space<semaphore_mem>>)
    %add3A_306 = arith.constant 3 : i32
    %add3A_307 = arith.addi %add3A_306, %select_n3A_251 : i32
    %mul3A_308 = arith.constant 16384 : i32
    %mul3A_309 = arith.muli %add3A_307, %mul3A_308 : i32
    %add3A_310 = arith.addi %mul3A_309, %multiple_of3A_292 : i32
    %dma_start3A_311 = arith.constant 2 : i32
    %dma_start3A_312 = arith.constant 1 : i32
    %dma_start3A_313 = arith.constant 0 : i32
    %dma_start3A_314 = tpu.memref_slice %arg5[%dma_start3A_311, %dma_start3A_312, %dma_start3A_313] : memref<3x2x256xi32, #tpu.memory_space<vmem>> -> memref<1x1x256xi32, #tpu.memory_space<vmem>>
    %dma_start3A_315 = tpu.memref_squeeze %dma_start3A_314 : memref<1x1x256xi32, #tpu.memory_space<vmem>> -> memref<256xi32, #tpu.memory_space<vmem>>
    %dma_start3A_316 = tpu.memref_slice %arg3[%add3A_310] : memref<98304xi32, #tpu.memory_space<hbm>> -> memref<256xi32, #tpu.memory_space<hbm>>
    %dma_start3A_317 = arith.constant 0 : i32
    %dma_start3A_318 = tpu.memref_slice %arg5[%dma_start3A_311, %dma_start3A_312, %dma_start3A_317] : memref<3x2x256xi32, #tpu.memory_space<vmem>> -> memref<1x1x256xi32, #tpu.memory_space<vmem>>
    %dma_start3A_319 = tpu.memref_squeeze %dma_start3A_318 : memref<1x1x256xi32, #tpu.memory_space<vmem>> -> memref<256xi32, #tpu.memory_space<vmem>>
    %dma_start3A_320 = tpu.memref_slice %arg3[%add3A_310] : memref<98304xi32, #tpu.memory_space<hbm>> -> memref<256xi32, #tpu.memory_space<hbm>>
    tpu.enqueue_dma source(%dma_start3A_320 : memref<256xi32, #tpu.memory_space<hbm>>) target(%dma_start3A_319 : memref<256xi32, #tpu.memory_space<vmem>>) target_semaphore(%arg10 : memref<!tpu.dma_semaphore, #tpu.memory_space<semaphore_mem>>)
    %dma_wait3A_321 = arith.constant 0 : i32
    %dma_wait3A_322 = arith.constant 0 : i32
    %dma_wait3A_323 = arith.constant 0 : i32
    %dma_wait3A_324 = arith.constant 0 : i32
    %dma_wait3A_325 = arith.constant 0 : i32
    %dma_wait3A_326 = tpu.memref_slice %arg6[%dma_wait3A_323, %dma_wait3A_324, %dma_wait3A_325] : memref<3x256x64xf32, #tpu.memory_space<vmem>> -> memref<1x256x64xf32, #tpu.memory_space<vmem>>
    %dma_wait3A_327 = tpu.memref_squeeze %dma_wait3A_326 : memref<1x256x64xf32, #tpu.memory_space<vmem>> -> memref<256x64xf32, #tpu.memory_space<vmem>>
    %dma_wait3A_328 = arith.constant 0 : i32
    %dma_wait3A_329 = tpu.memref_slice %arg5[%dma_wait3A_321, %dma_wait3A_322, %dma_wait3A_328] : memref<3x2x256xi32, #tpu.memory_space<vmem>> -> memref<1x1x256xi32, #tpu.memory_space<vmem>>
    %dma_wait3A_330 = tpu.memref_squeeze %dma_wait3A_329 : memref<1x1x256xi32, #tpu.memory_space<vmem>> -> memref<256xi32, #tpu.memory_space<vmem>>
    %dma_wait3A_331 = arith.constant 0 : i32
    %dma_wait3A_332 = arith.constant 0 : i32
    %dma_wait3A_333 = tpu.memref_slice %arg2[%dma_wait3A_331, %dma_wait3A_332] : memref<114688x64xf32, #tpu.memory_space<hbm>> -> memref<114688x64xf32, #tpu.memory_space<hbm>>
    tpu.wait_indirect_dma semaphore(%arg11 : memref<!tpu.dma_semaphore, #tpu.memory_space<semaphore_mem>>) src(%dma_wait3A_333 : memref<114688x64xf32, #tpu.memory_space<hbm>>) dst(%dma_wait3A_327 : memref<256x64xf32, #tpu.memory_space<vmem>>)
    %dma_wait3A_334 = arith.constant 0 : i32
    %dma_wait3A_335 = arith.constant 1 : i32
    %dma_wait3A_336 = arith.constant 0 : i32
    %dma_wait3A_337 = arith.constant 0 : i32
    %dma_wait3A_338 = arith.constant 0 : i32
    %dma_wait3A_339 = tpu.memref_slice %arg7[%dma_wait3A_336, %dma_wait3A_337, %dma_wait3A_338] : memref<3x256x64xf32, #tpu.memory_space<vmem>> -> memref<1x256x64xf32, #tpu.memory_space<vmem>>
    %dma_wait3A_340 = tpu.memref_squeeze %dma_wait3A_339 : memref<1x256x64xf32, #tpu.memory_space<vmem>> -> memref<256x64xf32, #tpu.memory_space<vmem>>
    %dma_wait3A_341 = arith.constant 0 : i32
    %dma_wait3A_342 = tpu.memref_slice %arg5[%dma_wait3A_334, %dma_wait3A_335, %dma_wait3A_341] : memref<3x2x256xi32, #tpu.memory_space<vmem>> -> memref<1x1x256xi32, #tpu.memory_space<vmem>>
    %dma_wait3A_343 = tpu.memref_squeeze %dma_wait3A_342 : memref<1x1x256xi32, #tpu.memory_space<vmem>> -> memref<256xi32, #tpu.memory_space<vmem>>
    %dma_wait3A_344 = arith.constant 0 : i32
    %dma_wait3A_345 = arith.constant 0 : i32
    %dma_wait3A_346 = tpu.memref_slice %arg2[%dma_wait3A_344, %dma_wait3A_345] : memref<114688x64xf32, #tpu.memory_space<hbm>> -> memref<114688x64xf32, #tpu.memory_space<hbm>>
    tpu.wait_indirect_dma semaphore(%arg11 : memref<!tpu.dma_semaphore, #tpu.memory_space<semaphore_mem>>) src(%dma_wait3A_346 : memref<114688x64xf32, #tpu.memory_space<hbm>>) dst(%dma_wait3A_340 : memref<256x64xf32, #tpu.memory_space<vmem>>)
    %add3A_347 = arith.constant 0 : i32
    %add3A_348 = arith.addi %mul3A_2, %add3A_347 : i32
    %jit3A_349 = arith.constant 2 : i32
    %div3A_350 = arith.divsi %add3A_348, %jit3A_349 : i32
    %sign3A_351 = arith.constant 0 : i32
    %sign3A_352 = arith.cmpi sgt, %add3A_348, %sign3A_351 : i32
    %sign3A_353 = arith.extui %sign3A_352 : i1 to i32
    %sign3A_354 = arith.constant 0 : i32
    %sign3A_355 = arith.cmpi slt, %add3A_348, %sign3A_354 : i32
    %sign3A_356 = arith.extui %sign3A_355 : i1 to i32
    %sign3A_357 = arith.subi %sign3A_353, %sign3A_356 : i32
    %sign3A_358 = arith.constant 0 : i32
    %sign3A_359 = arith.cmpi sgt, %jit3A_349, %sign3A_358 : i32
    %sign3A_360 = arith.extui %sign3A_359 : i1 to i32
    %sign3A_361 = arith.constant 0 : i32
    %sign3A_362 = arith.cmpi slt, %jit3A_349, %sign3A_361 : i32
    %sign3A_363 = arith.extui %sign3A_362 : i1 to i32
    %sign3A_364 = arith.subi %sign3A_360, %sign3A_363 : i32
    %ne3A_365 = arith.cmpi ne, %sign3A_357, %sign3A_364 : i32
    %rem3A_366 = arith.remsi %add3A_348, %jit3A_349 : i32
    %ne3A_367 = arith.constant 0 : i32
    %ne3A_368 = arith.cmpi ne, %rem3A_366, %ne3A_367 : i32
    %and3A_369 = arith.andi %ne3A_365, %ne3A_368 : i1
    %sub3A_370 = arith.constant 1 : i32
    %sub3A_371 = arith.subi %div3A_350, %sub3A_370 : i32
    %select_n3A_372 = arith.select %and3A_369, %sub3A_371, %div3A_350 : i32
    %dma_start3A_373 = arith.constant 0 : i32
    %dma_start3A_374 = arith.constant 0 : i32
    %dma_start3A_375 = arith.constant 0 : i32
    %dma_start3A_376 = arith.constant 0 : i32
    %dma_start3A_377 = tpu.memref_slice %arg6[%dma_start3A_373, %dma_start3A_375, %dma_start3A_376] : memref<3x256x64xf32, #tpu.memory_space<vmem>> -> memref<1x256x64xf32, #tpu.memory_space<vmem>>
    %dma_start3A_378 = tpu.memref_squeeze %dma_start3A_377 : memref<1x256x64xf32, #tpu.memory_space<vmem>> -> memref<256x64xf32, #tpu.memory_space<vmem>>
    %dma_start3A_379 = arith.constant 0 : i32
    %dma_start3A_380 = tpu.memref_slice %arg4[%select_n3A_372, %dma_start3A_374, %dma_start3A_379] : memref<49152x2x64xf32, #tpu.memory_space<hbm>> -> memref<256x1x64xf32, #tpu.memory_space<hbm>>
    %dma_start3A_381 = tpu.memref_squeeze %dma_start3A_380 : memref<256x1x64xf32, #tpu.memory_space<hbm>> -> memref<256x64xf32, #tpu.memory_space<hbm>>
    %dma_start3A_382 = arith.constant 0 : i32
    %dma_start3A_383 = tpu.memref_slice %arg4[%select_n3A_372, %dma_start3A_374, %dma_start3A_382] : memref<49152x2x64xf32, #tpu.memory_space<hbm>> -> memref<256x1x64xf32, #tpu.memory_space<hbm>>
    %dma_start3A_384 = tpu.memref_squeeze %dma_start3A_383 : memref<256x1x64xf32, #tpu.memory_space<hbm>> -> memref<256x64xf32, #tpu.memory_space<hbm>>
    %dma_start3A_385 = arith.constant 0 : i32
    %dma_start3A_386 = arith.constant 0 : i32
    %dma_start3A_387 = tpu.memref_slice %arg6[%dma_start3A_373, %dma_start3A_385, %dma_start3A_386] : memref<3x256x64xf32, #tpu.memory_space<vmem>> -> memref<1x256x64xf32, #tpu.memory_space<vmem>>
    %dma_start3A_388 = tpu.memref_squeeze %dma_start3A_387 : memref<1x256x64xf32, #tpu.memory_space<vmem>> -> memref<256x64xf32, #tpu.memory_space<vmem>>
    tpu.enqueue_dma source(%dma_start3A_388 : memref<256x64xf32, #tpu.memory_space<vmem>>) target(%dma_start3A_384 : memref<256x64xf32, #tpu.memory_space<hbm>>) target_semaphore(%arg14 : memref<!tpu.dma_semaphore, #tpu.memory_space<semaphore_mem>>)
    %dma_start3A_389 = arith.constant 0 : i32
    %dma_start3A_390 = arith.constant 1 : i32
    %dma_start3A_391 = arith.constant 0 : i32
    %dma_start3A_392 = arith.constant 0 : i32
    %dma_start3A_393 = tpu.memref_slice %arg7[%dma_start3A_389, %dma_start3A_391, %dma_start3A_392] : memref<3x256x64xf32, #tpu.memory_space<vmem>> -> memref<1x256x64xf32, #tpu.memory_space<vmem>>
    %dma_start3A_394 = tpu.memref_squeeze %dma_start3A_393 : memref<1x256x64xf32, #tpu.memory_space<vmem>> -> memref<256x64xf32, #tpu.memory_space<vmem>>
    %dma_start3A_395 = arith.constant 0 : i32
    %dma_start3A_396 = tpu.memref_slice %arg4[%select_n3A_372, %dma_start3A_390, %dma_start3A_395] : memref<49152x2x64xf32, #tpu.memory_space<hbm>> -> memref<256x1x64xf32, #tpu.memory_space<hbm>>
    %dma_start3A_397 = tpu.memref_squeeze %dma_start3A_396 : memref<256x1x64xf32, #tpu.memory_space<hbm>> -> memref<256x64xf32, #tpu.memory_space<hbm>>
    %dma_start3A_398 = arith.constant 0 : i32
    %dma_start3A_399 = tpu.memref_slice %arg4[%select_n3A_372, %dma_start3A_390, %dma_start3A_398] : memref<49152x2x64xf32, #tpu.memory_space<hbm>> -> memref<256x1x64xf32, #tpu.memory_space<hbm>>
    %dma_start3A_400 = tpu.memref_squeeze %dma_start3A_399 : memref<256x1x64xf32, #tpu.memory_space<hbm>> -> memref<256x64xf32, #tpu.memory_space<hbm>>
    %dma_start3A_401 = arith.constant 0 : i32
    %dma_start3A_402 = arith.constant 0 : i32
    %dma_start3A_403 = tpu.memref_slice %arg7[%dma_start3A_389, %dma_start3A_401, %dma_start3A_402] : memref<3x256x64xf32, #tpu.memory_space<vmem>> -> memref<1x256x64xf32, #tpu.memory_space<vmem>>
    %dma_start3A_404 = tpu.memref_squeeze %dma_start3A_403 : memref<1x256x64xf32, #tpu.memory_space<vmem>> -> memref<256x64xf32, #tpu.memory_space<vmem>>
    tpu.enqueue_dma source(%dma_start3A_404 : memref<256x64xf32, #tpu.memory_space<vmem>>) target(%dma_start3A_400 : memref<256x64xf32, #tpu.memory_space<hbm>>) target_semaphore(%arg14 : memref<!tpu.dma_semaphore, #tpu.memory_space<semaphore_mem>>)
    %dma_wait3A_405 = arith.constant 1 : i32
    %dma_wait3A_406 = arith.constant 0 : i32
    %dma_wait3A_407 = arith.constant 0 : i32
    %dma_wait3A_408 = tpu.memref_slice %arg5[%dma_wait3A_405, %dma_wait3A_406, %dma_wait3A_407] : memref<3x2x256xi32, #tpu.memory_space<vmem>> -> memref<1x1x256xi32, #tpu.memory_space<vmem>>
    %dma_wait3A_409 = tpu.memref_squeeze %dma_wait3A_408 : memref<1x1x256xi32, #tpu.memory_space<vmem>> -> memref<256xi32, #tpu.memory_space<vmem>>
    %dma_wait3A_410 = tpu.memref_slice %arg3[%add3A_155] : memref<98304xi32, #tpu.memory_space<hbm>> -> memref<256xi32, #tpu.memory_space<hbm>>
    %dma_wait3A_411 = arith.constant 0 : i32
    %dma_wait3A_412 = tpu.memref_slice %arg5[%dma_wait3A_405, %dma_wait3A_406, %dma_wait3A_411] : memref<3x2x256xi32, #tpu.memory_space<vmem>> -> memref<1x1x256xi32, #tpu.memory_space<vmem>>
    %dma_wait3A_413 = tpu.memref_squeeze %dma_wait3A_412 : memref<1x1x256xi32, #tpu.memory_space<vmem>> -> memref<256xi32, #tpu.memory_space<vmem>>
    %dma_wait3A_414 = tpu.memref_slice %arg3[%add3A_155] : memref<98304xi32, #tpu.memory_space<hbm>> -> memref<256xi32, #tpu.memory_space<hbm>>
    tpu.wait_dma2 semaphore(%arg9 : memref<!tpu.dma_semaphore, #tpu.memory_space<semaphore_mem>>) src(%dma_wait3A_414 : memref<256xi32, #tpu.memory_space<hbm>>) dst(%dma_wait3A_413 : memref<256xi32, #tpu.memory_space<vmem>>)
    %dma_wait3A_415 = arith.constant 1 : i32
    %dma_wait3A_416 = arith.constant 1 : i32
    %dma_wait3A_417 = arith.constant 0 : i32
    %dma_wait3A_418 = tpu.memref_slice %arg5[%dma_wait3A_415, %dma_wait3A_416, %dma_wait3A_417] : memref<3x2x256xi32, #tpu.memory_space<vmem>> -> memref<1x1x256xi32, #tpu.memory_space<vmem>>
    %dma_wait3A_419 = tpu.memref_squeeze %dma_wait3A_418 : memref<1x1x256xi32, #tpu.memory_space<vmem>> -> memref<256xi32, #tpu.memory_space<vmem>>
    %dma_wait3A_420 = tpu.memref_slice %arg3[%add3A_170] : memref<98304xi32, #tpu.memory_space<hbm>> -> memref<256xi32, #tpu.memory_space<hbm>>
    %dma_wait3A_421 = arith.constant 0 : i32
    %dma_wait3A_422 = tpu.memref_slice %arg5[%dma_wait3A_415, %dma_wait3A_416, %dma_wait3A_421] : memref<3x2x256xi32, #tpu.memory_space<vmem>> -> memref<1x1x256xi32, #tpu.memory_space<vmem>>
    %dma_wait3A_423 = tpu.memref_squeeze %dma_wait3A_422 : memref<1x1x256xi32, #tpu.memory_space<vmem>> -> memref<256xi32, #tpu.memory_space<vmem>>
    %dma_wait3A_424 = tpu.memref_slice %arg3[%add3A_170] : memref<98304xi32, #tpu.memory_space<hbm>> -> memref<256xi32, #tpu.memory_space<hbm>>
    tpu.wait_dma2 semaphore(%arg9 : memref<!tpu.dma_semaphore, #tpu.memory_space<semaphore_mem>>) src(%dma_wait3A_424 : memref<256xi32, #tpu.memory_space<hbm>>) dst(%dma_wait3A_423 : memref<256xi32, #tpu.memory_space<vmem>>)
    %dma_start3A_425 = arith.constant 1 : i32
    %dma_start3A_426 = arith.constant 0 : i32
    %dma_start3A_427 = arith.constant 1 : i32
    %dma_start3A_428 = arith.constant 0 : i32
    %dma_start3A_429 = arith.constant 0 : i32
    %dma_start3A_430 = tpu.memref_slice %arg6[%dma_start3A_427, %dma_start3A_428, %dma_start3A_429] : memref<3x256x64xf32, #tpu.memory_space<vmem>> -> memref<1x256x64xf32, #tpu.memory_space<vmem>>
    %dma_start3A_431 = tpu.memref_squeeze %dma_start3A_430 : memref<1x256x64xf32, #tpu.memory_space<vmem>> -> memref<256x64xf32, #tpu.memory_space<vmem>>
    %dma_start3A_432 = arith.constant 0 : i32
    %dma_start3A_433 = tpu.memref_slice %arg5[%dma_start3A_425, %dma_start3A_426, %dma_start3A_432] : memref<3x2x256xi32, #tpu.memory_space<vmem>> -> memref<1x1x256xi32, #tpu.memory_space<vmem>>
    %dma_start3A_434 = tpu.memref_squeeze %dma_start3A_433 : memref<1x1x256xi32, #tpu.memory_space<vmem>> -> memref<256xi32, #tpu.memory_space<vmem>>
    %dma_start3A_435 = arith.constant 0 : i32
    %dma_start3A_436 = arith.constant 0 : i32
    %dma_start3A_437 = tpu.memref_slice %arg2[%dma_start3A_435, %dma_start3A_436] : memref<114688x64xf32, #tpu.memory_space<hbm>> -> memref<114688x64xf32, #tpu.memory_space<hbm>>
    tpu.enqueue_indirect_dma source(%dma_start3A_437 : memref<114688x64xf32, #tpu.memory_space<hbm>>) target(%dma_start3A_431 : memref<256x64xf32, #tpu.memory_space<vmem>>) offsets(%dma_start3A_434 : memref<256xi32, #tpu.memory_space<vmem>>) semaphore(%arg12 : memref<!tpu.dma_semaphore, #tpu.memory_space<semaphore_mem>>)
    %dma_start3A_438 = arith.constant 1 : i32
    %dma_start3A_439 = arith.constant 1 : i32
    %dma_start3A_440 = arith.constant 1 : i32
    %dma_start3A_441 = arith.constant 0 : i32
    %dma_start3A_442 = arith.constant 0 : i32
    %dma_start3A_443 = tpu.memref_slice %arg7[%dma_start3A_440, %dma_start3A_441, %dma_start3A_442] : memref<3x256x64xf32, #tpu.memory_space<vmem>> -> memref<1x256x64xf32, #tpu.memory_space<vmem>>
    %dma_start3A_444 = tpu.memref_squeeze %dma_start3A_443 : memref<1x256x64xf32, #tpu.memory_space<vmem>> -> memref<256x64xf32, #tpu.memory_space<vmem>>
    %dma_start3A_445 = arith.constant 0 : i32
    %dma_start3A_446 = tpu.memref_slice %arg5[%dma_start3A_438, %dma_start3A_439, %dma_start3A_445] : memref<3x2x256xi32, #tpu.memory_space<vmem>> -> memref<1x1x256xi32, #tpu.memory_space<vmem>>
    %dma_start3A_447 = tpu.memref_squeeze %dma_start3A_446 : memref<1x1x256xi32, #tpu.memory_space<vmem>> -> memref<256xi32, #tpu.memory_space<vmem>>
    %dma_start3A_448 = arith.constant 0 : i32
    %dma_start3A_449 = arith.constant 0 : i32
    %dma_start3A_450 = tpu.memref_slice %arg2[%dma_start3A_448, %dma_start3A_449] : memref<114688x64xf32, #tpu.memory_space<hbm>> -> memref<114688x64xf32, #tpu.memory_space<hbm>>
    tpu.enqueue_indirect_dma source(%dma_start3A_450 : memref<114688x64xf32, #tpu.memory_space<hbm>>) target(%dma_start3A_444 : memref<256x64xf32, #tpu.memory_space<vmem>>) offsets(%dma_start3A_447 : memref<256xi32, #tpu.memory_space<vmem>>) semaphore(%arg12 : memref<!tpu.dma_semaphore, #tpu.memory_space<semaphore_mem>>)
    %add3A_451 = arith.constant 1536 : i32
    %add3A_452 = arith.addi %mul3A_2, %add3A_451 : i32
    %jit3A_453 = arith.constant 32768 : i32
    %div3A_454 = arith.divsi %add3A_452, %jit3A_453 : i32
    %sign3A_455 = arith.constant 0 : i32
    %sign3A_456 = arith.cmpi sgt, %add3A_452, %sign3A_455 : i32
    %sign3A_457 = arith.extui %sign3A_456 : i1 to i32
    %sign3A_458 = arith.constant 0 : i32
    %sign3A_459 = arith.cmpi slt, %add3A_452, %sign3A_458 : i32
    %sign3A_460 = arith.extui %sign3A_459 : i1 to i32
    %sign3A_461 = arith.subi %sign3A_457, %sign3A_460 : i32
    %sign3A_462 = arith.constant 0 : i32
    %sign3A_463 = arith.cmpi sgt, %jit3A_453, %sign3A_462 : i32
    %sign3A_464 = arith.extui %sign3A_463 : i1 to i32
    %sign3A_465 = arith.constant 0 : i32
    %sign3A_466 = arith.cmpi slt, %jit3A_453, %sign3A_465 : i32
    %sign3A_467 = arith.extui %sign3A_466 : i1 to i32
    %sign3A_468 = arith.subi %sign3A_464, %sign3A_467 : i32
    %ne3A_469 = arith.cmpi ne, %sign3A_461, %sign3A_468 : i32
    %rem3A_470 = arith.remsi %add3A_452, %jit3A_453 : i32
    %ne3A_471 = arith.constant 0 : i32
    %ne3A_472 = arith.cmpi ne, %rem3A_470, %ne3A_471 : i32
    %and3A_473 = arith.andi %ne3A_469, %ne3A_472 : i1
    %sub3A_474 = arith.constant 1 : i32
    %sub3A_475 = arith.subi %div3A_454, %sub3A_474 : i32
    %select_n3A_476 = arith.select %and3A_473, %sub3A_475, %div3A_454 : i32
    %jit3A_477 = arith.constant 32768 : i32
    %eq3A_478 = arith.constant 0 : i32
    %eq3A_479 = arith.cmpi eq, %jit3A_477, %eq3A_478 : i32
    %jit3A_480 = arith.constant 1 : i32
    %select_n3A_481 = arith.select %eq3A_479, %jit3A_480, %jit3A_477 : i32
    %rem3A_482 = arith.remsi %add3A_452, %select_n3A_481 : i32
    %ne3A_483 = arith.constant 0 : i32
    %ne3A_484 = arith.cmpi ne, %rem3A_482, %ne3A_483 : i32
    %lt3A_485 = arith.constant 0 : i32
    %lt3A_486 = arith.cmpi slt, %rem3A_482, %lt3A_485 : i32
    %lt3A_487 = arith.constant 0 : i32
    %lt3A_488 = arith.cmpi slt, %select_n3A_481, %lt3A_487 : i32
    %ne3A_489 = arith.xori %lt3A_486, %lt3A_488 : i1
    %and3A_490 = arith.andi %ne3A_489, %ne3A_484 : i1
    %add3A_491 = arith.addi %rem3A_482, %select_n3A_481 : i32
    %select_n3A_492 = arith.select %and3A_490, %add3A_491, %rem3A_482 : i32
    %jit3A_493 = arith.constant 2 : i32
    %div3A_494 = arith.divsi %select_n3A_492, %jit3A_493 : i32
    %sign3A_495 = arith.constant 0 : i32
    %sign3A_496 = arith.cmpi sgt, %select_n3A_492, %sign3A_495 : i32
    %sign3A_497 = arith.extui %sign3A_496 : i1 to i32
    %sign3A_498 = arith.constant 0 : i32
    %sign3A_499 = arith.cmpi slt, %select_n3A_492, %sign3A_498 : i32
    %sign3A_500 = arith.extui %sign3A_499 : i1 to i32
    %sign3A_501 = arith.subi %sign3A_497, %sign3A_500 : i32
    %sign3A_502 = arith.constant 0 : i32
    %sign3A_503 = arith.cmpi sgt, %jit3A_493, %sign3A_502 : i32
    %sign3A_504 = arith.extui %sign3A_503 : i1 to i32
    %sign3A_505 = arith.constant 0 : i32
    %sign3A_506 = arith.cmpi slt, %jit3A_493, %sign3A_505 : i32
    %sign3A_507 = arith.extui %sign3A_506 : i1 to i32
    %sign3A_508 = arith.subi %sign3A_504, %sign3A_507 : i32
    %ne3A_509 = arith.cmpi ne, %sign3A_501, %sign3A_508 : i32
    %rem3A_510 = arith.remsi %select_n3A_492, %jit3A_493 : i32
    %ne3A_511 = arith.constant 0 : i32
    %ne3A_512 = arith.cmpi ne, %rem3A_510, %ne3A_511 : i32
    %and3A_513 = arith.andi %ne3A_509, %ne3A_512 : i1
    %sub3A_514 = arith.constant 1 : i32
    %sub3A_515 = arith.subi %div3A_494, %sub3A_514 : i32
    %select_n3A_516 = arith.select %and3A_513, %sub3A_515, %div3A_494 : i32
    %multiple_of3A_517 = tpu.assume_multiple %select_n3A_516, 256 : i32
    %mul3A_518 = arith.constant 16384 : i32
    %mul3A_519 = arith.muli %select_n3A_476, %mul3A_518 : i32
    %add3A_520 = arith.addi %mul3A_519, %multiple_of3A_517 : i32
    %dma_start3A_521 = arith.constant 0 : i32
    %dma_start3A_522 = arith.constant 0 : i32
    %dma_start3A_523 = arith.constant 0 : i32
    %dma_start3A_524 = tpu.memref_slice %arg5[%dma_start3A_521, %dma_start3A_522, %dma_start3A_523] : memref<3x2x256xi32, #tpu.memory_space<vmem>> -> memref<1x1x256xi32, #tpu.memory_space<vmem>>
    %dma_start3A_525 = tpu.memref_squeeze %dma_start3A_524 : memref<1x1x256xi32, #tpu.memory_space<vmem>> -> memref<256xi32, #tpu.memory_space<vmem>>
    %dma_start3A_526 = tpu.memref_slice %arg3[%add3A_520] : memref<98304xi32, #tpu.memory_space<hbm>> -> memref<256xi32, #tpu.memory_space<hbm>>
    %dma_start3A_527 = arith.constant 0 : i32
    %dma_start3A_528 = tpu.memref_slice %arg5[%dma_start3A_521, %dma_start3A_522, %dma_start3A_527] : memref<3x2x256xi32, #tpu.memory_space<vmem>> -> memref<1x1x256xi32, #tpu.memory_space<vmem>>
    %dma_start3A_529 = tpu.memref_squeeze %dma_start3A_528 : memref<1x1x256xi32, #tpu.memory_space<vmem>> -> memref<256xi32, #tpu.memory_space<vmem>>
    %dma_start3A_530 = tpu.memref_slice %arg3[%add3A_520] : memref<98304xi32, #tpu.memory_space<hbm>> -> memref<256xi32, #tpu.memory_space<hbm>>
    tpu.enqueue_dma source(%dma_start3A_530 : memref<256xi32, #tpu.memory_space<hbm>>) target(%dma_start3A_529 : memref<256xi32, #tpu.memory_space<vmem>>) target_semaphore(%arg8 : memref<!tpu.dma_semaphore, #tpu.memory_space<semaphore_mem>>)
    %add3A_531 = arith.constant 3 : i32
    %add3A_532 = arith.addi %add3A_531, %select_n3A_476 : i32
    %mul3A_533 = arith.constant 16384 : i32
    %mul3A_534 = arith.muli %add3A_532, %mul3A_533 : i32
    %add3A_535 = arith.addi %mul3A_534, %multiple_of3A_517 : i32
    %dma_start3A_536 = arith.constant 0 : i32
    %dma_start3A_537 = arith.constant 1 : i32
    %dma_start3A_538 = arith.constant 0 : i32
    %dma_start3A_539 = tpu.memref_slice %arg5[%dma_start3A_536, %dma_start3A_537, %dma_start3A_538] : memref<3x2x256xi32, #tpu.memory_space<vmem>> -> memref<1x1x256xi32, #tpu.memory_space<vmem>>
    %dma_start3A_540 = tpu.memref_squeeze %dma_start3A_539 : memref<1x1x256xi32, #tpu.memory_space<vmem>> -> memref<256xi32, #tpu.memory_space<vmem>>
    %dma_start3A_541 = tpu.memref_slice %arg3[%add3A_535] : memref<98304xi32, #tpu.memory_space<hbm>> -> memref<256xi32, #tpu.memory_space<hbm>>
    %dma_start3A_542 = arith.constant 0 : i32
    %dma_start3A_543 = tpu.memref_slice %arg5[%dma_start3A_536, %dma_start3A_537, %dma_start3A_542] : memref<3x2x256xi32, #tpu.memory_space<vmem>> -> memref<1x1x256xi32, #tpu.memory_space<vmem>>
    %dma_start3A_544 = tpu.memref_squeeze %dma_start3A_543 : memref<1x1x256xi32, #tpu.memory_space<vmem>> -> memref<256xi32, #tpu.memory_space<vmem>>
    %dma_start3A_545 = tpu.memref_slice %arg3[%add3A_535] : memref<98304xi32, #tpu.memory_space<hbm>> -> memref<256xi32, #tpu.memory_space<hbm>>
    tpu.enqueue_dma source(%dma_start3A_545 : memref<256xi32, #tpu.memory_space<hbm>>) target(%dma_start3A_544 : memref<256xi32, #tpu.memory_space<vmem>>) target_semaphore(%arg8 : memref<!tpu.dma_semaphore, #tpu.memory_space<semaphore_mem>>)
    %dma_wait3A_546 = arith.constant 1 : i32
    %dma_wait3A_547 = arith.constant 0 : i32
    %dma_wait3A_548 = arith.constant 1 : i32
    %dma_wait3A_549 = arith.constant 0 : i32
    %dma_wait3A_550 = arith.constant 0 : i32
    %dma_wait3A_551 = tpu.memref_slice %arg6[%dma_wait3A_548, %dma_wait3A_549, %dma_wait3A_550] : memref<3x256x64xf32, #tpu.memory_space<vmem>> -> memref<1x256x64xf32, #tpu.memory_space<vmem>>
    %dma_wait3A_552 = tpu.memref_squeeze %dma_wait3A_551 : memref<1x256x64xf32, #tpu.memory_space<vmem>> -> memref<256x64xf32, #tpu.memory_space<vmem>>
    %dma_wait3A_553 = arith.constant 0 : i32
    %dma_wait3A_554 = tpu.memref_slice %arg5[%dma_wait3A_546, %dma_wait3A_547, %dma_wait3A_553] : memref<3x2x256xi32, #tpu.memory_space<vmem>> -> memref<1x1x256xi32, #tpu.memory_space<vmem>>
    %dma_wait3A_555 = tpu.memref_squeeze %dma_wait3A_554 : memref<1x1x256xi32, #tpu.memory_space<vmem>> -> memref<256xi32, #tpu.memory_space<vmem>>
    %dma_wait3A_556 = arith.constant 0 : i32
    %dma_wait3A_557 = arith.constant 0 : i32
    %dma_wait3A_558 = tpu.memref_slice %arg2[%dma_wait3A_556, %dma_wait3A_557] : memref<114688x64xf32, #tpu.memory_space<hbm>> -> memref<114688x64xf32, #tpu.memory_space<hbm>>
    tpu.wait_indirect_dma semaphore(%arg12 : memref<!tpu.dma_semaphore, #tpu.memory_space<semaphore_mem>>) src(%dma_wait3A_558 : memref<114688x64xf32, #tpu.memory_space<hbm>>) dst(%dma_wait3A_552 : memref<256x64xf32, #tpu.memory_space<vmem>>)
    %dma_wait3A_559 = arith.constant 1 : i32
    %dma_wait3A_560 = arith.constant 1 : i32
    %dma_wait3A_561 = arith.constant 1 : i32
    %dma_wait3A_562 = arith.constant 0 : i32
    %dma_wait3A_563 = arith.constant 0 : i32
    %dma_wait3A_564 = tpu.memref_slice %arg7[%dma_wait3A_561, %dma_wait3A_562, %dma_wait3A_563] : memref<3x256x64xf32, #tpu.memory_space<vmem>> -> memref<1x256x64xf32, #tpu.memory_space<vmem>>
    %dma_wait3A_565 = tpu.memref_squeeze %dma_wait3A_564 : memref<1x256x64xf32, #tpu.memory_space<vmem>> -> memref<256x64xf32, #tpu.memory_space<vmem>>
    %dma_wait3A_566 = arith.constant 0 : i32
    %dma_wait3A_567 = tpu.memref_slice %arg5[%dma_wait3A_559, %dma_wait3A_560, %dma_wait3A_566] : memref<3x2x256xi32, #tpu.memory_space<vmem>> -> memref<1x1x256xi32, #tpu.memory_space<vmem>>
    %dma_wait3A_568 = tpu.memref_squeeze %dma_wait3A_567 : memref<1x1x256xi32, #tpu.memory_space<vmem>> -> memref<256xi32, #tpu.memory_space<vmem>>
    %dma_wait3A_569 = arith.constant 0 : i32
    %dma_wait3A_570 = arith.constant 0 : i32
    %dma_wait3A_571 = tpu.memref_slice %arg2[%dma_wait3A_569, %dma_wait3A_570] : memref<114688x64xf32, #tpu.memory_space<hbm>> -> memref<114688x64xf32, #tpu.memory_space<hbm>>
    tpu.wait_indirect_dma semaphore(%arg12 : memref<!tpu.dma_semaphore, #tpu.memory_space<semaphore_mem>>) src(%dma_wait3A_571 : memref<114688x64xf32, #tpu.memory_space<hbm>>) dst(%dma_wait3A_565 : memref<256x64xf32, #tpu.memory_space<vmem>>)
    %add3A_572 = arith.constant 512 : i32
    %add3A_573 = arith.addi %mul3A_2, %add3A_572 : i32
    %jit3A_574 = arith.constant 2 : i32
    %div3A_575 = arith.divsi %add3A_573, %jit3A_574 : i32
    %sign3A_576 = arith.constant 0 : i32
    %sign3A_577 = arith.cmpi sgt, %add3A_573, %sign3A_576 : i32
    %sign3A_578 = arith.extui %sign3A_577 : i1 to i32
    %sign3A_579 = arith.constant 0 : i32
    %sign3A_580 = arith.cmpi slt, %add3A_573, %sign3A_579 : i32
    %sign3A_581 = arith.extui %sign3A_580 : i1 to i32
    %sign3A_582 = arith.subi %sign3A_578, %sign3A_581 : i32
    %sign3A_583 = arith.constant 0 : i32
    %sign3A_584 = arith.cmpi sgt, %jit3A_574, %sign3A_583 : i32
    %sign3A_585 = arith.extui %sign3A_584 : i1 to i32
    %sign3A_586 = arith.constant 0 : i32
    %sign3A_587 = arith.cmpi slt, %jit3A_574, %sign3A_586 : i32
    %sign3A_588 = arith.extui %sign3A_587 : i1 to i32
    %sign3A_589 = arith.subi %sign3A_585, %sign3A_588 : i32
    %ne3A_590 = arith.cmpi ne, %sign3A_582, %sign3A_589 : i32
    %rem3A_591 = arith.remsi %add3A_573, %jit3A_574 : i32
    %ne3A_592 = arith.constant 0 : i32
    %ne3A_593 = arith.cmpi ne, %rem3A_591, %ne3A_592 : i32
    %and3A_594 = arith.andi %ne3A_590, %ne3A_593 : i1
    %sub3A_595 = arith.constant 1 : i32
    %sub3A_596 = arith.subi %div3A_575, %sub3A_595 : i32
    %select_n3A_597 = arith.select %and3A_594, %sub3A_596, %div3A_575 : i32
    %dma_start3A_598 = arith.constant 1 : i32
    %dma_start3A_599 = arith.constant 0 : i32
    %dma_start3A_600 = arith.constant 0 : i32
    %dma_start3A_601 = arith.constant 0 : i32
    %dma_start3A_602 = tpu.memref_slice %arg6[%dma_start3A_598, %dma_start3A_600, %dma_start3A_601] : memref<3x256x64xf32, #tpu.memory_space<vmem>> -> memref<1x256x64xf32, #tpu.memory_space<vmem>>
    %dma_start3A_603 = tpu.memref_squeeze %dma_start3A_602 : memref<1x256x64xf32, #tpu.memory_space<vmem>> -> memref<256x64xf32, #tpu.memory_space<vmem>>
    %dma_start3A_604 = arith.constant 0 : i32
    %dma_start3A_605 = tpu.memref_slice %arg4[%select_n3A_597, %dma_start3A_599, %dma_start3A_604] : memref<49152x2x64xf32, #tpu.memory_space<hbm>> -> memref<256x1x64xf32, #tpu.memory_space<hbm>>
    %dma_start3A_606 = tpu.memref_squeeze %dma_start3A_605 : memref<256x1x64xf32, #tpu.memory_space<hbm>> -> memref<256x64xf32, #tpu.memory_space<hbm>>
    %dma_start3A_607 = arith.constant 0 : i32
    %dma_start3A_608 = tpu.memref_slice %arg4[%select_n3A_597, %dma_start3A_599, %dma_start3A_607] : memref<49152x2x64xf32, #tpu.memory_space<hbm>> -> memref<256x1x64xf32, #tpu.memory_space<hbm>>
    %dma_start3A_609 = tpu.memref_squeeze %dma_start3A_608 : memref<256x1x64xf32, #tpu.memory_space<hbm>> -> memref<256x64xf32, #tpu.memory_space<hbm>>
    %dma_start3A_610 = arith.constant 0 : i32
    %dma_start3A_611 = arith.constant 0 : i32
    %dma_start3A_612 = tpu.memref_slice %arg6[%dma_start3A_598, %dma_start3A_610, %dma_start3A_611] : memref<3x256x64xf32, #tpu.memory_space<vmem>> -> memref<1x256x64xf32, #tpu.memory_space<vmem>>
    %dma_start3A_613 = tpu.memref_squeeze %dma_start3A_612 : memref<1x256x64xf32, #tpu.memory_space<vmem>> -> memref<256x64xf32, #tpu.memory_space<vmem>>
    tpu.enqueue_dma source(%dma_start3A_613 : memref<256x64xf32, #tpu.memory_space<vmem>>) target(%dma_start3A_609 : memref<256x64xf32, #tpu.memory_space<hbm>>) target_semaphore(%arg15 : memref<!tpu.dma_semaphore, #tpu.memory_space<semaphore_mem>>)
    %dma_start3A_614 = arith.constant 1 : i32
    %dma_start3A_615 = arith.constant 1 : i32
    %dma_start3A_616 = arith.constant 0 : i32
    %dma_start3A_617 = arith.constant 0 : i32
    %dma_start3A_618 = tpu.memref_slice %arg7[%dma_start3A_614, %dma_start3A_616, %dma_start3A_617] : memref<3x256x64xf32, #tpu.memory_space<vmem>> -> memref<1x256x64xf32, #tpu.memory_space<vmem>>
    %dma_start3A_619 = tpu.memref_squeeze %dma_start3A_618 : memref<1x256x64xf32, #tpu.memory_space<vmem>> -> memref<256x64xf32, #tpu.memory_space<vmem>>
    %dma_start3A_620 = arith.constant 0 : i32
    %dma_start3A_621 = tpu.memref_slice %arg4[%select_n3A_597, %dma_start3A_615, %dma_start3A_620] : memref<49152x2x64xf32, #tpu.memory_space<hbm>> -> memref<256x1x64xf32, #tpu.memory_space<hbm>>
    %dma_start3A_622 = tpu.memref_squeeze %dma_start3A_621 : memref<256x1x64xf32, #tpu.memory_space<hbm>> -> memref<256x64xf32, #tpu.memory_space<hbm>>
    %dma_start3A_623 = arith.constant 0 : i32
    %dma_start3A_624 = tpu.memref_slice %arg4[%select_n3A_597, %dma_start3A_615, %dma_start3A_623] : memref<49152x2x64xf32, #tpu.memory_space<hbm>> -> memref<256x1x64xf32, #tpu.memory_space<hbm>>
    %dma_start3A_625 = tpu.memref_squeeze %dma_start3A_624 : memref<256x1x64xf32, #tpu.memory_space<hbm>> -> memref<256x64xf32, #tpu.memory_space<hbm>>
    %dma_start3A_626 = arith.constant 0 : i32
    %dma_start3A_627 = arith.constant 0 : i32
    %dma_start3A_628 = tpu.memref_slice %arg7[%dma_start3A_614, %dma_start3A_626, %dma_start3A_627] : memref<3x256x64xf32, #tpu.memory_space<vmem>> -> memref<1x256x64xf32, #tpu.memory_space<vmem>>
    %dma_start3A_629 = tpu.memref_squeeze %dma_start3A_628 : memref<1x256x64xf32, #tpu.memory_space<vmem>> -> memref<256x64xf32, #tpu.memory_space<vmem>>
    tpu.enqueue_dma source(%dma_start3A_629 : memref<256x64xf32, #tpu.memory_space<vmem>>) target(%dma_start3A_625 : memref<256x64xf32, #tpu.memory_space<hbm>>) target_semaphore(%arg15 : memref<!tpu.dma_semaphore, #tpu.memory_space<semaphore_mem>>)
    %dma_wait3A_630 = arith.constant 2 : i32
    %dma_wait3A_631 = arith.constant 0 : i32
    %dma_wait3A_632 = arith.constant 0 : i32
    %dma_wait3A_633 = tpu.memref_slice %arg5[%dma_wait3A_630, %dma_wait3A_631, %dma_wait3A_632] : memref<3x2x256xi32, #tpu.memory_space<vmem>> -> memref<1x1x256xi32, #tpu.memory_space<vmem>>
    %dma_wait3A_634 = tpu.memref_squeeze %dma_wait3A_633 : memref<1x1x256xi32, #tpu.memory_space<vmem>> -> memref<256xi32, #tpu.memory_space<vmem>>
    %dma_wait3A_635 = tpu.memref_slice %arg3[%add3A_295] : memref<98304xi32, #tpu.memory_space<hbm>> -> memref<256xi32, #tpu.memory_space<hbm>>
    %dma_wait3A_636 = arith.constant 0 : i32
    %dma_wait3A_637 = tpu.memref_slice %arg5[%dma_wait3A_630, %dma_wait3A_631, %dma_wait3A_636] : memref<3x2x256xi32, #tpu.memory_space<vmem>> -> memref<1x1x256xi32, #tpu.memory_space<vmem>>
    %dma_wait3A_638 = tpu.memref_squeeze %dma_wait3A_637 : memref<1x1x256xi32, #tpu.memory_space<vmem>> -> memref<256xi32, #tpu.memory_space<vmem>>
    %dma_wait3A_639 = tpu.memref_slice %arg3[%add3A_295] : memref<98304xi32, #tpu.memory_space<hbm>> -> memref<256xi32, #tpu.memory_space<hbm>>
    tpu.wait_dma2 semaphore(%arg10 : memref<!tpu.dma_semaphore, #tpu.memory_space<semaphore_mem>>) src(%dma_wait3A_639 : memref<256xi32, #tpu.memory_space<hbm>>) dst(%dma_wait3A_638 : memref<256xi32, #tpu.memory_space<vmem>>)
    %dma_wait3A_640 = arith.constant 2 : i32
    %dma_wait3A_641 = arith.constant 1 : i32
    %dma_wait3A_642 = arith.constant 0 : i32
    %dma_wait3A_643 = tpu.memref_slice %arg5[%dma_wait3A_640, %dma_wait3A_641, %dma_wait3A_642] : memref<3x2x256xi32, #tpu.memory_space<vmem>> -> memref<1x1x256xi32, #tpu.memory_space<vmem>>
    %dma_wait3A_644 = tpu.memref_squeeze %dma_wait3A_643 : memref<1x1x256xi32, #tpu.memory_space<vmem>> -> memref<256xi32, #tpu.memory_space<vmem>>
    %dma_wait3A_645 = tpu.memref_slice %arg3[%add3A_310] : memref<98304xi32, #tpu.memory_space<hbm>> -> memref<256xi32, #tpu.memory_space<hbm>>
    %dma_wait3A_646 = arith.constant 0 : i32
    %dma_wait3A_647 = tpu.memref_slice %arg5[%dma_wait3A_640, %dma_wait3A_641, %dma_wait3A_646] : memref<3x2x256xi32, #tpu.memory_space<vmem>> -> memref<1x1x256xi32, #tpu.memory_space<vmem>>
    %dma_wait3A_648 = tpu.memref_squeeze %dma_wait3A_647 : memref<1x1x256xi32, #tpu.memory_space<vmem>> -> memref<256xi32, #tpu.memory_space<vmem>>
    %dma_wait3A_649 = tpu.memref_slice %arg3[%add3A_310] : memref<98304xi32, #tpu.memory_space<hbm>> -> memref<256xi32, #tpu.memory_space<hbm>>
    tpu.wait_dma2 semaphore(%arg10 : memref<!tpu.dma_semaphore, #tpu.memory_space<semaphore_mem>>) src(%dma_wait3A_649 : memref<256xi32, #tpu.memory_space<hbm>>) dst(%dma_wait3A_648 : memref<256xi32, #tpu.memory_space<vmem>>)
    %dma_start3A_650 = arith.constant 2 : i32
    %dma_start3A_651 = arith.constant 0 : i32
    %dma_start3A_652 = arith.constant 2 : i32
    %dma_start3A_653 = arith.constant 0 : i32
    %dma_start3A_654 = arith.constant 0 : i32
    %dma_start3A_655 = tpu.memref_slice %arg6[%dma_start3A_652, %dma_start3A_653, %dma_start3A_654] : memref<3x256x64xf32, #tpu.memory_space<vmem>> -> memref<1x256x64xf32, #tpu.memory_space<vmem>>
    %dma_start3A_656 = tpu.memref_squeeze %dma_start3A_655 : memref<1x256x64xf32, #tpu.memory_space<vmem>> -> memref<256x64xf32, #tpu.memory_space<vmem>>
    %dma_start3A_657 = arith.constant 0 : i32
    %dma_start3A_658 = tpu.memref_slice %arg5[%dma_start3A_650, %dma_start3A_651, %dma_start3A_657] : memref<3x2x256xi32, #tpu.memory_space<vmem>> -> memref<1x1x256xi32, #tpu.memory_space<vmem>>
    %dma_start3A_659 = tpu.memref_squeeze %dma_start3A_658 : memref<1x1x256xi32, #tpu.memory_space<vmem>> -> memref<256xi32, #tpu.memory_space<vmem>>
    %dma_start3A_660 = arith.constant 0 : i32
    %dma_start3A_661 = arith.constant 0 : i32
    %dma_start3A_662 = tpu.memref_slice %arg2[%dma_start3A_660, %dma_start3A_661] : memref<114688x64xf32, #tpu.memory_space<hbm>> -> memref<114688x64xf32, #tpu.memory_space<hbm>>
    tpu.enqueue_indirect_dma source(%dma_start3A_662 : memref<114688x64xf32, #tpu.memory_space<hbm>>) target(%dma_start3A_656 : memref<256x64xf32, #tpu.memory_space<vmem>>) offsets(%dma_start3A_659 : memref<256xi32, #tpu.memory_space<vmem>>) semaphore(%arg13 : memref<!tpu.dma_semaphore, #tpu.memory_space<semaphore_mem>>)
    %dma_start3A_663 = arith.constant 2 : i32
    %dma_start3A_664 = arith.constant 1 : i32
    %dma_start3A_665 = arith.constant 2 : i32
    %dma_start3A_666 = arith.constant 0 : i32
    %dma_start3A_667 = arith.constant 0 : i32
    %dma_start3A_668 = tpu.memref_slice %arg7[%dma_start3A_665, %dma_start3A_666, %dma_start3A_667] : memref<3x256x64xf32, #tpu.memory_space<vmem>> -> memref<1x256x64xf32, #tpu.memory_space<vmem>>
    %dma_start3A_669 = tpu.memref_squeeze %dma_start3A_668 : memref<1x256x64xf32, #tpu.memory_space<vmem>> -> memref<256x64xf32, #tpu.memory_space<vmem>>
    %dma_start3A_670 = arith.constant 0 : i32
    %dma_start3A_671 = tpu.memref_slice %arg5[%dma_start3A_663, %dma_start3A_664, %dma_start3A_670] : memref<3x2x256xi32, #tpu.memory_space<vmem>> -> memref<1x1x256xi32, #tpu.memory_space<vmem>>
    %dma_start3A_672 = tpu.memref_squeeze %dma_start3A_671 : memref<1x1x256xi32, #tpu.memory_space<vmem>> -> memref<256xi32, #tpu.memory_space<vmem>>
    %dma_start3A_673 = arith.constant 0 : i32
    %dma_start3A_674 = arith.constant 0 : i32
    %dma_start3A_675 = tpu.memref_slice %arg2[%dma_start3A_673, %dma_start3A_674] : memref<114688x64xf32, #tpu.memory_space<hbm>> -> memref<114688x64xf32, #tpu.memory_space<hbm>>
    tpu.enqueue_indirect_dma source(%dma_start3A_675 : memref<114688x64xf32, #tpu.memory_space<hbm>>) target(%dma_start3A_669 : memref<256x64xf32, #tpu.memory_space<vmem>>) offsets(%dma_start3A_672 : memref<256xi32, #tpu.memory_space<vmem>>) semaphore(%arg13 : memref<!tpu.dma_semaphore, #tpu.memory_space<semaphore_mem>>)
    %add3A_676 = arith.constant 2048 : i32
    %add3A_677 = arith.addi %mul3A_2, %add3A_676 : i32
    %jit3A_678 = arith.constant 32768 : i32
    %div3A_679 = arith.divsi %add3A_677, %jit3A_678 : i32
    %sign3A_680 = arith.constant 0 : i32
    %sign3A_681 = arith.cmpi sgt, %add3A_677, %sign3A_680 : i32
    %sign3A_682 = arith.extui %sign3A_681 : i1 to i32
    %sign3A_683 = arith.constant 0 : i32
    %sign3A_684 = arith.cmpi slt, %add3A_677, %sign3A_683 : i32
    %sign3A_685 = arith.extui %sign3A_684 : i1 to i32
    %sign3A_686 = arith.subi %sign3A_682, %sign3A_685 : i32
    %sign3A_687 = arith.constant 0 : i32
    %sign3A_688 = arith.cmpi sgt, %jit3A_678, %sign3A_687 : i32
    %sign3A_689 = arith.extui %sign3A_688 : i1 to i32
    %sign3A_690 = arith.constant 0 : i32
    %sign3A_691 = arith.cmpi slt, %jit3A_678, %sign3A_690 : i32
    %sign3A_692 = arith.extui %sign3A_691 : i1 to i32
    %sign3A_693 = arith.subi %sign3A_689, %sign3A_692 : i32
    %ne3A_694 = arith.cmpi ne, %sign3A_686, %sign3A_693 : i32
    %rem3A_695 = arith.remsi %add3A_677, %jit3A_678 : i32
    %ne3A_696 = arith.constant 0 : i32
    %ne3A_697 = arith.cmpi ne, %rem3A_695, %ne3A_696 : i32
    %and3A_698 = arith.andi %ne3A_694, %ne3A_697 : i1
    %sub3A_699 = arith.constant 1 : i32
    %sub3A_700 = arith.subi %div3A_679, %sub3A_699 : i32
    %select_n3A_701 = arith.select %and3A_698, %sub3A_700, %div3A_679 : i32
    %jit3A_702 = arith.constant 32768 : i32
    %eq3A_703 = arith.constant 0 : i32
    %eq3A_704 = arith.cmpi eq, %jit3A_702, %eq3A_703 : i32
    %jit3A_705 = arith.constant 1 : i32
    %select_n3A_706 = arith.select %eq3A_704, %jit3A_705, %jit3A_702 : i32
    %rem3A_707 = arith.remsi %add3A_677, %select_n3A_706 : i32
    %ne3A_708 = arith.constant 0 : i32
    %ne3A_709 = arith.cmpi ne, %rem3A_707, %ne3A_708 : i32
    %lt3A_710 = arith.constant 0 : i32
    %lt3A_711 = arith.cmpi slt, %rem3A_707, %lt3A_710 : i32
    %lt3A_712 = arith.constant 0 : i32
    %lt3A_713 = arith.cmpi slt, %select_n3A_706, %lt3A_712 : i32
    %ne3A_714 = arith.xori %lt3A_711, %lt3A_713 : i1
    %and3A_715 = arith.andi %ne3A_714, %ne3A_709 : i1
    %add3A_716 = arith.addi %rem3A_707, %select_n3A_706 : i32
    %select_n3A_717 = arith.select %and3A_715, %add3A_716, %rem3A_707 : i32
    %jit3A_718 = arith.constant 2 : i32
    %div3A_719 = arith.divsi %select_n3A_717, %jit3A_718 : i32
    %sign3A_720 = arith.constant 0 : i32
    %sign3A_721 = arith.cmpi sgt, %select_n3A_717, %sign3A_720 : i32
    %sign3A_722 = arith.extui %sign3A_721 : i1 to i32
    %sign3A_723 = arith.constant 0 : i32
    %sign3A_724 = arith.cmpi slt, %select_n3A_717, %sign3A_723 : i32
    %sign3A_725 = arith.extui %sign3A_724 : i1 to i32
    %sign3A_726 = arith.subi %sign3A_722, %sign3A_725 : i32
    %sign3A_727 = arith.constant 0 : i32
    %sign3A_728 = arith.cmpi sgt, %jit3A_718, %sign3A_727 : i32
    %sign3A_729 = arith.extui %sign3A_728 : i1 to i32
    %sign3A_730 = arith.constant 0 : i32
    %sign3A_731 = arith.cmpi slt, %jit3A_718, %sign3A_730 : i32
    %sign3A_732 = arith.extui %sign3A_731 : i1 to i32
    %sign3A_733 = arith.subi %sign3A_729, %sign3A_732 : i32
    %ne3A_734 = arith.cmpi ne, %sign3A_726, %sign3A_733 : i32
    %rem3A_735 = arith.remsi %select_n3A_717, %jit3A_718 : i32
    %ne3A_736 = arith.constant 0 : i32
    %ne3A_737 = arith.cmpi ne, %rem3A_735, %ne3A_736 : i32
    %and3A_738 = arith.andi %ne3A_734, %ne3A_737 : i1
    %sub3A_739 = arith.constant 1 : i32
    %sub3A_740 = arith.subi %div3A_719, %sub3A_739 : i32
    %select_n3A_741 = arith.select %and3A_738, %sub3A_740, %div3A_719 : i32
    %multiple_of3A_742 = tpu.assume_multiple %select_n3A_741, 256 : i32
    %mul3A_743 = arith.constant 16384 : i32
    %mul3A_744 = arith.muli %select_n3A_701, %mul3A_743 : i32
    %add3A_745 = arith.addi %mul3A_744, %multiple_of3A_742 : i32
    %dma_start3A_746 = arith.constant 1 : i32
    %dma_start3A_747 = arith.constant 0 : i32
    %dma_start3A_748 = arith.constant 0 : i32
    %dma_start3A_749 = tpu.memref_slice %arg5[%dma_start3A_746, %dma_start3A_747, %dma_start3A_748] : memref<3x2x256xi32, #tpu.memory_space<vmem>> -> memref<1x1x256xi32, #tpu.memory_space<vmem>>
    %dma_start3A_750 = tpu.memref_squeeze %dma_start3A_749 : memref<1x1x256xi32, #tpu.memory_space<vmem>> -> memref<256xi32, #tpu.memory_space<vmem>>
    %dma_start3A_751 = tpu.memref_slice %arg3[%add3A_745] : memref<98304xi32, #tpu.memory_space<hbm>> -> memref<256xi32, #tpu.memory_space<hbm>>
    %dma_start3A_752 = arith.constant 0 : i32
    %dma_start3A_753 = tpu.memref_slice %arg5[%dma_start3A_746, %dma_start3A_747, %dma_start3A_752] : memref<3x2x256xi32, #tpu.memory_space<vmem>> -> memref<1x1x256xi32, #tpu.memory_space<vmem>>
    %dma_start3A_754 = tpu.memref_squeeze %dma_start3A_753 : memref<1x1x256xi32, #tpu.memory_space<vmem>> -> memref<256xi32, #tpu.memory_space<vmem>>
    %dma_start3A_755 = tpu.memref_slice %arg3[%add3A_745] : memref<98304xi32, #tpu.memory_space<hbm>> -> memref<256xi32, #tpu.memory_space<hbm>>
    tpu.enqueue_dma source(%dma_start3A_755 : memref<256xi32, #tpu.memory_space<hbm>>) target(%dma_start3A_754 : memref<256xi32, #tpu.memory_space<vmem>>) target_semaphore(%arg9 : memref<!tpu.dma_semaphore, #tpu.memory_space<semaphore_mem>>)
    %add3A_756 = arith.constant 3 : i32
    %add3A_757 = arith.addi %add3A_756, %select_n3A_701 : i32
    %mul3A_758 = arith.constant 16384 : i32
    %mul3A_759 = arith.muli %add3A_757, %mul3A_758 : i32
    %add3A_760 = arith.addi %mul3A_759, %multiple_of3A_742 : i32
    %dma_start3A_761 = arith.constant 1 : i32
    %dma_start3A_762 = arith.constant 1 : i32
    %dma_start3A_763 = arith.constant 0 : i32
    %dma_start3A_764 = tpu.memref_slice %arg5[%dma_start3A_761, %dma_start3A_762, %dma_start3A_763] : memref<3x2x256xi32, #tpu.memory_space<vmem>> -> memref<1x1x256xi32, #tpu.memory_space<vmem>>
    %dma_start3A_765 = tpu.memref_squeeze %dma_start3A_764 : memref<1x1x256xi32, #tpu.memory_space<vmem>> -> memref<256xi32, #tpu.memory_space<vmem>>
    %dma_start3A_766 = tpu.memref_slice %arg3[%add3A_760] : memref<98304xi32, #tpu.memory_space<hbm>> -> memref<256xi32, #tpu.memory_space<hbm>>
    %dma_start3A_767 = arith.constant 0 : i32
    %dma_start3A_768 = tpu.memref_slice %arg5[%dma_start3A_761, %dma_start3A_762, %dma_start3A_767] : memref<3x2x256xi32, #tpu.memory_space<vmem>> -> memref<1x1x256xi32, #tpu.memory_space<vmem>>
    %dma_start3A_769 = tpu.memref_squeeze %dma_start3A_768 : memref<1x1x256xi32, #tpu.memory_space<vmem>> -> memref<256xi32, #tpu.memory_space<vmem>>
    %dma_start3A_770 = tpu.memref_slice %arg3[%add3A_760] : memref<98304xi32, #tpu.memory_space<hbm>> -> memref<256xi32, #tpu.memory_space<hbm>>
    tpu.enqueue_dma source(%dma_start3A_770 : memref<256xi32, #tpu.memory_space<hbm>>) target(%dma_start3A_769 : memref<256xi32, #tpu.memory_space<vmem>>) target_semaphore(%arg9 : memref<!tpu.dma_semaphore, #tpu.memory_space<semaphore_mem>>)
    %dma_wait3A_771 = arith.constant 2 : i32
    %dma_wait3A_772 = arith.constant 0 : i32
    %dma_wait3A_773 = arith.constant 2 : i32
    %dma_wait3A_774 = arith.constant 0 : i32
    %dma_wait3A_775 = arith.constant 0 : i32
    %dma_wait3A_776 = tpu.memref_slice %arg6[%dma_wait3A_773, %dma_wait3A_774, %dma_wait3A_775] : memref<3x256x64xf32, #tpu.memory_space<vmem>> -> memref<1x256x64xf32, #tpu.memory_space<vmem>>
    %dma_wait3A_777 = tpu.memref_squeeze %dma_wait3A_776 : memref<1x256x64xf32, #tpu.memory_space<vmem>> -> memref<256x64xf32, #tpu.memory_space<vmem>>
    %dma_wait3A_778 = arith.constant 0 : i32
    %dma_wait3A_779 = tpu.memref_slice %arg5[%dma_wait3A_771, %dma_wait3A_772, %dma_wait3A_778] : memref<3x2x256xi32, #tpu.memory_space<vmem>> -> memref<1x1x256xi32, #tpu.memory_space<vmem>>
    %dma_wait3A_780 = tpu.memref_squeeze %dma_wait3A_779 : memref<1x1x256xi32, #tpu.memory_space<vmem>> -> memref<256xi32, #tpu.memory_space<vmem>>
    %dma_wait3A_781 = arith.constant 0 : i32
    %dma_wait3A_782 = arith.constant 0 : i32
    %dma_wait3A_783 = tpu.memref_slice %arg2[%dma_wait3A_781, %dma_wait3A_782] : memref<114688x64xf32, #tpu.memory_space<hbm>> -> memref<114688x64xf32, #tpu.memory_space<hbm>>
    tpu.wait_indirect_dma semaphore(%arg13 : memref<!tpu.dma_semaphore, #tpu.memory_space<semaphore_mem>>) src(%dma_wait3A_783 : memref<114688x64xf32, #tpu.memory_space<hbm>>) dst(%dma_wait3A_777 : memref<256x64xf32, #tpu.memory_space<vmem>>)
    %dma_wait3A_784 = arith.constant 2 : i32
    %dma_wait3A_785 = arith.constant 1 : i32
    %dma_wait3A_786 = arith.constant 2 : i32
    %dma_wait3A_787 = arith.constant 0 : i32
    %dma_wait3A_788 = arith.constant 0 : i32
    %dma_wait3A_789 = tpu.memref_slice %arg7[%dma_wait3A_786, %dma_wait3A_787, %dma_wait3A_788] : memref<3x256x64xf32, #tpu.memory_space<vmem>> -> memref<1x256x64xf32, #tpu.memory_space<vmem>>
    %dma_wait3A_790 = tpu.memref_squeeze %dma_wait3A_789 : memref<1x256x64xf32, #tpu.memory_space<vmem>> -> memref<256x64xf32, #tpu.memory_space<vmem>>
    %dma_wait3A_791 = arith.constant 0 : i32
    %dma_wait3A_792 = tpu.memref_slice %arg5[%dma_wait3A_784, %dma_wait3A_785, %dma_wait3A_791] : memref<3x2x256xi32, #tpu.memory_space<vmem>> -> memref<1x1x256xi32, #tpu.memory_space<vmem>>
    %dma_wait3A_793 = tpu.memref_squeeze %dma_wait3A_792 : memref<1x1x256xi32, #tpu.memory_space<vmem>> -> memref<256xi32, #tpu.memory_space<vmem>>
    %dma_wait3A_794 = arith.constant 0 : i32
    %dma_wait3A_795 = arith.constant 0 : i32
    %dma_wait3A_796 = tpu.memref_slice %arg2[%dma_wait3A_794, %dma_wait3A_795] : memref<114688x64xf32, #tpu.memory_space<hbm>> -> memref<114688x64xf32, #tpu.memory_space<hbm>>
    tpu.wait_indirect_dma semaphore(%arg13 : memref<!tpu.dma_semaphore, #tpu.memory_space<semaphore_mem>>) src(%dma_wait3A_796 : memref<114688x64xf32, #tpu.memory_space<hbm>>) dst(%dma_wait3A_790 : memref<256x64xf32, #tpu.memory_space<vmem>>)
    %add3A_797 = arith.constant 1024 : i32
    %add3A_798 = arith.addi %mul3A_2, %add3A_797 : i32
    %jit3A_799 = arith.constant 2 : i32
    %div3A_800 = arith.divsi %add3A_798, %jit3A_799 : i32
    %sign3A_801 = arith.constant 0 : i32
    %sign3A_802 = arith.cmpi sgt, %add3A_798, %sign3A_801 : i32
    %sign3A_803 = arith.extui %sign3A_802 : i1 to i32
    %sign3A_804 = arith.constant 0 : i32
    %sign3A_805 = arith.cmpi slt, %add3A_798, %sign3A_804 : i32
    %sign3A_806 = arith.extui %sign3A_805 : i1 to i32
    %sign3A_807 = arith.subi %sign3A_803, %sign3A_806 : i32
    %sign3A_808 = arith.constant 0 : i32
    %sign3A_809 = arith.cmpi sgt, %jit3A_799, %sign3A_808 : i32
    %sign3A_810 = arith.extui %sign3A_809 : i1 to i32
    %sign3A_811 = arith.constant 0 : i32
    %sign3A_812 = arith.cmpi slt, %jit3A_799, %sign3A_811 : i32
    %sign3A_813 = arith.extui %sign3A_812 : i1 to i32
    %sign3A_814 = arith.subi %sign3A_810, %sign3A_813 : i32
    %ne3A_815 = arith.cmpi ne, %sign3A_807, %sign3A_814 : i32
    %rem3A_816 = arith.remsi %add3A_798, %jit3A_799 : i32
    %ne3A_817 = arith.constant 0 : i32
    %ne3A_818 = arith.cmpi ne, %rem3A_816, %ne3A_817 : i32
    %and3A_819 = arith.andi %ne3A_815, %ne3A_818 : i1
    %sub3A_820 = arith.constant 1 : i32
    %sub3A_821 = arith.subi %div3A_800, %sub3A_820 : i32
    %select_n3A_822 = arith.select %and3A_819, %sub3A_821, %div3A_800 : i32
    %dma_start3A_823 = arith.constant 2 : i32
    %dma_start3A_824 = arith.constant 0 : i32
    %dma_start3A_825 = arith.constant 0 : i32
    %dma_start3A_826 = arith.constant 0 : i32
    %dma_start3A_827 = tpu.memref_slice %arg6[%dma_start3A_823, %dma_start3A_825, %dma_start3A_826] : memref<3x256x64xf32, #tpu.memory_space<vmem>> -> memref<1x256x64xf32, #tpu.memory_space<vmem>>
    %dma_start3A_828 = tpu.memref_squeeze %dma_start3A_827 : memref<1x256x64xf32, #tpu.memory_space<vmem>> -> memref<256x64xf32, #tpu.memory_space<vmem>>
    %dma_start3A_829 = arith.constant 0 : i32
    %dma_start3A_830 = tpu.memref_slice %arg4[%select_n3A_822, %dma_start3A_824, %dma_start3A_829] : memref<49152x2x64xf32, #tpu.memory_space<hbm>> -> memref<256x1x64xf32, #tpu.memory_space<hbm>>
    %dma_start3A_831 = tpu.memref_squeeze %dma_start3A_830 : memref<256x1x64xf32, #tpu.memory_space<hbm>> -> memref<256x64xf32, #tpu.memory_space<hbm>>
    %dma_start3A_832 = arith.constant 0 : i32
    %dma_start3A_833 = tpu.memref_slice %arg4[%select_n3A_822, %dma_start3A_824, %dma_start3A_832] : memref<49152x2x64xf32, #tpu.memory_space<hbm>> -> memref<256x1x64xf32, #tpu.memory_space<hbm>>
    %dma_start3A_834 = tpu.memref_squeeze %dma_start3A_833 : memref<256x1x64xf32, #tpu.memory_space<hbm>> -> memref<256x64xf32, #tpu.memory_space<hbm>>
    %dma_start3A_835 = arith.constant 0 : i32
    %dma_start3A_836 = arith.constant 0 : i32
    %dma_start3A_837 = tpu.memref_slice %arg6[%dma_start3A_823, %dma_start3A_835, %dma_start3A_836] : memref<3x256x64xf32, #tpu.memory_space<vmem>> -> memref<1x256x64xf32, #tpu.memory_space<vmem>>
    %dma_start3A_838 = tpu.memref_squeeze %dma_start3A_837 : memref<1x256x64xf32, #tpu.memory_space<vmem>> -> memref<256x64xf32, #tpu.memory_space<vmem>>
    tpu.enqueue_dma source(%dma_start3A_838 : memref<256x64xf32, #tpu.memory_space<vmem>>) target(%dma_start3A_834 : memref<256x64xf32, #tpu.memory_space<hbm>>) target_semaphore(%arg16 : memref<!tpu.dma_semaphore, #tpu.memory_space<semaphore_mem>>)
    %dma_start3A_839 = arith.constant 2 : i32
    %dma_start3A_840 = arith.constant 1 : i32
    %dma_start3A_841 = arith.constant 0 : i32
    %dma_start3A_842 = arith.constant 0 : i32
    %dma_start3A_843 = tpu.memref_slice %arg7[%dma_start3A_839, %dma_start3A_841, %dma_start3A_842] : memref<3x256x64xf32, #tpu.memory_space<vmem>> -> memref<1x256x64xf32, #tpu.memory_space<vmem>>
    %dma_start3A_844 = tpu.memref_squeeze %dma_start3A_843 : memref<1x256x64xf32, #tpu.memory_space<vmem>> -> memref<256x64xf32, #tpu.memory_space<vmem>>
    %dma_start3A_845 = arith.constant 0 : i32
    %dma_start3A_846 = tpu.memref_slice %arg4[%select_n3A_822, %dma_start3A_840, %dma_start3A_845] : memref<49152x2x64xf32, #tpu.memory_space<hbm>> -> memref<256x1x64xf32, #tpu.memory_space<hbm>>
    %dma_start3A_847 = tpu.memref_squeeze %dma_start3A_846 : memref<256x1x64xf32, #tpu.memory_space<hbm>> -> memref<256x64xf32, #tpu.memory_space<hbm>>
    %dma_start3A_848 = arith.constant 0 : i32
    %dma_start3A_849 = tpu.memref_slice %arg4[%select_n3A_822, %dma_start3A_840, %dma_start3A_848] : memref<49152x2x64xf32, #tpu.memory_space<hbm>> -> memref<256x1x64xf32, #tpu.memory_space<hbm>>
    %dma_start3A_850 = tpu.memref_squeeze %dma_start3A_849 : memref<256x1x64xf32, #tpu.memory_space<hbm>> -> memref<256x64xf32, #tpu.memory_space<hbm>>
    %dma_start3A_851 = arith.constant 0 : i32
    %dma_start3A_852 = arith.constant 0 : i32
    %dma_start3A_853 = tpu.memref_slice %arg7[%dma_start3A_839, %dma_start3A_851, %dma_start3A_852] : memref<3x256x64xf32, #tpu.memory_space<vmem>> -> memref<1x256x64xf32, #tpu.memory_space<vmem>>
    %dma_start3A_854 = tpu.memref_squeeze %dma_start3A_853 : memref<1x256x64xf32, #tpu.memory_space<vmem>> -> memref<256x64xf32, #tpu.memory_space<vmem>>
    tpu.enqueue_dma source(%dma_start3A_854 : memref<256x64xf32, #tpu.memory_space<vmem>>) target(%dma_start3A_850 : memref<256x64xf32, #tpu.memory_space<hbm>>) target_semaphore(%arg16 : memref<!tpu.dma_semaphore, #tpu.memory_space<semaphore_mem>>)
    %dma_wait3A_855 = arith.constant 0 : i32
    %dma_wait3A_856 = arith.constant 0 : i32
    %dma_wait3A_857 = arith.constant 0 : i32
    %dma_wait3A_858 = arith.constant 0 : i32
    %dma_wait3A_859 = tpu.memref_slice %arg6[%dma_wait3A_855, %dma_wait3A_857, %dma_wait3A_858] : memref<3x256x64xf32, #tpu.memory_space<vmem>> -> memref<1x256x64xf32, #tpu.memory_space<vmem>>
    %dma_wait3A_860 = tpu.memref_squeeze %dma_wait3A_859 : memref<1x256x64xf32, #tpu.memory_space<vmem>> -> memref<256x64xf32, #tpu.memory_space<vmem>>
    %dma_wait3A_861 = arith.constant 0 : i32
    %dma_wait3A_862 = tpu.memref_slice %arg4[%select_n3A_372, %dma_wait3A_856, %dma_wait3A_861] : memref<49152x2x64xf32, #tpu.memory_space<hbm>> -> memref<256x1x64xf32, #tpu.memory_space<hbm>>
    %dma_wait3A_863 = tpu.memref_squeeze %dma_wait3A_862 : memref<256x1x64xf32, #tpu.memory_space<hbm>> -> memref<256x64xf32, #tpu.memory_space<hbm>>
    %dma_wait3A_864 = arith.constant 0 : i32
    %dma_wait3A_865 = tpu.memref_slice %arg4[%select_n3A_372, %dma_wait3A_856, %dma_wait3A_864] : memref<49152x2x64xf32, #tpu.memory_space<hbm>> -> memref<256x1x64xf32, #tpu.memory_space<hbm>>
    %dma_wait3A_866 = tpu.memref_squeeze %dma_wait3A_865 : memref<256x1x64xf32, #tpu.memory_space<hbm>> -> memref<256x64xf32, #tpu.memory_space<hbm>>
    %dma_wait3A_867 = arith.constant 0 : i32
    %dma_wait3A_868 = arith.constant 0 : i32
    %dma_wait3A_869 = tpu.memref_slice %arg6[%dma_wait3A_855, %dma_wait3A_867, %dma_wait3A_868] : memref<3x256x64xf32, #tpu.memory_space<vmem>> -> memref<1x256x64xf32, #tpu.memory_space<vmem>>
    %dma_wait3A_870 = tpu.memref_squeeze %dma_wait3A_869 : memref<1x256x64xf32, #tpu.memory_space<vmem>> -> memref<256x64xf32, #tpu.memory_space<vmem>>
    tpu.wait_dma2 semaphore(%arg14 : memref<!tpu.dma_semaphore, #tpu.memory_space<semaphore_mem>>) src(%dma_wait3A_870 : memref<256x64xf32, #tpu.memory_space<vmem>>) dst(%dma_wait3A_866 : memref<256x64xf32, #tpu.memory_space<hbm>>)
    %dma_wait3A_871 = arith.constant 0 : i32
    %dma_wait3A_872 = arith.constant 1 : i32
    %dma_wait3A_873 = arith.constant 0 : i32
    %dma_wait3A_874 = arith.constant 0 : i32
    %dma_wait3A_875 = tpu.memref_slice %arg7[%dma_wait3A_871, %dma_wait3A_873, %dma_wait3A_874] : memref<3x256x64xf32, #tpu.memory_space<vmem>> -> memref<1x256x64xf32, #tpu.memory_space<vmem>>
    %dma_wait3A_876 = tpu.memref_squeeze %dma_wait3A_875 : memref<1x256x64xf32, #tpu.memory_space<vmem>> -> memref<256x64xf32, #tpu.memory_space<vmem>>
    %dma_wait3A_877 = arith.constant 0 : i32
    %dma_wait3A_878 = tpu.memref_slice %arg4[%select_n3A_372, %dma_wait3A_872, %dma_wait3A_877] : memref<49152x2x64xf32, #tpu.memory_space<hbm>> -> memref<256x1x64xf32, #tpu.memory_space<hbm>>
    %dma_wait3A_879 = tpu.memref_squeeze %dma_wait3A_878 : memref<256x1x64xf32, #tpu.memory_space<hbm>> -> memref<256x64xf32, #tpu.memory_space<hbm>>
    %dma_wait3A_880 = arith.constant 0 : i32
    %dma_wait3A_881 = tpu.memref_slice %arg4[%select_n3A_372, %dma_wait3A_872, %dma_wait3A_880] : memref<49152x2x64xf32, #tpu.memory_space<hbm>> -> memref<256x1x64xf32, #tpu.memory_space<hbm>>
    %dma_wait3A_882 = tpu.memref_squeeze %dma_wait3A_881 : memref<256x1x64xf32, #tpu.memory_space<hbm>> -> memref<256x64xf32, #tpu.memory_space<hbm>>
    %dma_wait3A_883 = arith.constant 0 : i32
    %dma_wait3A_884 = arith.constant 0 : i32
    %dma_wait3A_885 = tpu.memref_slice %arg7[%dma_wait3A_871, %dma_wait3A_883, %dma_wait3A_884] : memref<3x256x64xf32, #tpu.memory_space<vmem>> -> memref<1x256x64xf32, #tpu.memory_space<vmem>>
    %dma_wait3A_886 = tpu.memref_squeeze %dma_wait3A_885 : memref<1x256x64xf32, #tpu.memory_space<vmem>> -> memref<256x64xf32, #tpu.memory_space<vmem>>
    tpu.wait_dma2 semaphore(%arg14 : memref<!tpu.dma_semaphore, #tpu.memory_space<semaphore_mem>>) src(%dma_wait3A_886 : memref<256x64xf32, #tpu.memory_space<vmem>>) dst(%dma_wait3A_882 : memref<256x64xf32, #tpu.memory_space<hbm>>)
    %dma_wait3A_887 = arith.constant 0 : i32
    %dma_wait3A_888 = arith.constant 0 : i32
    %dma_wait3A_889 = arith.constant 0 : i32
    %dma_wait3A_890 = tpu.memref_slice %arg5[%dma_wait3A_887, %dma_wait3A_888, %dma_wait3A_889] : memref<3x2x256xi32, #tpu.memory_space<vmem>> -> memref<1x1x256xi32, #tpu.memory_space<vmem>>
    %dma_wait3A_891 = tpu.memref_squeeze %dma_wait3A_890 : memref<1x1x256xi32, #tpu.memory_space<vmem>> -> memref<256xi32, #tpu.memory_space<vmem>>
    %dma_wait3A_892 = tpu.memref_slice %arg3[%add3A_520] : memref<98304xi32, #tpu.memory_space<hbm>> -> memref<256xi32, #tpu.memory_space<hbm>>
    %dma_wait3A_893 = arith.constant 0 : i32
    %dma_wait3A_894 = tpu.memref_slice %arg5[%dma_wait3A_887, %dma_wait3A_888, %dma_wait3A_893] : memref<3x2x256xi32, #tpu.memory_space<vmem>> -> memref<1x1x256xi32, #tpu.memory_space<vmem>>
    %dma_wait3A_895 = tpu.memref_squeeze %dma_wait3A_894 : memref<1x1x256xi32, #tpu.memory_space<vmem>> -> memref<256xi32, #tpu.memory_space<vmem>>
    %dma_wait3A_896 = tpu.memref_slice %arg3[%add3A_520] : memref<98304xi32, #tpu.memory_space<hbm>> -> memref<256xi32, #tpu.memory_space<hbm>>
    tpu.wait_dma2 semaphore(%arg8 : memref<!tpu.dma_semaphore, #tpu.memory_space<semaphore_mem>>) src(%dma_wait3A_896 : memref<256xi32, #tpu.memory_space<hbm>>) dst(%dma_wait3A_895 : memref<256xi32, #tpu.memory_space<vmem>>)
    %dma_wait3A_897 = arith.constant 0 : i32
    %dma_wait3A_898 = arith.constant 1 : i32
    %dma_wait3A_899 = arith.constant 0 : i32
    %dma_wait3A_900 = tpu.memref_slice %arg5[%dma_wait3A_897, %dma_wait3A_898, %dma_wait3A_899] : memref<3x2x256xi32, #tpu.memory_space<vmem>> -> memref<1x1x256xi32, #tpu.memory_space<vmem>>
    %dma_wait3A_901 = tpu.memref_squeeze %dma_wait3A_900 : memref<1x1x256xi32, #tpu.memory_space<vmem>> -> memref<256xi32, #tpu.memory_space<vmem>>
    %dma_wait3A_902 = tpu.memref_slice %arg3[%add3A_535] : memref<98304xi32, #tpu.memory_space<hbm>> -> memref<256xi32, #tpu.memory_space<hbm>>
    %dma_wait3A_903 = arith.constant 0 : i32
    %dma_wait3A_904 = tpu.memref_slice %arg5[%dma_wait3A_897, %dma_wait3A_898, %dma_wait3A_903] : memref<3x2x256xi32, #tpu.memory_space<vmem>> -> memref<1x1x256xi32, #tpu.memory_space<vmem>>
    %dma_wait3A_905 = tpu.memref_squeeze %dma_wait3A_904 : memref<1x1x256xi32, #tpu.memory_space<vmem>> -> memref<256xi32, #tpu.memory_space<vmem>>
    %dma_wait3A_906 = tpu.memref_slice %arg3[%add3A_535] : memref<98304xi32, #tpu.memory_space<hbm>> -> memref<256xi32, #tpu.memory_space<hbm>>
    tpu.wait_dma2 semaphore(%arg8 : memref<!tpu.dma_semaphore, #tpu.memory_space<semaphore_mem>>) src(%dma_wait3A_906 : memref<256xi32, #tpu.memory_space<hbm>>) dst(%dma_wait3A_905 : memref<256xi32, #tpu.memory_space<vmem>>)
    %dma_start3A_907 = arith.constant 0 : i32
    %dma_start3A_908 = arith.constant 0 : i32
    %dma_start3A_909 = arith.constant 0 : i32
    %dma_start3A_910 = arith.constant 0 : i32
    %dma_start3A_911 = arith.constant 0 : i32
    %dma_start3A_912 = tpu.memref_slice %arg6[%dma_start3A_909, %dma_start3A_910, %dma_start3A_911] : memref<3x256x64xf32, #tpu.memory_space<vmem>> -> memref<1x256x64xf32, #tpu.memory_space<vmem>>
    %dma_start3A_913 = tpu.memref_squeeze %dma_start3A_912 : memref<1x256x64xf32, #tpu.memory_space<vmem>> -> memref<256x64xf32, #tpu.memory_space<vmem>>
    %dma_start3A_914 = arith.constant 0 : i32
    %dma_start3A_915 = tpu.memref_slice %arg5[%dma_start3A_907, %dma_start3A_908, %dma_start3A_914] : memref<3x2x256xi32, #tpu.memory_space<vmem>> -> memref<1x1x256xi32, #tpu.memory_space<vmem>>
    %dma_start3A_916 = tpu.memref_squeeze %dma_start3A_915 : memref<1x1x256xi32, #tpu.memory_space<vmem>> -> memref<256xi32, #tpu.memory_space<vmem>>
    %dma_start3A_917 = arith.constant 0 : i32
    %dma_start3A_918 = arith.constant 0 : i32
    %dma_start3A_919 = tpu.memref_slice %arg2[%dma_start3A_917, %dma_start3A_918] : memref<114688x64xf32, #tpu.memory_space<hbm>> -> memref<114688x64xf32, #tpu.memory_space<hbm>>
    tpu.enqueue_indirect_dma source(%dma_start3A_919 : memref<114688x64xf32, #tpu.memory_space<hbm>>) target(%dma_start3A_913 : memref<256x64xf32, #tpu.memory_space<vmem>>) offsets(%dma_start3A_916 : memref<256xi32, #tpu.memory_space<vmem>>) semaphore(%arg11 : memref<!tpu.dma_semaphore, #tpu.memory_space<semaphore_mem>>)
    %dma_start3A_920 = arith.constant 0 : i32
    %dma_start3A_921 = arith.constant 1 : i32
    %dma_start3A_922 = arith.constant 0 : i32
    %dma_start3A_923 = arith.constant 0 : i32
    %dma_start3A_924 = arith.constant 0 : i32
    %dma_start3A_925 = tpu.memref_slice %arg7[%dma_start3A_922, %dma_start3A_923, %dma_start3A_924] : memref<3x256x64xf32, #tpu.memory_space<vmem>> -> memref<1x256x64xf32, #tpu.memory_space<vmem>>
    %dma_start3A_926 = tpu.memref_squeeze %dma_start3A_925 : memref<1x256x64xf32, #tpu.memory_space<vmem>> -> memref<256x64xf32, #tpu.memory_space<vmem>>
    %dma_start3A_927 = arith.constant 0 : i32
    %dma_start3A_928 = tpu.memref_slice %arg5[%dma_start3A_920, %dma_start3A_921, %dma_start3A_927] : memref<3x2x256xi32, #tpu.memory_space<vmem>> -> memref<1x1x256xi32, #tpu.memory_space<vmem>>
    %dma_start3A_929 = tpu.memref_squeeze %dma_start3A_928 : memref<1x1x256xi32, #tpu.memory_space<vmem>> -> memref<256xi32, #tpu.memory_space<vmem>>
    %dma_start3A_930 = arith.constant 0 : i32
    %dma_start3A_931 = arith.constant 0 : i32
    %dma_start3A_932 = tpu.memref_slice %arg2[%dma_start3A_930, %dma_start3A_931] : memref<114688x64xf32, #tpu.memory_space<hbm>> -> memref<114688x64xf32, #tpu.memory_space<hbm>>
    tpu.enqueue_indirect_dma source(%dma_start3A_932 : memref<114688x64xf32, #tpu.memory_space<hbm>>) target(%dma_start3A_926 : memref<256x64xf32, #tpu.memory_space<vmem>>) offsets(%dma_start3A_929 : memref<256xi32, #tpu.memory_space<vmem>>) semaphore(%arg11 : memref<!tpu.dma_semaphore, #tpu.memory_space<semaphore_mem>>)
    %add3A_933 = arith.constant 2560 : i32
    %add3A_934 = arith.addi %mul3A_2, %add3A_933 : i32
    %jit3A_935 = arith.constant 32768 : i32
    %div3A_936 = arith.divsi %add3A_934, %jit3A_935 : i32
    %sign3A_937 = arith.constant 0 : i32
    %sign3A_938 = arith.cmpi sgt, %add3A_934, %sign3A_937 : i32
    %sign3A_939 = arith.extui %sign3A_938 : i1 to i32
    %sign3A_940 = arith.constant 0 : i32
    %sign3A_941 = arith.cmpi slt, %add3A_934, %sign3A_940 : i32
    %sign3A_942 = arith.extui %sign3A_941 : i1 to i32
    %sign3A_943 = arith.subi %sign3A_939, %sign3A_942 : i32
    %sign3A_944 = arith.constant 0 : i32
    %sign3A_945 = arith.cmpi sgt, %jit3A_935, %sign3A_944 : i32
    %sign3A_946 = arith.extui %sign3A_945 : i1 to i32
    %sign3A_947 = arith.constant 0 : i32
    %sign3A_948 = arith.cmpi slt, %jit3A_935, %sign3A_947 : i32
    %sign3A_949 = arith.extui %sign3A_948 : i1 to i32
    %sign3A_950 = arith.subi %sign3A_946, %sign3A_949 : i32
    %ne3A_951 = arith.cmpi ne, %sign3A_943, %sign3A_950 : i32
    %rem3A_952 = arith.remsi %add3A_934, %jit3A_935 : i32
    %ne3A_953 = arith.constant 0 : i32
    %ne3A_954 = arith.cmpi ne, %rem3A_952, %ne3A_953 : i32
    %and3A_955 = arith.andi %ne3A_951, %ne3A_954 : i1
    %sub3A_956 = arith.constant 1 : i32
    %sub3A_957 = arith.subi %div3A_936, %sub3A_956 : i32
    %select_n3A_958 = arith.select %and3A_955, %sub3A_957, %div3A_936 : i32
    %jit3A_959 = arith.constant 32768 : i32
    %eq3A_960 = arith.constant 0 : i32
    %eq3A_961 = arith.cmpi eq, %jit3A_959, %eq3A_960 : i32
    %jit3A_962 = arith.constant 1 : i32
    %select_n3A_963 = arith.select %eq3A_961, %jit3A_962, %jit3A_959 : i32
    %rem3A_964 = arith.remsi %add3A_934, %select_n3A_963 : i32
    %ne3A_965 = arith.constant 0 : i32
    %ne3A_966 = arith.cmpi ne, %rem3A_964, %ne3A_965 : i32
    %lt3A_967 = arith.constant 0 : i32
    %lt3A_968 = arith.cmpi slt, %rem3A_964, %lt3A_967 : i32
    %lt3A_969 = arith.constant 0 : i32
    %lt3A_970 = arith.cmpi slt, %select_n3A_963, %lt3A_969 : i32
    %ne3A_971 = arith.xori %lt3A_968, %lt3A_970 : i1
    %and3A_972 = arith.andi %ne3A_971, %ne3A_966 : i1
    %add3A_973 = arith.addi %rem3A_964, %select_n3A_963 : i32
    %select_n3A_974 = arith.select %and3A_972, %add3A_973, %rem3A_964 : i32
    %jit3A_975 = arith.constant 2 : i32
    %div3A_976 = arith.divsi %select_n3A_974, %jit3A_975 : i32
    %sign3A_977 = arith.constant 0 : i32
    %sign3A_978 = arith.cmpi sgt, %select_n3A_974, %sign3A_977 : i32
    %sign3A_979 = arith.extui %sign3A_978 : i1 to i32
    %sign3A_980 = arith.constant 0 : i32
    %sign3A_981 = arith.cmpi slt, %select_n3A_974, %sign3A_980 : i32
    %sign3A_982 = arith.extui %sign3A_981 : i1 to i32
    %sign3A_983 = arith.subi %sign3A_979, %sign3A_982 : i32
    %sign3A_984 = arith.constant 0 : i32
    %sign3A_985 = arith.cmpi sgt, %jit3A_975, %sign3A_984 : i32
    %sign3A_986 = arith.extui %sign3A_985 : i1 to i32
    %sign3A_987 = arith.constant 0 : i32
    %sign3A_988 = arith.cmpi slt, %jit3A_975, %sign3A_987 : i32
    %sign3A_989 = arith.extui %sign3A_988 : i1 to i32
    %sign3A_990 = arith.subi %sign3A_986, %sign3A_989 : i32
    %ne3A_991 = arith.cmpi ne, %sign3A_983, %sign3A_990 : i32
    %rem3A_992 = arith.remsi %select_n3A_974, %jit3A_975 : i32
    %ne3A_993 = arith.constant 0 : i32
    %ne3A_994 = arith.cmpi ne, %rem3A_992, %ne3A_993 : i32
    %and3A_995 = arith.andi %ne3A_991, %ne3A_994 : i1
    %sub3A_996 = arith.constant 1 : i32
    %sub3A_997 = arith.subi %div3A_976, %sub3A_996 : i32
    %select_n3A_998 = arith.select %and3A_995, %sub3A_997, %div3A_976 : i32
    %multiple_of3A_999 = tpu.assume_multiple %select_n3A_998, 256 : i32
    %mul3A_1000 = arith.constant 16384 : i32
    %mul3A_1001 = arith.muli %select_n3A_958, %mul3A_1000 : i32
    %add3A_1002 = arith.addi %mul3A_1001, %multiple_of3A_999 : i32
    %dma_start3A_1003 = arith.constant 2 : i32
    %dma_start3A_1004 = arith.constant 0 : i32
    %dma_start3A_1005 = arith.constant 0 : i32
    %dma_start3A_1006 = tpu.memref_slice %arg5[%dma_start3A_1003, %dma_start3A_1004, %dma_start3A_1005] : memref<3x2x256xi32, #tpu.memory_space<vmem>> -> memref<1x1x256xi32, #tpu.memory_space<vmem>>
    %dma_start3A_1007 = tpu.memref_squeeze %dma_start3A_1006 : memref<1x1x256xi32, #tpu.memory_space<vmem>> -> memref<256xi32, #tpu.memory_space<vmem>>
    %dma_start3A_1008 = tpu.memref_slice %arg3[%add3A_1002] : memref<98304xi32, #tpu.memory_space<hbm>> -> memref<256xi32, #tpu.memory_space<hbm>>
    %dma_start3A_1009 = arith.constant 0 : i32
    %dma_start3A_1010 = tpu.memref_slice %arg5[%dma_start3A_1003, %dma_start3A_1004, %dma_start3A_1009] : memref<3x2x256xi32, #tpu.memory_space<vmem>> -> memref<1x1x256xi32, #tpu.memory_space<vmem>>
    %dma_start3A_1011 = tpu.memref_squeeze %dma_start3A_1010 : memref<1x1x256xi32, #tpu.memory_space<vmem>> -> memref<256xi32, #tpu.memory_space<vmem>>
    %dma_start3A_1012 = tpu.memref_slice %arg3[%add3A_1002] : memref<98304xi32, #tpu.memory_space<hbm>> -> memref<256xi32, #tpu.memory_space<hbm>>
    tpu.enqueue_dma source(%dma_start3A_1012 : memref<256xi32, #tpu.memory_space<hbm>>) target(%dma_start3A_1011 : memref<256xi32, #tpu.memory_space<vmem>>) target_semaphore(%arg10 : memref<!tpu.dma_semaphore, #tpu.memory_space<semaphore_mem>>)
    %add3A_1013 = arith.constant 3 : i32
    %add3A_1014 = arith.addi %add3A_1013, %select_n3A_958 : i32
    %mul3A_1015 = arith.constant 16384 : i32
    %mul3A_1016 = arith.muli %add3A_1014, %mul3A_1015 : i32
    %add3A_1017 = arith.addi %mul3A_1016, %multiple_of3A_999 : i32
    %dma_start3A_1018 = arith.constant 2 : i32
    %dma_start3A_1019 = arith.constant 1 : i32
    %dma_start3A_1020 = arith.constant 0 : i32
    %dma_start3A_1021 = tpu.memref_slice %arg5[%dma_start3A_1018, %dma_start3A_1019, %dma_start3A_1020] : memref<3x2x256xi32, #tpu.memory_space<vmem>> -> memref<1x1x256xi32, #tpu.memory_space<vmem>>
    %dma_start3A_1022 = tpu.memref_squeeze %dma_start3A_1021 : memref<1x1x256xi32, #tpu.memory_space<vmem>> -> memref<256xi32, #tpu.memory_space<vmem>>
    %dma_start3A_1023 = tpu.memref_slice %arg3[%add3A_1017] : memref<98304xi32, #tpu.memory_space<hbm>> -> memref<256xi32, #tpu.memory_space<hbm>>
    %dma_start3A_1024 = arith.constant 0 : i32
    %dma_start3A_1025 = tpu.memref_slice %arg5[%dma_start3A_1018, %dma_start3A_1019, %dma_start3A_1024] : memref<3x2x256xi32, #tpu.memory_space<vmem>> -> memref<1x1x256xi32, #tpu.memory_space<vmem>>
    %dma_start3A_1026 = tpu.memref_squeeze %dma_start3A_1025 : memref<1x1x256xi32, #tpu.memory_space<vmem>> -> memref<256xi32, #tpu.memory_space<vmem>>
    %dma_start3A_1027 = tpu.memref_slice %arg3[%add3A_1017] : memref<98304xi32, #tpu.memory_space<hbm>> -> memref<256xi32, #tpu.memory_space<hbm>>
    tpu.enqueue_dma source(%dma_start3A_1027 : memref<256xi32, #tpu.memory_space<hbm>>) target(%dma_start3A_1026 : memref<256xi32, #tpu.memory_space<vmem>>) target_semaphore(%arg10 : memref<!tpu.dma_semaphore, #tpu.memory_space<semaphore_mem>>)
    %dma_wait3A_1028 = arith.constant 0 : i32
    %dma_wait3A_1029 = arith.constant 0 : i32
    %dma_wait3A_1030 = arith.constant 0 : i32
    %dma_wait3A_1031 = arith.constant 0 : i32
    %dma_wait3A_1032 = arith.constant 0 : i32
    %dma_wait3A_1033 = tpu.memref_slice %arg6[%dma_wait3A_1030, %dma_wait3A_1031, %dma_wait3A_1032] : memref<3x256x64xf32, #tpu.memory_space<vmem>> -> memref<1x256x64xf32, #tpu.memory_space<vmem>>
    %dma_wait3A_1034 = tpu.memref_squeeze %dma_wait3A_1033 : memref<1x256x64xf32, #tpu.memory_space<vmem>> -> memref<256x64xf32, #tpu.memory_space<vmem>>
    %dma_wait3A_1035 = arith.constant 0 : i32
    %dma_wait3A_1036 = tpu.memref_slice %arg5[%dma_wait3A_1028, %dma_wait3A_1029, %dma_wait3A_1035] : memref<3x2x256xi32, #tpu.memory_space<vmem>> -> memref<1x1x256xi32, #tpu.memory_space<vmem>>
    %dma_wait3A_1037 = tpu.memref_squeeze %dma_wait3A_1036 : memref<1x1x256xi32, #tpu.memory_space<vmem>> -> memref<256xi32, #tpu.memory_space<vmem>>
    %dma_wait3A_1038 = arith.constant 0 : i32
    %dma_wait3A_1039 = arith.constant 0 : i32
    %dma_wait3A_1040 = tpu.memref_slice %arg2[%dma_wait3A_1038, %dma_wait3A_1039] : memref<114688x64xf32, #tpu.memory_space<hbm>> -> memref<114688x64xf32, #tpu.memory_space<hbm>>
    tpu.wait_indirect_dma semaphore(%arg11 : memref<!tpu.dma_semaphore, #tpu.memory_space<semaphore_mem>>) src(%dma_wait3A_1040 : memref<114688x64xf32, #tpu.memory_space<hbm>>) dst(%dma_wait3A_1034 : memref<256x64xf32, #tpu.memory_space<vmem>>)
    %dma_wait3A_1041 = arith.constant 0 : i32
    %dma_wait3A_1042 = arith.constant 1 : i32
    %dma_wait3A_1043 = arith.constant 0 : i32
    %dma_wait3A_1044 = arith.constant 0 : i32
    %dma_wait3A_1045 = arith.constant 0 : i32
    %dma_wait3A_1046 = tpu.memref_slice %arg7[%dma_wait3A_1043, %dma_wait3A_1044, %dma_wait3A_1045] : memref<3x256x64xf32, #tpu.memory_space<vmem>> -> memref<1x256x64xf32, #tpu.memory_space<vmem>>
    %dma_wait3A_1047 = tpu.memref_squeeze %dma_wait3A_1046 : memref<1x256x64xf32, #tpu.memory_space<vmem>> -> memref<256x64xf32, #tpu.memory_space<vmem>>
    %dma_wait3A_1048 = arith.constant 0 : i32
    %dma_wait3A_1049 = tpu.memref_slice %arg5[%dma_wait3A_1041, %dma_wait3A_1042, %dma_wait3A_1048] : memref<3x2x256xi32, #tpu.memory_space<vmem>> -> memref<1x1x256xi32, #tpu.memory_space<vmem>>
    %dma_wait3A_1050 = tpu.memref_squeeze %dma_wait3A_1049 : memref<1x1x256xi32, #tpu.memory_space<vmem>> -> memref<256xi32, #tpu.memory_space<vmem>>
    %dma_wait3A_1051 = arith.constant 0 : i32
    %dma_wait3A_1052 = arith.constant 0 : i32
    %dma_wait3A_1053 = tpu.memref_slice %arg2[%dma_wait3A_1051, %dma_wait3A_1052] : memref<114688x64xf32, #tpu.memory_space<hbm>> -> memref<114688x64xf32, #tpu.memory_space<hbm>>
    tpu.wait_indirect_dma semaphore(%arg11 : memref<!tpu.dma_semaphore, #tpu.memory_space<semaphore_mem>>) src(%dma_wait3A_1053 : memref<114688x64xf32, #tpu.memory_space<hbm>>) dst(%dma_wait3A_1047 : memref<256x64xf32, #tpu.memory_space<vmem>>)
    %add3A_1054 = arith.constant 1536 : i32
    %add3A_1055 = arith.addi %mul3A_2, %add3A_1054 : i32
    %jit3A_1056 = arith.constant 2 : i32
    %div3A_1057 = arith.divsi %add3A_1055, %jit3A_1056 : i32
    %sign3A_1058 = arith.constant 0 : i32
    %sign3A_1059 = arith.cmpi sgt, %add3A_1055, %sign3A_1058 : i32
    %sign3A_1060 = arith.extui %sign3A_1059 : i1 to i32
    %sign3A_1061 = arith.constant 0 : i32
    %sign3A_1062 = arith.cmpi slt, %add3A_1055, %sign3A_1061 : i32
    %sign3A_1063 = arith.extui %sign3A_1062 : i1 to i32
    %sign3A_1064 = arith.subi %sign3A_1060, %sign3A_1063 : i32
    %sign3A_1065 = arith.constant 0 : i32
    %sign3A_1066 = arith.cmpi sgt, %jit3A_1056, %sign3A_1065 : i32
    %sign3A_1067 = arith.extui %sign3A_1066 : i1 to i32
    %sign3A_1068 = arith.constant 0 : i32
    %sign3A_1069 = arith.cmpi slt, %jit3A_1056, %sign3A_1068 : i32
    %sign3A_1070 = arith.extui %sign3A_1069 : i1 to i32
    %sign3A_1071 = arith.subi %sign3A_1067, %sign3A_1070 : i32
    %ne3A_1072 = arith.cmpi ne, %sign3A_1064, %sign3A_1071 : i32
    %rem3A_1073 = arith.remsi %add3A_1055, %jit3A_1056 : i32
    %ne3A_1074 = arith.constant 0 : i32
    %ne3A_1075 = arith.cmpi ne, %rem3A_1073, %ne3A_1074 : i32
    %and3A_1076 = arith.andi %ne3A_1072, %ne3A_1075 : i1
    %sub3A_1077 = arith.constant 1 : i32
    %sub3A_1078 = arith.subi %div3A_1057, %sub3A_1077 : i32
    %select_n3A_1079 = arith.select %and3A_1076, %sub3A_1078, %div3A_1057 : i32
    %dma_start3A_1080 = arith.constant 0 : i32
    %dma_start3A_1081 = arith.constant 0 : i32
    %dma_start3A_1082 = arith.constant 0 : i32
    %dma_start3A_1083 = arith.constant 0 : i32
    %dma_start3A_1084 = tpu.memref_slice %arg6[%dma_start3A_1080, %dma_start3A_1082, %dma_start3A_1083] : memref<3x256x64xf32, #tpu.memory_space<vmem>> -> memref<1x256x64xf32, #tpu.memory_space<vmem>>
    %dma_start3A_1085 = tpu.memref_squeeze %dma_start3A_1084 : memref<1x256x64xf32, #tpu.memory_space<vmem>> -> memref<256x64xf32, #tpu.memory_space<vmem>>
    %dma_start3A_1086 = arith.constant 0 : i32
    %dma_start3A_1087 = tpu.memref_slice %arg4[%select_n3A_1079, %dma_start3A_1081, %dma_start3A_1086] : memref<49152x2x64xf32, #tpu.memory_space<hbm>> -> memref<256x1x64xf32, #tpu.memory_space<hbm>>
    %dma_start3A_1088 = tpu.memref_squeeze %dma_start3A_1087 : memref<256x1x64xf32, #tpu.memory_space<hbm>> -> memref<256x64xf32, #tpu.memory_space<hbm>>
    %dma_start3A_1089 = arith.constant 0 : i32
    %dma_start3A_1090 = tpu.memref_slice %arg4[%select_n3A_1079, %dma_start3A_1081, %dma_start3A_1089] : memref<49152x2x64xf32, #tpu.memory_space<hbm>> -> memref<256x1x64xf32, #tpu.memory_space<hbm>>
    %dma_start3A_1091 = tpu.memref_squeeze %dma_start3A_1090 : memref<256x1x64xf32, #tpu.memory_space<hbm>> -> memref<256x64xf32, #tpu.memory_space<hbm>>
    %dma_start3A_1092 = arith.constant 0 : i32
    %dma_start3A_1093 = arith.constant 0 : i32
    %dma_start3A_1094 = tpu.memref_slice %arg6[%dma_start3A_1080, %dma_start3A_1092, %dma_start3A_1093] : memref<3x256x64xf32, #tpu.memory_space<vmem>> -> memref<1x256x64xf32, #tpu.memory_space<vmem>>
    %dma_start3A_1095 = tpu.memref_squeeze %dma_start3A_1094 : memref<1x256x64xf32, #tpu.memory_space<vmem>> -> memref<256x64xf32, #tpu.memory_space<vmem>>
    tpu.enqueue_dma source(%dma_start3A_1095 : memref<256x64xf32, #tpu.memory_space<vmem>>) target(%dma_start3A_1091 : memref<256x64xf32, #tpu.memory_space<hbm>>) target_semaphore(%arg14 : memref<!tpu.dma_semaphore, #tpu.memory_space<semaphore_mem>>)
    %dma_start3A_1096 = arith.constant 0 : i32
    %dma_start3A_1097 = arith.constant 1 : i32
    %dma_start3A_1098 = arith.constant 0 : i32
    %dma_start3A_1099 = arith.constant 0 : i32
    %dma_start3A_1100 = tpu.memref_slice %arg7[%dma_start3A_1096, %dma_start3A_1098, %dma_start3A_1099] : memref<3x256x64xf32, #tpu.memory_space<vmem>> -> memref<1x256x64xf32, #tpu.memory_space<vmem>>
    %dma_start3A_1101 = tpu.memref_squeeze %dma_start3A_1100 : memref<1x256x64xf32, #tpu.memory_space<vmem>> -> memref<256x64xf32, #tpu.memory_space<vmem>>
    %dma_start3A_1102 = arith.constant 0 : i32
    %dma_start3A_1103 = tpu.memref_slice %arg4[%select_n3A_1079, %dma_start3A_1097, %dma_start3A_1102] : memref<49152x2x64xf32, #tpu.memory_space<hbm>> -> memref<256x1x64xf32, #tpu.memory_space<hbm>>
    %dma_start3A_1104 = tpu.memref_squeeze %dma_start3A_1103 : memref<256x1x64xf32, #tpu.memory_space<hbm>> -> memref<256x64xf32, #tpu.memory_space<hbm>>
    %dma_start3A_1105 = arith.constant 0 : i32
    %dma_start3A_1106 = tpu.memref_slice %arg4[%select_n3A_1079, %dma_start3A_1097, %dma_start3A_1105] : memref<49152x2x64xf32, #tpu.memory_space<hbm>> -> memref<256x1x64xf32, #tpu.memory_space<hbm>>
    %dma_start3A_1107 = tpu.memref_squeeze %dma_start3A_1106 : memref<256x1x64xf32, #tpu.memory_space<hbm>> -> memref<256x64xf32, #tpu.memory_space<hbm>>
    %dma_start3A_1108 = arith.constant 0 : i32
    %dma_start3A_1109 = arith.constant 0 : i32
    %dma_start3A_1110 = tpu.memref_slice %arg7[%dma_start3A_1096, %dma_start3A_1108, %dma_start3A_1109] : memref<3x256x64xf32, #tpu.memory_space<vmem>> -> memref<1x256x64xf32, #tpu.memory_space<vmem>>
    %dma_start3A_1111 = tpu.memref_squeeze %dma_start3A_1110 : memref<1x256x64xf32, #tpu.memory_space<vmem>> -> memref<256x64xf32, #tpu.memory_space<vmem>>
    tpu.enqueue_dma source(%dma_start3A_1111 : memref<256x64xf32, #tpu.memory_space<vmem>>) target(%dma_start3A_1107 : memref<256x64xf32, #tpu.memory_space<hbm>>) target_semaphore(%arg14 : memref<!tpu.dma_semaphore, #tpu.memory_space<semaphore_mem>>)
    %dma_wait3A_1112 = arith.constant 1 : i32
    %dma_wait3A_1113 = arith.constant 0 : i32
    %dma_wait3A_1114 = arith.constant 0 : i32
    %dma_wait3A_1115 = arith.constant 0 : i32
    %dma_wait3A_1116 = tpu.memref_slice %arg6[%dma_wait3A_1112, %dma_wait3A_1114, %dma_wait3A_1115] : memref<3x256x64xf32, #tpu.memory_space<vmem>> -> memref<1x256x64xf32, #tpu.memory_space<vmem>>
    %dma_wait3A_1117 = tpu.memref_squeeze %dma_wait3A_1116 : memref<1x256x64xf32, #tpu.memory_space<vmem>> -> memref<256x64xf32, #tpu.memory_space<vmem>>
    %dma_wait3A_1118 = arith.constant 0 : i32
    %dma_wait3A_1119 = tpu.memref_slice %arg4[%select_n3A_597, %dma_wait3A_1113, %dma_wait3A_1118] : memref<49152x2x64xf32, #tpu.memory_space<hbm>> -> memref<256x1x64xf32, #tpu.memory_space<hbm>>
    %dma_wait3A_1120 = tpu.memref_squeeze %dma_wait3A_1119 : memref<256x1x64xf32, #tpu.memory_space<hbm>> -> memref<256x64xf32, #tpu.memory_space<hbm>>
    %dma_wait3A_1121 = arith.constant 0 : i32
    %dma_wait3A_1122 = tpu.memref_slice %arg4[%select_n3A_597, %dma_wait3A_1113, %dma_wait3A_1121] : memref<49152x2x64xf32, #tpu.memory_space<hbm>> -> memref<256x1x64xf32, #tpu.memory_space<hbm>>
    %dma_wait3A_1123 = tpu.memref_squeeze %dma_wait3A_1122 : memref<256x1x64xf32, #tpu.memory_space<hbm>> -> memref<256x64xf32, #tpu.memory_space<hbm>>
    %dma_wait3A_1124 = arith.constant 0 : i32
    %dma_wait3A_1125 = arith.constant 0 : i32
    %dma_wait3A_1126 = tpu.memref_slice %arg6[%dma_wait3A_1112, %dma_wait3A_1124, %dma_wait3A_1125] : memref<3x256x64xf32, #tpu.memory_space<vmem>> -> memref<1x256x64xf32, #tpu.memory_space<vmem>>
    %dma_wait3A_1127 = tpu.memref_squeeze %dma_wait3A_1126 : memref<1x256x64xf32, #tpu.memory_space<vmem>> -> memref<256x64xf32, #tpu.memory_space<vmem>>
    tpu.wait_dma2 semaphore(%arg15 : memref<!tpu.dma_semaphore, #tpu.memory_space<semaphore_mem>>) src(%dma_wait3A_1127 : memref<256x64xf32, #tpu.memory_space<vmem>>) dst(%dma_wait3A_1123 : memref<256x64xf32, #tpu.memory_space<hbm>>)
    %dma_wait3A_1128 = arith.constant 1 : i32
    %dma_wait3A_1129 = arith.constant 1 : i32
    %dma_wait3A_1130 = arith.constant 0 : i32
    %dma_wait3A_1131 = arith.constant 0 : i32
    %dma_wait3A_1132 = tpu.memref_slice %arg7[%dma_wait3A_1128, %dma_wait3A_1130, %dma_wait3A_1131] : memref<3x256x64xf32, #tpu.memory_space<vmem>> -> memref<1x256x64xf32, #tpu.memory_space<vmem>>
    %dma_wait3A_1133 = tpu.memref_squeeze %dma_wait3A_1132 : memref<1x256x64xf32, #tpu.memory_space<vmem>> -> memref<256x64xf32, #tpu.memory_space<vmem>>
    %dma_wait3A_1134 = arith.constant 0 : i32
    %dma_wait3A_1135 = tpu.memref_slice %arg4[%select_n3A_597, %dma_wait3A_1129, %dma_wait3A_1134] : memref<49152x2x64xf32, #tpu.memory_space<hbm>> -> memref<256x1x64xf32, #tpu.memory_space<hbm>>
    %dma_wait3A_1136 = tpu.memref_squeeze %dma_wait3A_1135 : memref<256x1x64xf32, #tpu.memory_space<hbm>> -> memref<256x64xf32, #tpu.memory_space<hbm>>
    %dma_wait3A_1137 = arith.constant 0 : i32
    %dma_wait3A_1138 = tpu.memref_slice %arg4[%select_n3A_597, %dma_wait3A_1129, %dma_wait3A_1137] : memref<49152x2x64xf32, #tpu.memory_space<hbm>> -> memref<256x1x64xf32, #tpu.memory_space<hbm>>
    %dma_wait3A_1139 = tpu.memref_squeeze %dma_wait3A_1138 : memref<256x1x64xf32, #tpu.memory_space<hbm>> -> memref<256x64xf32, #tpu.memory_space<hbm>>
    %dma_wait3A_1140 = arith.constant 0 : i32
    %dma_wait3A_1141 = arith.constant 0 : i32
    %dma_wait3A_1142 = tpu.memref_slice %arg7[%dma_wait3A_1128, %dma_wait3A_1140, %dma_wait3A_1141] : memref<3x256x64xf32, #tpu.memory_space<vmem>> -> memref<1x256x64xf32, #tpu.memory_space<vmem>>
    %dma_wait3A_1143 = tpu.memref_squeeze %dma_wait3A_1142 : memref<1x256x64xf32, #tpu.memory_space<vmem>> -> memref<256x64xf32, #tpu.memory_space<vmem>>
    tpu.wait_dma2 semaphore(%arg15 : memref<!tpu.dma_semaphore, #tpu.memory_space<semaphore_mem>>) src(%dma_wait3A_1143 : memref<256x64xf32, #tpu.memory_space<vmem>>) dst(%dma_wait3A_1139 : memref<256x64xf32, #tpu.memory_space<hbm>>)
    %dma_wait3A_1144 = arith.constant 1 : i32
    %dma_wait3A_1145 = arith.constant 0 : i32
    %dma_wait3A_1146 = arith.constant 0 : i32
    %dma_wait3A_1147 = tpu.memref_slice %arg5[%dma_wait3A_1144, %dma_wait3A_1145, %dma_wait3A_1146] : memref<3x2x256xi32, #tpu.memory_space<vmem>> -> memref<1x1x256xi32, #tpu.memory_space<vmem>>
    %dma_wait3A_1148 = tpu.memref_squeeze %dma_wait3A_1147 : memref<1x1x256xi32, #tpu.memory_space<vmem>> -> memref<256xi32, #tpu.memory_space<vmem>>
    %dma_wait3A_1149 = tpu.memref_slice %arg3[%add3A_745] : memref<98304xi32, #tpu.memory_space<hbm>> -> memref<256xi32, #tpu.memory_space<hbm>>
    %dma_wait3A_1150 = arith.constant 0 : i32
    %dma_wait3A_1151 = tpu.memref_slice %arg5[%dma_wait3A_1144, %dma_wait3A_1145, %dma_wait3A_1150] : memref<3x2x256xi32, #tpu.memory_space<vmem>> -> memref<1x1x256xi32, #tpu.memory_space<vmem>>
    %dma_wait3A_1152 = tpu.memref_squeeze %dma_wait3A_1151 : memref<1x1x256xi32, #tpu.memory_space<vmem>> -> memref<256xi32, #tpu.memory_space<vmem>>
    %dma_wait3A_1153 = tpu.memref_slice %arg3[%add3A_745] : memref<98304xi32, #tpu.memory_space<hbm>> -> memref<256xi32, #tpu.memory_space<hbm>>
    tpu.wait_dma2 semaphore(%arg9 : memref<!tpu.dma_semaphore, #tpu.memory_space<semaphore_mem>>) src(%dma_wait3A_1153 : memref<256xi32, #tpu.memory_space<hbm>>) dst(%dma_wait3A_1152 : memref<256xi32, #tpu.memory_space<vmem>>)
    %dma_wait3A_1154 = arith.constant 1 : i32
    %dma_wait3A_1155 = arith.constant 1 : i32
    %dma_wait3A_1156 = arith.constant 0 : i32
    %dma_wait3A_1157 = tpu.memref_slice %arg5[%dma_wait3A_1154, %dma_wait3A_1155, %dma_wait3A_1156] : memref<3x2x256xi32, #tpu.memory_space<vmem>> -> memref<1x1x256xi32, #tpu.memory_space<vmem>>
    %dma_wait3A_1158 = tpu.memref_squeeze %dma_wait3A_1157 : memref<1x1x256xi32, #tpu.memory_space<vmem>> -> memref<256xi32, #tpu.memory_space<vmem>>
    %dma_wait3A_1159 = tpu.memref_slice %arg3[%add3A_760] : memref<98304xi32, #tpu.memory_space<hbm>> -> memref<256xi32, #tpu.memory_space<hbm>>
    %dma_wait3A_1160 = arith.constant 0 : i32
    %dma_wait3A_1161 = tpu.memref_slice %arg5[%dma_wait3A_1154, %dma_wait3A_1155, %dma_wait3A_1160] : memref<3x2x256xi32, #tpu.memory_space<vmem>> -> memref<1x1x256xi32, #tpu.memory_space<vmem>>
    %dma_wait3A_1162 = tpu.memref_squeeze %dma_wait3A_1161 : memref<1x1x256xi32, #tpu.memory_space<vmem>> -> memref<256xi32, #tpu.memory_space<vmem>>
    %dma_wait3A_1163 = tpu.memref_slice %arg3[%add3A_760] : memref<98304xi32, #tpu.memory_space<hbm>> -> memref<256xi32, #tpu.memory_space<hbm>>
    tpu.wait_dma2 semaphore(%arg9 : memref<!tpu.dma_semaphore, #tpu.memory_space<semaphore_mem>>) src(%dma_wait3A_1163 : memref<256xi32, #tpu.memory_space<hbm>>) dst(%dma_wait3A_1162 : memref<256xi32, #tpu.memory_space<vmem>>)
    %dma_start3A_1164 = arith.constant 1 : i32
    %dma_start3A_1165 = arith.constant 0 : i32
    %dma_start3A_1166 = arith.constant 1 : i32
    %dma_start3A_1167 = arith.constant 0 : i32
    %dma_start3A_1168 = arith.constant 0 : i32
    %dma_start3A_1169 = tpu.memref_slice %arg6[%dma_start3A_1166, %dma_start3A_1167, %dma_start3A_1168] : memref<3x256x64xf32, #tpu.memory_space<vmem>> -> memref<1x256x64xf32, #tpu.memory_space<vmem>>
    %dma_start3A_1170 = tpu.memref_squeeze %dma_start3A_1169 : memref<1x256x64xf32, #tpu.memory_space<vmem>> -> memref<256x64xf32, #tpu.memory_space<vmem>>
    %dma_start3A_1171 = arith.constant 0 : i32
    %dma_start3A_1172 = tpu.memref_slice %arg5[%dma_start3A_1164, %dma_start3A_1165, %dma_start3A_1171] : memref<3x2x256xi32, #tpu.memory_space<vmem>> -> memref<1x1x256xi32, #tpu.memory_space<vmem>>
    %dma_start3A_1173 = tpu.memref_squeeze %dma_start3A_1172 : memref<1x1x256xi32, #tpu.memory_space<vmem>> -> memref<256xi32, #tpu.memory_space<vmem>>
    %dma_start3A_1174 = arith.constant 0 : i32
    %dma_start3A_1175 = arith.constant 0 : i32
    %dma_start3A_1176 = tpu.memref_slice %arg2[%dma_start3A_1174, %dma_start3A_1175] : memref<114688x64xf32, #tpu.memory_space<hbm>> -> memref<114688x64xf32, #tpu.memory_space<hbm>>
    tpu.enqueue_indirect_dma source(%dma_start3A_1176 : memref<114688x64xf32, #tpu.memory_space<hbm>>) target(%dma_start3A_1170 : memref<256x64xf32, #tpu.memory_space<vmem>>) offsets(%dma_start3A_1173 : memref<256xi32, #tpu.memory_space<vmem>>) semaphore(%arg12 : memref<!tpu.dma_semaphore, #tpu.memory_space<semaphore_mem>>)
    %dma_start3A_1177 = arith.constant 1 : i32
    %dma_start3A_1178 = arith.constant 1 : i32
    %dma_start3A_1179 = arith.constant 1 : i32
    %dma_start3A_1180 = arith.constant 0 : i32
    %dma_start3A_1181 = arith.constant 0 : i32
    %dma_start3A_1182 = tpu.memref_slice %arg7[%dma_start3A_1179, %dma_start3A_1180, %dma_start3A_1181] : memref<3x256x64xf32, #tpu.memory_space<vmem>> -> memref<1x256x64xf32, #tpu.memory_space<vmem>>
    %dma_start3A_1183 = tpu.memref_squeeze %dma_start3A_1182 : memref<1x256x64xf32, #tpu.memory_space<vmem>> -> memref<256x64xf32, #tpu.memory_space<vmem>>
    %dma_start3A_1184 = arith.constant 0 : i32
    %dma_start3A_1185 = tpu.memref_slice %arg5[%dma_start3A_1177, %dma_start3A_1178, %dma_start3A_1184] : memref<3x2x256xi32, #tpu.memory_space<vmem>> -> memref<1x1x256xi32, #tpu.memory_space<vmem>>
    %dma_start3A_1186 = tpu.memref_squeeze %dma_start3A_1185 : memref<1x1x256xi32, #tpu.memory_space<vmem>> -> memref<256xi32, #tpu.memory_space<vmem>>
    %dma_start3A_1187 = arith.constant 0 : i32
    %dma_start3A_1188 = arith.constant 0 : i32
    %dma_start3A_1189 = tpu.memref_slice %arg2[%dma_start3A_1187, %dma_start3A_1188] : memref<114688x64xf32, #tpu.memory_space<hbm>> -> memref<114688x64xf32, #tpu.memory_space<hbm>>
    tpu.enqueue_indirect_dma source(%dma_start3A_1189 : memref<114688x64xf32, #tpu.memory_space<hbm>>) target(%dma_start3A_1183 : memref<256x64xf32, #tpu.memory_space<vmem>>) offsets(%dma_start3A_1186 : memref<256xi32, #tpu.memory_space<vmem>>) semaphore(%arg12 : memref<!tpu.dma_semaphore, #tpu.memory_space<semaphore_mem>>)
    %dma_wait3A_1190 = arith.constant 1 : i32
    %dma_wait3A_1191 = arith.constant 0 : i32
    %dma_wait3A_1192 = arith.constant 1 : i32
    %dma_wait3A_1193 = arith.constant 0 : i32
    %dma_wait3A_1194 = arith.constant 0 : i32
    %dma_wait3A_1195 = tpu.memref_slice %arg6[%dma_wait3A_1192, %dma_wait3A_1193, %dma_wait3A_1194] : memref<3x256x64xf32, #tpu.memory_space<vmem>> -> memref<1x256x64xf32, #tpu.memory_space<vmem>>
    %dma_wait3A_1196 = tpu.memref_squeeze %dma_wait3A_1195 : memref<1x256x64xf32, #tpu.memory_space<vmem>> -> memref<256x64xf32, #tpu.memory_space<vmem>>
    %dma_wait3A_1197 = arith.constant 0 : i32
    %dma_wait3A_1198 = tpu.memref_slice %arg5[%dma_wait3A_1190, %dma_wait3A_1191, %dma_wait3A_1197] : memref<3x2x256xi32, #tpu.memory_space<vmem>> -> memref<1x1x256xi32, #tpu.memory_space<vmem>>
    %dma_wait3A_1199 = tpu.memref_squeeze %dma_wait3A_1198 : memref<1x1x256xi32, #tpu.memory_space<vmem>> -> memref<256xi32, #tpu.memory_space<vmem>>
    %dma_wait3A_1200 = arith.constant 0 : i32
    %dma_wait3A_1201 = arith.constant 0 : i32
    %dma_wait3A_1202 = tpu.memref_slice %arg2[%dma_wait3A_1200, %dma_wait3A_1201] : memref<114688x64xf32, #tpu.memory_space<hbm>> -> memref<114688x64xf32, #tpu.memory_space<hbm>>
    tpu.wait_indirect_dma semaphore(%arg12 : memref<!tpu.dma_semaphore, #tpu.memory_space<semaphore_mem>>) src(%dma_wait3A_1202 : memref<114688x64xf32, #tpu.memory_space<hbm>>) dst(%dma_wait3A_1196 : memref<256x64xf32, #tpu.memory_space<vmem>>)
    %dma_wait3A_1203 = arith.constant 1 : i32
    %dma_wait3A_1204 = arith.constant 1 : i32
    %dma_wait3A_1205 = arith.constant 1 : i32
    %dma_wait3A_1206 = arith.constant 0 : i32
    %dma_wait3A_1207 = arith.constant 0 : i32
    %dma_wait3A_1208 = tpu.memref_slice %arg7[%dma_wait3A_1205, %dma_wait3A_1206, %dma_wait3A_1207] : memref<3x256x64xf32, #tpu.memory_space<vmem>> -> memref<1x256x64xf32, #tpu.memory_space<vmem>>
    %dma_wait3A_1209 = tpu.memref_squeeze %dma_wait3A_1208 : memref<1x256x64xf32, #tpu.memory_space<vmem>> -> memref<256x64xf32, #tpu.memory_space<vmem>>
    %dma_wait3A_1210 = arith.constant 0 : i32
    %dma_wait3A_1211 = tpu.memref_slice %arg5[%dma_wait3A_1203, %dma_wait3A_1204, %dma_wait3A_1210] : memref<3x2x256xi32, #tpu.memory_space<vmem>> -> memref<1x1x256xi32, #tpu.memory_space<vmem>>
    %dma_wait3A_1212 = tpu.memref_squeeze %dma_wait3A_1211 : memref<1x1x256xi32, #tpu.memory_space<vmem>> -> memref<256xi32, #tpu.memory_space<vmem>>
    %dma_wait3A_1213 = arith.constant 0 : i32
    %dma_wait3A_1214 = arith.constant 0 : i32
    %dma_wait3A_1215 = tpu.memref_slice %arg2[%dma_wait3A_1213, %dma_wait3A_1214] : memref<114688x64xf32, #tpu.memory_space<hbm>> -> memref<114688x64xf32, #tpu.memory_space<hbm>>
    tpu.wait_indirect_dma semaphore(%arg12 : memref<!tpu.dma_semaphore, #tpu.memory_space<semaphore_mem>>) src(%dma_wait3A_1215 : memref<114688x64xf32, #tpu.memory_space<hbm>>) dst(%dma_wait3A_1209 : memref<256x64xf32, #tpu.memory_space<vmem>>)
    %add3A_1216 = arith.constant 2048 : i32
    %add3A_1217 = arith.addi %mul3A_2, %add3A_1216 : i32
    %jit3A_1218 = arith.constant 2 : i32
    %div3A_1219 = arith.divsi %add3A_1217, %jit3A_1218 : i32
    %sign3A_1220 = arith.constant 0 : i32
    %sign3A_1221 = arith.cmpi sgt, %add3A_1217, %sign3A_1220 : i32
    %sign3A_1222 = arith.extui %sign3A_1221 : i1 to i32
    %sign3A_1223 = arith.constant 0 : i32
    %sign3A_1224 = arith.cmpi slt, %add3A_1217, %sign3A_1223 : i32
    %sign3A_1225 = arith.extui %sign3A_1224 : i1 to i32
    %sign3A_1226 = arith.subi %sign3A_1222, %sign3A_1225 : i32
    %sign3A_1227 = arith.constant 0 : i32
    %sign3A_1228 = arith.cmpi sgt, %jit3A_1218, %sign3A_1227 : i32
    %sign3A_1229 = arith.extui %sign3A_1228 : i1 to i32
    %sign3A_1230 = arith.constant 0 : i32
    %sign3A_1231 = arith.cmpi slt, %jit3A_1218, %sign3A_1230 : i32
    %sign3A_1232 = arith.extui %sign3A_1231 : i1 to i32
    %sign3A_1233 = arith.subi %sign3A_1229, %sign3A_1232 : i32
    %ne3A_1234 = arith.cmpi ne, %sign3A_1226, %sign3A_1233 : i32
    %rem3A_1235 = arith.remsi %add3A_1217, %jit3A_1218 : i32
    %ne3A_1236 = arith.constant 0 : i32
    %ne3A_1237 = arith.cmpi ne, %rem3A_1235, %ne3A_1236 : i32
    %and3A_1238 = arith.andi %ne3A_1234, %ne3A_1237 : i1
    %sub3A_1239 = arith.constant 1 : i32
    %sub3A_1240 = arith.subi %div3A_1219, %sub3A_1239 : i32
    %select_n3A_1241 = arith.select %and3A_1238, %sub3A_1240, %div3A_1219 : i32
    %dma_start3A_1242 = arith.constant 1 : i32
    %dma_start3A_1243 = arith.constant 0 : i32
    %dma_start3A_1244 = arith.constant 0 : i32
    %dma_start3A_1245 = arith.constant 0 : i32
    %dma_start3A_1246 = tpu.memref_slice %arg6[%dma_start3A_1242, %dma_start3A_1244, %dma_start3A_1245] : memref<3x256x64xf32, #tpu.memory_space<vmem>> -> memref<1x256x64xf32, #tpu.memory_space<vmem>>
    %dma_start3A_1247 = tpu.memref_squeeze %dma_start3A_1246 : memref<1x256x64xf32, #tpu.memory_space<vmem>> -> memref<256x64xf32, #tpu.memory_space<vmem>>
    %dma_start3A_1248 = arith.constant 0 : i32
    %dma_start3A_1249 = tpu.memref_slice %arg4[%select_n3A_1241, %dma_start3A_1243, %dma_start3A_1248] : memref<49152x2x64xf32, #tpu.memory_space<hbm>> -> memref<256x1x64xf32, #tpu.memory_space<hbm>>
    %dma_start3A_1250 = tpu.memref_squeeze %dma_start3A_1249 : memref<256x1x64xf32, #tpu.memory_space<hbm>> -> memref<256x64xf32, #tpu.memory_space<hbm>>
    %dma_start3A_1251 = arith.constant 0 : i32
    %dma_start3A_1252 = tpu.memref_slice %arg4[%select_n3A_1241, %dma_start3A_1243, %dma_start3A_1251] : memref<49152x2x64xf32, #tpu.memory_space<hbm>> -> memref<256x1x64xf32, #tpu.memory_space<hbm>>
    %dma_start3A_1253 = tpu.memref_squeeze %dma_start3A_1252 : memref<256x1x64xf32, #tpu.memory_space<hbm>> -> memref<256x64xf32, #tpu.memory_space<hbm>>
    %dma_start3A_1254 = arith.constant 0 : i32
    %dma_start3A_1255 = arith.constant 0 : i32
    %dma_start3A_1256 = tpu.memref_slice %arg6[%dma_start3A_1242, %dma_start3A_1254, %dma_start3A_1255] : memref<3x256x64xf32, #tpu.memory_space<vmem>> -> memref<1x256x64xf32, #tpu.memory_space<vmem>>
    %dma_start3A_1257 = tpu.memref_squeeze %dma_start3A_1256 : memref<1x256x64xf32, #tpu.memory_space<vmem>> -> memref<256x64xf32, #tpu.memory_space<vmem>>
    tpu.enqueue_dma source(%dma_start3A_1257 : memref<256x64xf32, #tpu.memory_space<vmem>>) target(%dma_start3A_1253 : memref<256x64xf32, #tpu.memory_space<hbm>>) target_semaphore(%arg15 : memref<!tpu.dma_semaphore, #tpu.memory_space<semaphore_mem>>)
    %dma_start3A_1258 = arith.constant 1 : i32
    %dma_start3A_1259 = arith.constant 1 : i32
    %dma_start3A_1260 = arith.constant 0 : i32
    %dma_start3A_1261 = arith.constant 0 : i32
    %dma_start3A_1262 = tpu.memref_slice %arg7[%dma_start3A_1258, %dma_start3A_1260, %dma_start3A_1261] : memref<3x256x64xf32, #tpu.memory_space<vmem>> -> memref<1x256x64xf32, #tpu.memory_space<vmem>>
    %dma_start3A_1263 = tpu.memref_squeeze %dma_start3A_1262 : memref<1x256x64xf32, #tpu.memory_space<vmem>> -> memref<256x64xf32, #tpu.memory_space<vmem>>
    %dma_start3A_1264 = arith.constant 0 : i32
    %dma_start3A_1265 = tpu.memref_slice %arg4[%select_n3A_1241, %dma_start3A_1259, %dma_start3A_1264] : memref<49152x2x64xf32, #tpu.memory_space<hbm>> -> memref<256x1x64xf32, #tpu.memory_space<hbm>>
    %dma_start3A_1266 = tpu.memref_squeeze %dma_start3A_1265 : memref<256x1x64xf32, #tpu.memory_space<hbm>> -> memref<256x64xf32, #tpu.memory_space<hbm>>
    %dma_start3A_1267 = arith.constant 0 : i32
    %dma_start3A_1268 = tpu.memref_slice %arg4[%select_n3A_1241, %dma_start3A_1259, %dma_start3A_1267] : memref<49152x2x64xf32, #tpu.memory_space<hbm>> -> memref<256x1x64xf32, #tpu.memory_space<hbm>>
    %dma_start3A_1269 = tpu.memref_squeeze %dma_start3A_1268 : memref<256x1x64xf32, #tpu.memory_space<hbm>> -> memref<256x64xf32, #tpu.memory_space<hbm>>
    %dma_start3A_1270 = arith.constant 0 : i32
    %dma_start3A_1271 = arith.constant 0 : i32
    %dma_start3A_1272 = tpu.memref_slice %arg7[%dma_start3A_1258, %dma_start3A_1270, %dma_start3A_1271] : memref<3x256x64xf32, #tpu.memory_space<vmem>> -> memref<1x256x64xf32, #tpu.memory_space<vmem>>
    %dma_start3A_1273 = tpu.memref_squeeze %dma_start3A_1272 : memref<1x256x64xf32, #tpu.memory_space<vmem>> -> memref<256x64xf32, #tpu.memory_space<vmem>>
    tpu.enqueue_dma source(%dma_start3A_1273 : memref<256x64xf32, #tpu.memory_space<vmem>>) target(%dma_start3A_1269 : memref<256x64xf32, #tpu.memory_space<hbm>>) target_semaphore(%arg15 : memref<!tpu.dma_semaphore, #tpu.memory_space<semaphore_mem>>)
    %dma_wait3A_1274 = arith.constant 2 : i32
    %dma_wait3A_1275 = arith.constant 0 : i32
    %dma_wait3A_1276 = arith.constant 0 : i32
    %dma_wait3A_1277 = arith.constant 0 : i32
    %dma_wait3A_1278 = tpu.memref_slice %arg6[%dma_wait3A_1274, %dma_wait3A_1276, %dma_wait3A_1277] : memref<3x256x64xf32, #tpu.memory_space<vmem>> -> memref<1x256x64xf32, #tpu.memory_space<vmem>>
    %dma_wait3A_1279 = tpu.memref_squeeze %dma_wait3A_1278 : memref<1x256x64xf32, #tpu.memory_space<vmem>> -> memref<256x64xf32, #tpu.memory_space<vmem>>
    %dma_wait3A_1280 = arith.constant 0 : i32
    %dma_wait3A_1281 = tpu.memref_slice %arg4[%select_n3A_822, %dma_wait3A_1275, %dma_wait3A_1280] : memref<49152x2x64xf32, #tpu.memory_space<hbm>> -> memref<256x1x64xf32, #tpu.memory_space<hbm>>
    %dma_wait3A_1282 = tpu.memref_squeeze %dma_wait3A_1281 : memref<256x1x64xf32, #tpu.memory_space<hbm>> -> memref<256x64xf32, #tpu.memory_space<hbm>>
    %dma_wait3A_1283 = arith.constant 0 : i32
    %dma_wait3A_1284 = tpu.memref_slice %arg4[%select_n3A_822, %dma_wait3A_1275, %dma_wait3A_1283] : memref<49152x2x64xf32, #tpu.memory_space<hbm>> -> memref<256x1x64xf32, #tpu.memory_space<hbm>>
    %dma_wait3A_1285 = tpu.memref_squeeze %dma_wait3A_1284 : memref<256x1x64xf32, #tpu.memory_space<hbm>> -> memref<256x64xf32, #tpu.memory_space<hbm>>
    %dma_wait3A_1286 = arith.constant 0 : i32
    %dma_wait3A_1287 = arith.constant 0 : i32
    %dma_wait3A_1288 = tpu.memref_slice %arg6[%dma_wait3A_1274, %dma_wait3A_1286, %dma_wait3A_1287] : memref<3x256x64xf32, #tpu.memory_space<vmem>> -> memref<1x256x64xf32, #tpu.memory_space<vmem>>
    %dma_wait3A_1289 = tpu.memref_squeeze %dma_wait3A_1288 : memref<1x256x64xf32, #tpu.memory_space<vmem>> -> memref<256x64xf32, #tpu.memory_space<vmem>>
    tpu.wait_dma2 semaphore(%arg16 : memref<!tpu.dma_semaphore, #tpu.memory_space<semaphore_mem>>) src(%dma_wait3A_1289 : memref<256x64xf32, #tpu.memory_space<vmem>>) dst(%dma_wait3A_1285 : memref<256x64xf32, #tpu.memory_space<hbm>>)
    %dma_wait3A_1290 = arith.constant 2 : i32
    %dma_wait3A_1291 = arith.constant 1 : i32
    %dma_wait3A_1292 = arith.constant 0 : i32
    %dma_wait3A_1293 = arith.constant 0 : i32
    %dma_wait3A_1294 = tpu.memref_slice %arg7[%dma_wait3A_1290, %dma_wait3A_1292, %dma_wait3A_1293] : memref<3x256x64xf32, #tpu.memory_space<vmem>> -> memref<1x256x64xf32, #tpu.memory_space<vmem>>
    %dma_wait3A_1295 = tpu.memref_squeeze %dma_wait3A_1294 : memref<1x256x64xf32, #tpu.memory_space<vmem>> -> memref<256x64xf32, #tpu.memory_space<vmem>>
    %dma_wait3A_1296 = arith.constant 0 : i32
    %dma_wait3A_1297 = tpu.memref_slice %arg4[%select_n3A_822, %dma_wait3A_1291, %dma_wait3A_1296] : memref<49152x2x64xf32, #tpu.memory_space<hbm>> -> memref<256x1x64xf32, #tpu.memory_space<hbm>>
    %dma_wait3A_1298 = tpu.memref_squeeze %dma_wait3A_1297 : memref<256x1x64xf32, #tpu.memory_space<hbm>> -> memref<256x64xf32, #tpu.memory_space<hbm>>
    %dma_wait3A_1299 = arith.constant 0 : i32
    %dma_wait3A_1300 = tpu.memref_slice %arg4[%select_n3A_822, %dma_wait3A_1291, %dma_wait3A_1299] : memref<49152x2x64xf32, #tpu.memory_space<hbm>> -> memref<256x1x64xf32, #tpu.memory_space<hbm>>
    %dma_wait3A_1301 = tpu.memref_squeeze %dma_wait3A_1300 : memref<256x1x64xf32, #tpu.memory_space<hbm>> -> memref<256x64xf32, #tpu.memory_space<hbm>>
    %dma_wait3A_1302 = arith.constant 0 : i32
    %dma_wait3A_1303 = arith.constant 0 : i32
    %dma_wait3A_1304 = tpu.memref_slice %arg7[%dma_wait3A_1290, %dma_wait3A_1302, %dma_wait3A_1303] : memref<3x256x64xf32, #tpu.memory_space<vmem>> -> memref<1x256x64xf32, #tpu.memory_space<vmem>>
    %dma_wait3A_1305 = tpu.memref_squeeze %dma_wait3A_1304 : memref<1x256x64xf32, #tpu.memory_space<vmem>> -> memref<256x64xf32, #tpu.memory_space<vmem>>
    tpu.wait_dma2 semaphore(%arg16 : memref<!tpu.dma_semaphore, #tpu.memory_space<semaphore_mem>>) src(%dma_wait3A_1305 : memref<256x64xf32, #tpu.memory_space<vmem>>) dst(%dma_wait3A_1301 : memref<256x64xf32, #tpu.memory_space<hbm>>)
    %dma_wait3A_1306 = arith.constant 2 : i32
    %dma_wait3A_1307 = arith.constant 0 : i32
    %dma_wait3A_1308 = arith.constant 0 : i32
    %dma_wait3A_1309 = tpu.memref_slice %arg5[%dma_wait3A_1306, %dma_wait3A_1307, %dma_wait3A_1308] : memref<3x2x256xi32, #tpu.memory_space<vmem>> -> memref<1x1x256xi32, #tpu.memory_space<vmem>>
    %dma_wait3A_1310 = tpu.memref_squeeze %dma_wait3A_1309 : memref<1x1x256xi32, #tpu.memory_space<vmem>> -> memref<256xi32, #tpu.memory_space<vmem>>
    %dma_wait3A_1311 = tpu.memref_slice %arg3[%add3A_1002] : memref<98304xi32, #tpu.memory_space<hbm>> -> memref<256xi32, #tpu.memory_space<hbm>>
    %dma_wait3A_1312 = arith.constant 0 : i32
    %dma_wait3A_1313 = tpu.memref_slice %arg5[%dma_wait3A_1306, %dma_wait3A_1307, %dma_wait3A_1312] : memref<3x2x256xi32, #tpu.memory_space<vmem>> -> memref<1x1x256xi32, #tpu.memory_space<vmem>>
    %dma_wait3A_1314 = tpu.memref_squeeze %dma_wait3A_1313 : memref<1x1x256xi32, #tpu.memory_space<vmem>> -> memref<256xi32, #tpu.memory_space<vmem>>
    %dma_wait3A_1315 = tpu.memref_slice %arg3[%add3A_1002] : memref<98304xi32, #tpu.memory_space<hbm>> -> memref<256xi32, #tpu.memory_space<hbm>>
    tpu.wait_dma2 semaphore(%arg10 : memref<!tpu.dma_semaphore, #tpu.memory_space<semaphore_mem>>) src(%dma_wait3A_1315 : memref<256xi32, #tpu.memory_space<hbm>>) dst(%dma_wait3A_1314 : memref<256xi32, #tpu.memory_space<vmem>>)
    %dma_wait3A_1316 = arith.constant 2 : i32
    %dma_wait3A_1317 = arith.constant 1 : i32
    %dma_wait3A_1318 = arith.constant 0 : i32
    %dma_wait3A_1319 = tpu.memref_slice %arg5[%dma_wait3A_1316, %dma_wait3A_1317, %dma_wait3A_1318] : memref<3x2x256xi32, #tpu.memory_space<vmem>> -> memref<1x1x256xi32, #tpu.memory_space<vmem>>
    %dma_wait3A_1320 = tpu.memref_squeeze %dma_wait3A_1319 : memref<1x1x256xi32, #tpu.memory_space<vmem>> -> memref<256xi32, #tpu.memory_space<vmem>>
    %dma_wait3A_1321 = tpu.memref_slice %arg3[%add3A_1017] : memref<98304xi32, #tpu.memory_space<hbm>> -> memref<256xi32, #tpu.memory_space<hbm>>
    %dma_wait3A_1322 = arith.constant 0 : i32
    %dma_wait3A_1323 = tpu.memref_slice %arg5[%dma_wait3A_1316, %dma_wait3A_1317, %dma_wait3A_1322] : memref<3x2x256xi32, #tpu.memory_space<vmem>> -> memref<1x1x256xi32, #tpu.memory_space<vmem>>
    %dma_wait3A_1324 = tpu.memref_squeeze %dma_wait3A_1323 : memref<1x1x256xi32, #tpu.memory_space<vmem>> -> memref<256xi32, #tpu.memory_space<vmem>>
    %dma_wait3A_1325 = tpu.memref_slice %arg3[%add3A_1017] : memref<98304xi32, #tpu.memory_space<hbm>> -> memref<256xi32, #tpu.memory_space<hbm>>
    tpu.wait_dma2 semaphore(%arg10 : memref<!tpu.dma_semaphore, #tpu.memory_space<semaphore_mem>>) src(%dma_wait3A_1325 : memref<256xi32, #tpu.memory_space<hbm>>) dst(%dma_wait3A_1324 : memref<256xi32, #tpu.memory_space<vmem>>)
    %dma_start3A_1326 = arith.constant 2 : i32
    %dma_start3A_1327 = arith.constant 0 : i32
    %dma_start3A_1328 = arith.constant 2 : i32
    %dma_start3A_1329 = arith.constant 0 : i32
    %dma_start3A_1330 = arith.constant 0 : i32
    %dma_start3A_1331 = tpu.memref_slice %arg6[%dma_start3A_1328, %dma_start3A_1329, %dma_start3A_1330] : memref<3x256x64xf32, #tpu.memory_space<vmem>> -> memref<1x256x64xf32, #tpu.memory_space<vmem>>
    %dma_start3A_1332 = tpu.memref_squeeze %dma_start3A_1331 : memref<1x256x64xf32, #tpu.memory_space<vmem>> -> memref<256x64xf32, #tpu.memory_space<vmem>>
    %dma_start3A_1333 = arith.constant 0 : i32
    %dma_start3A_1334 = tpu.memref_slice %arg5[%dma_start3A_1326, %dma_start3A_1327, %dma_start3A_1333] : memref<3x2x256xi32, #tpu.memory_space<vmem>> -> memref<1x1x256xi32, #tpu.memory_space<vmem>>
    %dma_start3A_1335 = tpu.memref_squeeze %dma_start3A_1334 : memref<1x1x256xi32, #tpu.memory_space<vmem>> -> memref<256xi32, #tpu.memory_space<vmem>>
    %dma_start3A_1336 = arith.constant 0 : i32
    %dma_start3A_1337 = arith.constant 0 : i32
    %dma_start3A_1338 = tpu.memref_slice %arg2[%dma_start3A_1336, %dma_start3A_1337] : memref<114688x64xf32, #tpu.memory_space<hbm>> -> memref<114688x64xf32, #tpu.memory_space<hbm>>
    tpu.enqueue_indirect_dma source(%dma_start3A_1338 : memref<114688x64xf32, #tpu.memory_space<hbm>>) target(%dma_start3A_1332 : memref<256x64xf32, #tpu.memory_space<vmem>>) offsets(%dma_start3A_1335 : memref<256xi32, #tpu.memory_space<vmem>>) semaphore(%arg13 : memref<!tpu.dma_semaphore, #tpu.memory_space<semaphore_mem>>)
    %dma_start3A_1339 = arith.constant 2 : i32
    %dma_start3A_1340 = arith.constant 1 : i32
    %dma_start3A_1341 = arith.constant 2 : i32
    %dma_start3A_1342 = arith.constant 0 : i32
    %dma_start3A_1343 = arith.constant 0 : i32
    %dma_start3A_1344 = tpu.memref_slice %arg7[%dma_start3A_1341, %dma_start3A_1342, %dma_start3A_1343] : memref<3x256x64xf32, #tpu.memory_space<vmem>> -> memref<1x256x64xf32, #tpu.memory_space<vmem>>
    %dma_start3A_1345 = tpu.memref_squeeze %dma_start3A_1344 : memref<1x256x64xf32, #tpu.memory_space<vmem>> -> memref<256x64xf32, #tpu.memory_space<vmem>>
    %dma_start3A_1346 = arith.constant 0 : i32
    %dma_start3A_1347 = tpu.memref_slice %arg5[%dma_start3A_1339, %dma_start3A_1340, %dma_start3A_1346] : memref<3x2x256xi32, #tpu.memory_space<vmem>> -> memref<1x1x256xi32, #tpu.memory_space<vmem>>
    %dma_start3A_1348 = tpu.memref_squeeze %dma_start3A_1347 : memref<1x1x256xi32, #tpu.memory_space<vmem>> -> memref<256xi32, #tpu.memory_space<vmem>>
    %dma_start3A_1349 = arith.constant 0 : i32
    %dma_start3A_1350 = arith.constant 0 : i32
    %dma_start3A_1351 = tpu.memref_slice %arg2[%dma_start3A_1349, %dma_start3A_1350] : memref<114688x64xf32, #tpu.memory_space<hbm>> -> memref<114688x64xf32, #tpu.memory_space<hbm>>
    tpu.enqueue_indirect_dma source(%dma_start3A_1351 : memref<114688x64xf32, #tpu.memory_space<hbm>>) target(%dma_start3A_1345 : memref<256x64xf32, #tpu.memory_space<vmem>>) offsets(%dma_start3A_1348 : memref<256xi32, #tpu.memory_space<vmem>>) semaphore(%arg13 : memref<!tpu.dma_semaphore, #tpu.memory_space<semaphore_mem>>)
    %dma_wait3A_1352 = arith.constant 2 : i32
    %dma_wait3A_1353 = arith.constant 0 : i32
    %dma_wait3A_1354 = arith.constant 2 : i32
    %dma_wait3A_1355 = arith.constant 0 : i32
    %dma_wait3A_1356 = arith.constant 0 : i32
    %dma_wait3A_1357 = tpu.memref_slice %arg6[%dma_wait3A_1354, %dma_wait3A_1355, %dma_wait3A_1356] : memref<3x256x64xf32, #tpu.memory_space<vmem>> -> memref<1x256x64xf32, #tpu.memory_space<vmem>>
    %dma_wait3A_1358 = tpu.memref_squeeze %dma_wait3A_1357 : memref<1x256x64xf32, #tpu.memory_space<vmem>> -> memref<256x64xf32, #tpu.memory_space<vmem>>
    %dma_wait3A_1359 = arith.constant 0 : i32
    %dma_wait3A_1360 = tpu.memref_slice %arg5[%dma_wait3A_1352, %dma_wait3A_1353, %dma_wait3A_1359] : memref<3x2x256xi32, #tpu.memory_space<vmem>> -> memref<1x1x256xi32, #tpu.memory_space<vmem>>
    %dma_wait3A_1361 = tpu.memref_squeeze %dma_wait3A_1360 : memref<1x1x256xi32, #tpu.memory_space<vmem>> -> memref<256xi32, #tpu.memory_space<vmem>>
    %dma_wait3A_1362 = arith.constant 0 : i32
    %dma_wait3A_1363 = arith.constant 0 : i32
    %dma_wait3A_1364 = tpu.memref_slice %arg2[%dma_wait3A_1362, %dma_wait3A_1363] : memref<114688x64xf32, #tpu.memory_space<hbm>> -> memref<114688x64xf32, #tpu.memory_space<hbm>>
    tpu.wait_indirect_dma semaphore(%arg13 : memref<!tpu.dma_semaphore, #tpu.memory_space<semaphore_mem>>) src(%dma_wait3A_1364 : memref<114688x64xf32, #tpu.memory_space<hbm>>) dst(%dma_wait3A_1358 : memref<256x64xf32, #tpu.memory_space<vmem>>)
    %dma_wait3A_1365 = arith.constant 2 : i32
    %dma_wait3A_1366 = arith.constant 1 : i32
    %dma_wait3A_1367 = arith.constant 2 : i32
    %dma_wait3A_1368 = arith.constant 0 : i32
    %dma_wait3A_1369 = arith.constant 0 : i32
    %dma_wait3A_1370 = tpu.memref_slice %arg7[%dma_wait3A_1367, %dma_wait3A_1368, %dma_wait3A_1369] : memref<3x256x64xf32, #tpu.memory_space<vmem>> -> memref<1x256x64xf32, #tpu.memory_space<vmem>>
    %dma_wait3A_1371 = tpu.memref_squeeze %dma_wait3A_1370 : memref<1x256x64xf32, #tpu.memory_space<vmem>> -> memref<256x64xf32, #tpu.memory_space<vmem>>
    %dma_wait3A_1372 = arith.constant 0 : i32
    %dma_wait3A_1373 = tpu.memref_slice %arg5[%dma_wait3A_1365, %dma_wait3A_1366, %dma_wait3A_1372] : memref<3x2x256xi32, #tpu.memory_space<vmem>> -> memref<1x1x256xi32, #tpu.memory_space<vmem>>
    %dma_wait3A_1374 = tpu.memref_squeeze %dma_wait3A_1373 : memref<1x1x256xi32, #tpu.memory_space<vmem>> -> memref<256xi32, #tpu.memory_space<vmem>>
    %dma_wait3A_1375 = arith.constant 0 : i32
    %dma_wait3A_1376 = arith.constant 0 : i32
    %dma_wait3A_1377 = tpu.memref_slice %arg2[%dma_wait3A_1375, %dma_wait3A_1376] : memref<114688x64xf32, #tpu.memory_space<hbm>> -> memref<114688x64xf32, #tpu.memory_space<hbm>>
    tpu.wait_indirect_dma semaphore(%arg13 : memref<!tpu.dma_semaphore, #tpu.memory_space<semaphore_mem>>) src(%dma_wait3A_1377 : memref<114688x64xf32, #tpu.memory_space<hbm>>) dst(%dma_wait3A_1371 : memref<256x64xf32, #tpu.memory_space<vmem>>)
    %add3A_1378 = arith.constant 2560 : i32
    %add3A_1379 = arith.addi %mul3A_2, %add3A_1378 : i32
    %jit3A_1380 = arith.constant 2 : i32
    %div3A_1381 = arith.divsi %add3A_1379, %jit3A_1380 : i32
    %sign3A_1382 = arith.constant 0 : i32
    %sign3A_1383 = arith.cmpi sgt, %add3A_1379, %sign3A_1382 : i32
    %sign3A_1384 = arith.extui %sign3A_1383 : i1 to i32
    %sign3A_1385 = arith.constant 0 : i32
    %sign3A_1386 = arith.cmpi slt, %add3A_1379, %sign3A_1385 : i32
    %sign3A_1387 = arith.extui %sign3A_1386 : i1 to i32
    %sign3A_1388 = arith.subi %sign3A_1384, %sign3A_1387 : i32
    %sign3A_1389 = arith.constant 0 : i32
    %sign3A_1390 = arith.cmpi sgt, %jit3A_1380, %sign3A_1389 : i32
    %sign3A_1391 = arith.extui %sign3A_1390 : i1 to i32
    %sign3A_1392 = arith.constant 0 : i32
    %sign3A_1393 = arith.cmpi slt, %jit3A_1380, %sign3A_1392 : i32
    %sign3A_1394 = arith.extui %sign3A_1393 : i1 to i32
    %sign3A_1395 = arith.subi %sign3A_1391, %sign3A_1394 : i32
    %ne3A_1396 = arith.cmpi ne, %sign3A_1388, %sign3A_1395 : i32
    %rem3A_1397 = arith.remsi %add3A_1379, %jit3A_1380 : i32
    %ne3A_1398 = arith.constant 0 : i32
    %ne3A_1399 = arith.cmpi ne, %rem3A_1397, %ne3A_1398 : i32
    %and3A_1400 = arith.andi %ne3A_1396, %ne3A_1399 : i1
    %sub3A_1401 = arith.constant 1 : i32
    %sub3A_1402 = arith.subi %div3A_1381, %sub3A_1401 : i32
    %select_n3A_1403 = arith.select %and3A_1400, %sub3A_1402, %div3A_1381 : i32
    %dma_start3A_1404 = arith.constant 2 : i32
    %dma_start3A_1405 = arith.constant 0 : i32
    %dma_start3A_1406 = arith.constant 0 : i32
    %dma_start3A_1407 = arith.constant 0 : i32
    %dma_start3A_1408 = tpu.memref_slice %arg6[%dma_start3A_1404, %dma_start3A_1406, %dma_start3A_1407] : memref<3x256x64xf32, #tpu.memory_space<vmem>> -> memref<1x256x64xf32, #tpu.memory_space<vmem>>
    %dma_start3A_1409 = tpu.memref_squeeze %dma_start3A_1408 : memref<1x256x64xf32, #tpu.memory_space<vmem>> -> memref<256x64xf32, #tpu.memory_space<vmem>>
    %dma_start3A_1410 = arith.constant 0 : i32
    %dma_start3A_1411 = tpu.memref_slice %arg4[%select_n3A_1403, %dma_start3A_1405, %dma_start3A_1410] : memref<49152x2x64xf32, #tpu.memory_space<hbm>> -> memref<256x1x64xf32, #tpu.memory_space<hbm>>
    %dma_start3A_1412 = tpu.memref_squeeze %dma_start3A_1411 : memref<256x1x64xf32, #tpu.memory_space<hbm>> -> memref<256x64xf32, #tpu.memory_space<hbm>>
    %dma_start3A_1413 = arith.constant 0 : i32
    %dma_start3A_1414 = tpu.memref_slice %arg4[%select_n3A_1403, %dma_start3A_1405, %dma_start3A_1413] : memref<49152x2x64xf32, #tpu.memory_space<hbm>> -> memref<256x1x64xf32, #tpu.memory_space<hbm>>
    %dma_start3A_1415 = tpu.memref_squeeze %dma_start3A_1414 : memref<256x1x64xf32, #tpu.memory_space<hbm>> -> memref<256x64xf32, #tpu.memory_space<hbm>>
    %dma_start3A_1416 = arith.constant 0 : i32
    %dma_start3A_1417 = arith.constant 0 : i32
    %dma_start3A_1418 = tpu.memref_slice %arg6[%dma_start3A_1404, %dma_start3A_1416, %dma_start3A_1417] : memref<3x256x64xf32, #tpu.memory_space<vmem>> -> memref<1x256x64xf32, #tpu.memory_space<vmem>>
    %dma_start3A_1419 = tpu.memref_squeeze %dma_start3A_1418 : memref<1x256x64xf32, #tpu.memory_space<vmem>> -> memref<256x64xf32, #tpu.memory_space<vmem>>
    tpu.enqueue_dma source(%dma_start3A_1419 : memref<256x64xf32, #tpu.memory_space<vmem>>) target(%dma_start3A_1415 : memref<256x64xf32, #tpu.memory_space<hbm>>) target_semaphore(%arg16 : memref<!tpu.dma_semaphore, #tpu.memory_space<semaphore_mem>>)
    %dma_start3A_1420 = arith.constant 2 : i32
    %dma_start3A_1421 = arith.constant 1 : i32
    %dma_start3A_1422 = arith.constant 0 : i32
    %dma_start3A_1423 = arith.constant 0 : i32
    %dma_start3A_1424 = tpu.memref_slice %arg7[%dma_start3A_1420, %dma_start3A_1422, %dma_start3A_1423] : memref<3x256x64xf32, #tpu.memory_space<vmem>> -> memref<1x256x64xf32, #tpu.memory_space<vmem>>
    %dma_start3A_1425 = tpu.memref_squeeze %dma_start3A_1424 : memref<1x256x64xf32, #tpu.memory_space<vmem>> -> memref<256x64xf32, #tpu.memory_space<vmem>>
    %dma_start3A_1426 = arith.constant 0 : i32
    %dma_start3A_1427 = tpu.memref_slice %arg4[%select_n3A_1403, %dma_start3A_1421, %dma_start3A_1426] : memref<49152x2x64xf32, #tpu.memory_space<hbm>> -> memref<256x1x64xf32, #tpu.memory_space<hbm>>
    %dma_start3A_1428 = tpu.memref_squeeze %dma_start3A_1427 : memref<256x1x64xf32, #tpu.memory_space<hbm>> -> memref<256x64xf32, #tpu.memory_space<hbm>>
    %dma_start3A_1429 = arith.constant 0 : i32
    %dma_start3A_1430 = tpu.memref_slice %arg4[%select_n3A_1403, %dma_start3A_1421, %dma_start3A_1429] : memref<49152x2x64xf32, #tpu.memory_space<hbm>> -> memref<256x1x64xf32, #tpu.memory_space<hbm>>
    %dma_start3A_1431 = tpu.memref_squeeze %dma_start3A_1430 : memref<256x1x64xf32, #tpu.memory_space<hbm>> -> memref<256x64xf32, #tpu.memory_space<hbm>>
    %dma_start3A_1432 = arith.constant 0 : i32
    %dma_start3A_1433 = arith.constant 0 : i32
    %dma_start3A_1434 = tpu.memref_slice %arg7[%dma_start3A_1420, %dma_start3A_1432, %dma_start3A_1433] : memref<3x256x64xf32, #tpu.memory_space<vmem>> -> memref<1x256x64xf32, #tpu.memory_space<vmem>>
    %dma_start3A_1435 = tpu.memref_squeeze %dma_start3A_1434 : memref<1x256x64xf32, #tpu.memory_space<vmem>> -> memref<256x64xf32, #tpu.memory_space<vmem>>
    tpu.enqueue_dma source(%dma_start3A_1435 : memref<256x64xf32, #tpu.memory_space<vmem>>) target(%dma_start3A_1431 : memref<256x64xf32, #tpu.memory_space<hbm>>) target_semaphore(%arg16 : memref<!tpu.dma_semaphore, #tpu.memory_space<semaphore_mem>>)
    %dma_wait3A_1436 = arith.constant 0 : i32
    %dma_wait3A_1437 = arith.constant 0 : i32
    %dma_wait3A_1438 = arith.constant 0 : i32
    %dma_wait3A_1439 = arith.constant 0 : i32
    %dma_wait3A_1440 = tpu.memref_slice %arg6[%dma_wait3A_1436, %dma_wait3A_1438, %dma_wait3A_1439] : memref<3x256x64xf32, #tpu.memory_space<vmem>> -> memref<1x256x64xf32, #tpu.memory_space<vmem>>
    %dma_wait3A_1441 = tpu.memref_squeeze %dma_wait3A_1440 : memref<1x256x64xf32, #tpu.memory_space<vmem>> -> memref<256x64xf32, #tpu.memory_space<vmem>>
    %dma_wait3A_1442 = arith.constant 0 : i32
    %dma_wait3A_1443 = tpu.memref_slice %arg4[%select_n3A_1079, %dma_wait3A_1437, %dma_wait3A_1442] : memref<49152x2x64xf32, #tpu.memory_space<hbm>> -> memref<256x1x64xf32, #tpu.memory_space<hbm>>
    %dma_wait3A_1444 = tpu.memref_squeeze %dma_wait3A_1443 : memref<256x1x64xf32, #tpu.memory_space<hbm>> -> memref<256x64xf32, #tpu.memory_space<hbm>>
    %dma_wait3A_1445 = arith.constant 0 : i32
    %dma_wait3A_1446 = tpu.memref_slice %arg4[%select_n3A_1079, %dma_wait3A_1437, %dma_wait3A_1445] : memref<49152x2x64xf32, #tpu.memory_space<hbm>> -> memref<256x1x64xf32, #tpu.memory_space<hbm>>
    %dma_wait3A_1447 = tpu.memref_squeeze %dma_wait3A_1446 : memref<256x1x64xf32, #tpu.memory_space<hbm>> -> memref<256x64xf32, #tpu.memory_space<hbm>>
    %dma_wait3A_1448 = arith.constant 0 : i32
    %dma_wait3A_1449 = arith.constant 0 : i32
    %dma_wait3A_1450 = tpu.memref_slice %arg6[%dma_wait3A_1436, %dma_wait3A_1448, %dma_wait3A_1449] : memref<3x256x64xf32, #tpu.memory_space<vmem>> -> memref<1x256x64xf32, #tpu.memory_space<vmem>>
    %dma_wait3A_1451 = tpu.memref_squeeze %dma_wait3A_1450 : memref<1x256x64xf32, #tpu.memory_space<vmem>> -> memref<256x64xf32, #tpu.memory_space<vmem>>
    tpu.wait_dma2 semaphore(%arg14 : memref<!tpu.dma_semaphore, #tpu.memory_space<semaphore_mem>>) src(%dma_wait3A_1451 : memref<256x64xf32, #tpu.memory_space<vmem>>) dst(%dma_wait3A_1447 : memref<256x64xf32, #tpu.memory_space<hbm>>)
    %dma_wait3A_1452 = arith.constant 0 : i32
    %dma_wait3A_1453 = arith.constant 1 : i32
    %dma_wait3A_1454 = arith.constant 0 : i32
    %dma_wait3A_1455 = arith.constant 0 : i32
    %dma_wait3A_1456 = tpu.memref_slice %arg7[%dma_wait3A_1452, %dma_wait3A_1454, %dma_wait3A_1455] : memref<3x256x64xf32, #tpu.memory_space<vmem>> -> memref<1x256x64xf32, #tpu.memory_space<vmem>>
    %dma_wait3A_1457 = tpu.memref_squeeze %dma_wait3A_1456 : memref<1x256x64xf32, #tpu.memory_space<vmem>> -> memref<256x64xf32, #tpu.memory_space<vmem>>
    %dma_wait3A_1458 = arith.constant 0 : i32
    %dma_wait3A_1459 = tpu.memref_slice %arg4[%select_n3A_1079, %dma_wait3A_1453, %dma_wait3A_1458] : memref<49152x2x64xf32, #tpu.memory_space<hbm>> -> memref<256x1x64xf32, #tpu.memory_space<hbm>>
    %dma_wait3A_1460 = tpu.memref_squeeze %dma_wait3A_1459 : memref<256x1x64xf32, #tpu.memory_space<hbm>> -> memref<256x64xf32, #tpu.memory_space<hbm>>
    %dma_wait3A_1461 = arith.constant 0 : i32
    %dma_wait3A_1462 = tpu.memref_slice %arg4[%select_n3A_1079, %dma_wait3A_1453, %dma_wait3A_1461] : memref<49152x2x64xf32, #tpu.memory_space<hbm>> -> memref<256x1x64xf32, #tpu.memory_space<hbm>>
    %dma_wait3A_1463 = tpu.memref_squeeze %dma_wait3A_1462 : memref<256x1x64xf32, #tpu.memory_space<hbm>> -> memref<256x64xf32, #tpu.memory_space<hbm>>
    %dma_wait3A_1464 = arith.constant 0 : i32
    %dma_wait3A_1465 = arith.constant 0 : i32
    %dma_wait3A_1466 = tpu.memref_slice %arg7[%dma_wait3A_1452, %dma_wait3A_1464, %dma_wait3A_1465] : memref<3x256x64xf32, #tpu.memory_space<vmem>> -> memref<1x256x64xf32, #tpu.memory_space<vmem>>
    %dma_wait3A_1467 = tpu.memref_squeeze %dma_wait3A_1466 : memref<1x256x64xf32, #tpu.memory_space<vmem>> -> memref<256x64xf32, #tpu.memory_space<vmem>>
    tpu.wait_dma2 semaphore(%arg14 : memref<!tpu.dma_semaphore, #tpu.memory_space<semaphore_mem>>) src(%dma_wait3A_1467 : memref<256x64xf32, #tpu.memory_space<vmem>>) dst(%dma_wait3A_1463 : memref<256x64xf32, #tpu.memory_space<hbm>>)
    %dma_wait3A_1468 = arith.constant 1 : i32
    %dma_wait3A_1469 = arith.constant 0 : i32
    %dma_wait3A_1470 = arith.constant 0 : i32
    %dma_wait3A_1471 = arith.constant 0 : i32
    %dma_wait3A_1472 = tpu.memref_slice %arg6[%dma_wait3A_1468, %dma_wait3A_1470, %dma_wait3A_1471] : memref<3x256x64xf32, #tpu.memory_space<vmem>> -> memref<1x256x64xf32, #tpu.memory_space<vmem>>
    %dma_wait3A_1473 = tpu.memref_squeeze %dma_wait3A_1472 : memref<1x256x64xf32, #tpu.memory_space<vmem>> -> memref<256x64xf32, #tpu.memory_space<vmem>>
    %dma_wait3A_1474 = arith.constant 0 : i32
    %dma_wait3A_1475 = tpu.memref_slice %arg4[%select_n3A_1241, %dma_wait3A_1469, %dma_wait3A_1474] : memref<49152x2x64xf32, #tpu.memory_space<hbm>> -> memref<256x1x64xf32, #tpu.memory_space<hbm>>
    %dma_wait3A_1476 = tpu.memref_squeeze %dma_wait3A_1475 : memref<256x1x64xf32, #tpu.memory_space<hbm>> -> memref<256x64xf32, #tpu.memory_space<hbm>>
    %dma_wait3A_1477 = arith.constant 0 : i32
    %dma_wait3A_1478 = tpu.memref_slice %arg4[%select_n3A_1241, %dma_wait3A_1469, %dma_wait3A_1477] : memref<49152x2x64xf32, #tpu.memory_space<hbm>> -> memref<256x1x64xf32, #tpu.memory_space<hbm>>
    %dma_wait3A_1479 = tpu.memref_squeeze %dma_wait3A_1478 : memref<256x1x64xf32, #tpu.memory_space<hbm>> -> memref<256x64xf32, #tpu.memory_space<hbm>>
    %dma_wait3A_1480 = arith.constant 0 : i32
    %dma_wait3A_1481 = arith.constant 0 : i32
    %dma_wait3A_1482 = tpu.memref_slice %arg6[%dma_wait3A_1468, %dma_wait3A_1480, %dma_wait3A_1481] : memref<3x256x64xf32, #tpu.memory_space<vmem>> -> memref<1x256x64xf32, #tpu.memory_space<vmem>>
    %dma_wait3A_1483 = tpu.memref_squeeze %dma_wait3A_1482 : memref<1x256x64xf32, #tpu.memory_space<vmem>> -> memref<256x64xf32, #tpu.memory_space<vmem>>
    tpu.wait_dma2 semaphore(%arg15 : memref<!tpu.dma_semaphore, #tpu.memory_space<semaphore_mem>>) src(%dma_wait3A_1483 : memref<256x64xf32, #tpu.memory_space<vmem>>) dst(%dma_wait3A_1479 : memref<256x64xf32, #tpu.memory_space<hbm>>)
    %dma_wait3A_1484 = arith.constant 1 : i32
    %dma_wait3A_1485 = arith.constant 1 : i32
    %dma_wait3A_1486 = arith.constant 0 : i32
    %dma_wait3A_1487 = arith.constant 0 : i32
    %dma_wait3A_1488 = tpu.memref_slice %arg7[%dma_wait3A_1484, %dma_wait3A_1486, %dma_wait3A_1487] : memref<3x256x64xf32, #tpu.memory_space<vmem>> -> memref<1x256x64xf32, #tpu.memory_space<vmem>>
    %dma_wait3A_1489 = tpu.memref_squeeze %dma_wait3A_1488 : memref<1x256x64xf32, #tpu.memory_space<vmem>> -> memref<256x64xf32, #tpu.memory_space<vmem>>
    %dma_wait3A_1490 = arith.constant 0 : i32
    %dma_wait3A_1491 = tpu.memref_slice %arg4[%select_n3A_1241, %dma_wait3A_1485, %dma_wait3A_1490] : memref<49152x2x64xf32, #tpu.memory_space<hbm>> -> memref<256x1x64xf32, #tpu.memory_space<hbm>>
    %dma_wait3A_1492 = tpu.memref_squeeze %dma_wait3A_1491 : memref<256x1x64xf32, #tpu.memory_space<hbm>> -> memref<256x64xf32, #tpu.memory_space<hbm>>
    %dma_wait3A_1493 = arith.constant 0 : i32
    %dma_wait3A_1494 = tpu.memref_slice %arg4[%select_n3A_1241, %dma_wait3A_1485, %dma_wait3A_1493] : memref<49152x2x64xf32, #tpu.memory_space<hbm>> -> memref<256x1x64xf32, #tpu.memory_space<hbm>>
    %dma_wait3A_1495 = tpu.memref_squeeze %dma_wait3A_1494 : memref<256x1x64xf32, #tpu.memory_space<hbm>> -> memref<256x64xf32, #tpu.memory_space<hbm>>
    %dma_wait3A_1496 = arith.constant 0 : i32
    %dma_wait3A_1497 = arith.constant 0 : i32
    %dma_wait3A_1498 = tpu.memref_slice %arg7[%dma_wait3A_1484, %dma_wait3A_1496, %dma_wait3A_1497] : memref<3x256x64xf32, #tpu.memory_space<vmem>> -> memref<1x256x64xf32, #tpu.memory_space<vmem>>
    %dma_wait3A_1499 = tpu.memref_squeeze %dma_wait3A_1498 : memref<1x256x64xf32, #tpu.memory_space<vmem>> -> memref<256x64xf32, #tpu.memory_space<vmem>>
    tpu.wait_dma2 semaphore(%arg15 : memref<!tpu.dma_semaphore, #tpu.memory_space<semaphore_mem>>) src(%dma_wait3A_1499 : memref<256x64xf32, #tpu.memory_space<vmem>>) dst(%dma_wait3A_1495 : memref<256x64xf32, #tpu.memory_space<hbm>>)
    %dma_wait3A_1500 = arith.constant 2 : i32
    %dma_wait3A_1501 = arith.constant 0 : i32
    %dma_wait3A_1502 = arith.constant 0 : i32
    %dma_wait3A_1503 = arith.constant 0 : i32
    %dma_wait3A_1504 = tpu.memref_slice %arg6[%dma_wait3A_1500, %dma_wait3A_1502, %dma_wait3A_1503] : memref<3x256x64xf32, #tpu.memory_space<vmem>> -> memref<1x256x64xf32, #tpu.memory_space<vmem>>
    %dma_wait3A_1505 = tpu.memref_squeeze %dma_wait3A_1504 : memref<1x256x64xf32, #tpu.memory_space<vmem>> -> memref<256x64xf32, #tpu.memory_space<vmem>>
    %dma_wait3A_1506 = arith.constant 0 : i32
    %dma_wait3A_1507 = tpu.memref_slice %arg4[%select_n3A_1403, %dma_wait3A_1501, %dma_wait3A_1506] : memref<49152x2x64xf32, #tpu.memory_space<hbm>> -> memref<256x1x64xf32, #tpu.memory_space<hbm>>
    %dma_wait3A_1508 = tpu.memref_squeeze %dma_wait3A_1507 : memref<256x1x64xf32, #tpu.memory_space<hbm>> -> memref<256x64xf32, #tpu.memory_space<hbm>>
    %dma_wait3A_1509 = arith.constant 0 : i32
    %dma_wait3A_1510 = tpu.memref_slice %arg4[%select_n3A_1403, %dma_wait3A_1501, %dma_wait3A_1509] : memref<49152x2x64xf32, #tpu.memory_space<hbm>> -> memref<256x1x64xf32, #tpu.memory_space<hbm>>
    %dma_wait3A_1511 = tpu.memref_squeeze %dma_wait3A_1510 : memref<256x1x64xf32, #tpu.memory_space<hbm>> -> memref<256x64xf32, #tpu.memory_space<hbm>>
    %dma_wait3A_1512 = arith.constant 0 : i32
    %dma_wait3A_1513 = arith.constant 0 : i32
    %dma_wait3A_1514 = tpu.memref_slice %arg6[%dma_wait3A_1500, %dma_wait3A_1512, %dma_wait3A_1513] : memref<3x256x64xf32, #tpu.memory_space<vmem>> -> memref<1x256x64xf32, #tpu.memory_space<vmem>>
    %dma_wait3A_1515 = tpu.memref_squeeze %dma_wait3A_1514 : memref<1x256x64xf32, #tpu.memory_space<vmem>> -> memref<256x64xf32, #tpu.memory_space<vmem>>
    tpu.wait_dma2 semaphore(%arg16 : memref<!tpu.dma_semaphore, #tpu.memory_space<semaphore_mem>>) src(%dma_wait3A_1515 : memref<256x64xf32, #tpu.memory_space<vmem>>) dst(%dma_wait3A_1511 : memref<256x64xf32, #tpu.memory_space<hbm>>)
    %dma_wait3A_1516 = arith.constant 2 : i32
    %dma_wait3A_1517 = arith.constant 1 : i32
    %dma_wait3A_1518 = arith.constant 0 : i32
    %dma_wait3A_1519 = arith.constant 0 : i32
    %dma_wait3A_1520 = tpu.memref_slice %arg7[%dma_wait3A_1516, %dma_wait3A_1518, %dma_wait3A_1519] : memref<3x256x64xf32, #tpu.memory_space<vmem>> -> memref<1x256x64xf32, #tpu.memory_space<vmem>>
    %dma_wait3A_1521 = tpu.memref_squeeze %dma_wait3A_1520 : memref<1x256x64xf32, #tpu.memory_space<vmem>> -> memref<256x64xf32, #tpu.memory_space<vmem>>
    %dma_wait3A_1522 = arith.constant 0 : i32
    %dma_wait3A_1523 = tpu.memref_slice %arg4[%select_n3A_1403, %dma_wait3A_1517, %dma_wait3A_1522] : memref<49152x2x64xf32, #tpu.memory_space<hbm>> -> memref<256x1x64xf32, #tpu.memory_space<hbm>>
    %dma_wait3A_1524 = tpu.memref_squeeze %dma_wait3A_1523 : memref<256x1x64xf32, #tpu.memory_space<hbm>> -> memref<256x64xf32, #tpu.memory_space<hbm>>
    %dma_wait3A_1525 = arith.constant 0 : i32
    %dma_wait3A_1526 = tpu.memref_slice %arg4[%select_n3A_1403, %dma_wait3A_1517, %dma_wait3A_1525] : memref<49152x2x64xf32, #tpu.memory_space<hbm>> -> memref<256x1x64xf32, #tpu.memory_space<hbm>>
    %dma_wait3A_1527 = tpu.memref_squeeze %dma_wait3A_1526 : memref<256x1x64xf32, #tpu.memory_space<hbm>> -> memref<256x64xf32, #tpu.memory_space<hbm>>
    %dma_wait3A_1528 = arith.constant 0 : i32
    %dma_wait3A_1529 = arith.constant 0 : i32
    %dma_wait3A_1530 = tpu.memref_slice %arg7[%dma_wait3A_1516, %dma_wait3A_1528, %dma_wait3A_1529] : memref<3x256x64xf32, #tpu.memory_space<vmem>> -> memref<1x256x64xf32, #tpu.memory_space<vmem>>
    %dma_wait3A_1531 = tpu.memref_squeeze %dma_wait3A_1530 : memref<1x256x64xf32, #tpu.memory_space<vmem>> -> memref<256x64xf32, #tpu.memory_space<vmem>>
    tpu.wait_dma2 semaphore(%arg16 : memref<!tpu.dma_semaphore, #tpu.memory_space<semaphore_mem>>) src(%dma_wait3A_1531 : memref<256x64xf32, #tpu.memory_space<vmem>>) dst(%dma_wait3A_1527 : memref<256x64xf32, #tpu.memory_space<hbm>>)
    return
  }
}

module attributes {stable_mosaic.version = 14 : i64} {
  func.func @k(%arg0: i32, %arg1: memref<64x16384xf32, #tpu.memory_space<vmem>>, %arg2: memref<6x16384xi32, #tpu.memory_space<vmem>>, %arg3: memref<8192x128xf32, #tpu.memory_space<vmem>>, %arg4: memref<6x128x128xi32, #tpu.memory_space<vmem>>) attributes {dimension_semantics = [#tpu.dimension_semantics<arbitrary>], iteration_bounds = array<i64: 7>, scalar_prefetch = 0 : i64, scratch_operands = 0 : i64, tpu.core_type = #tpu.core_type<tc>, window_params = [{transform_indices = @transform_0, window_bounds = array<i64: 64, 16384>}, {pipeline_mode = #tpu.pipeline_mode<synchronous>, transform_indices = @transform_1, window_bounds = array<i64: 6, 16384>}, {transform_indices = @transform_2, window_bounds = array<i64: 8192, 128>}, {pipeline_mode = #tpu.pipeline_mode<synchronous>, transform_indices = @transform_3, window_bounds = array<i64: 6, 128, 128>}]} {
    %get3A = arith.constant 0 : index
    %get3A_0 = arith.constant 0 : index
    %get3A_1 = vector.load %arg1[%get3A, %get3A_0] : memref<64x16384xf32, #tpu.memory_space<vmem>>, vector<64x8192xf32>
    %get3A_2 = arith.constant 0 : index
    %get3A_3 = arith.constant 8192 : index
    %get3A_4 = vector.load %arg1[%get3A_2, %get3A_3] : memref<64x16384xf32, #tpu.memory_space<vmem>>, vector<64x8192xf32>
    %concatenate3A = tpu.concatenate %get3A_1, %get3A_4 in 0 : vector<64x8192xf32>, vector<64x8192xf32> -> vector<128x8192xf32>
    %transpose3A = tpu.transpose %concatenate3A, [1, 0] : vector<128x8192xf32> -> vector<8192x128xf32>
    %swap3A = arith.constant 0 : index
    %swap3A_5 = arith.constant 0 : index
    %swap3A_6 = vector.load %arg3[%swap3A, %swap3A_5] : memref<8192x128xf32, #tpu.memory_space<vmem>>, vector<8192x128xf32>
    tpu.vector_store %arg3[%swap3A, %swap3A_5], %transpose3A {strides = array<i32>} : memref<8192x128xf32, #tpu.memory_space<vmem>>, vector<8192x128xf32>,
    %eq3A = arith.constant 0 : i32
    %eq3A_7 = arith.cmpi eq, %arg0, %eq3A : i32
    %convert_element_type3A = arith.extui %eq3A_7 : i1 to i32
    %cond3A = arith.constant 0 : i32
    %cond3A_8 = arith.cmpi ne, %convert_element_type3A, %cond3A : i32
    scf.if %cond3A_8 {
      %get3A_9 = arith.constant 0 : index
      %get3A_10 = arith.constant 0 : index
      %get3A_11 = vector.load %arg2[%get3A_9, %get3A_10] : memref<6x16384xi32, #tpu.memory_space<vmem>>, vector<1x16384xi32>
      %get3A_12 = vector.shape_cast %get3A_11 : vector<1x16384xi32> to vector<16384xi32>
      %reshape3A = vector.shape_cast %get3A_12 : vector<16384xi32> to vector<128x128xi32>
      %and3A = arith.constant -16384 : i32
      %and3A_13 = vector.broadcast %and3A : i32 to vector<128x128xi32>
      %and3A_14 = arith.andi %reshape3A, %and3A_13 : vector<128x128xi32>
      %and3A_15 = arith.constant 8191 : i32
      %and3A_16 = vector.broadcast %and3A_15 : i32 to vector<128x128xi32>
      %and3A_17 = arith.andi %reshape3A, %and3A_16 : vector<128x128xi32>
      %shift_left3A = arith.constant 1 : i32
      %shift_left3A_18 = vector.broadcast %shift_left3A : i32 to vector<128x128xi32>
      %shift_left3A_19 = arith.shli %and3A_17, %shift_left3A_18 : vector<128x128xi32>
      %add3A = arith.addi %and3A_14, %shift_left3A_19 : vector<128x128xi32>
      %shift_right_arithmetic3A = arith.constant 13 : i32
      %shift_right_arithmetic3A_20 = vector.broadcast %shift_right_arithmetic3A : i32 to vector<128x128xi32>
      %shift_right_arithmetic3A_21 = arith.shrsi %reshape3A, %shift_right_arithmetic3A_20 : vector<128x128xi32>
      %and3A_22 = arith.constant 1 : i32
      %and3A_23 = vector.broadcast %and3A_22 : i32 to vector<128x128xi32>
      %and3A_24 = arith.andi %shift_right_arithmetic3A_21, %and3A_23 : vector<128x128xi32>
      %add3A_25 = arith.addi %add3A, %and3A_24 : vector<128x128xi32>
      %swap3A_26 = arith.constant 0 : index
      %swap3A_27 = arith.constant 0 : index
      %swap3A_28 = arith.constant 0 : index
      %swap3A_29 = vector.load %arg4[%swap3A_26, %swap3A_27, %swap3A_28] : memref<6x128x128xi32, #tpu.memory_space<vmem>>, vector<1x128x128xi32>
      %swap3A_30 = vector.shape_cast %swap3A_29 : vector<1x128x128xi32> to vector<128x128xi32>
      %swap3A_31 = vector.shape_cast %add3A_25 : vector<128x128xi32> to vector<1x128x128xi32>
      tpu.vector_store %arg4[%swap3A_26, %swap3A_27, %swap3A_28], %swap3A_31 {strides = array<i32>} : memref<6x128x128xi32, #tpu.memory_space<vmem>>, vector<1x128x128xi32>,
      %get3A_32 = arith.constant 2 : index
      %get3A_33 = arith.constant 0 : index
      %get3A_34 = vector.load %arg2[%get3A_32, %get3A_33] : memref<6x16384xi32, #tpu.memory_space<vmem>>, vector<1x16384xi32>
      %get3A_35 = vector.shape_cast %get3A_34 : vector<1x16384xi32> to vector<16384xi32>
      %reshape3A_36 = vector.shape_cast %get3A_35 : vector<16384xi32> to vector<128x128xi32>
      %and3A_37 = arith.constant -16384 : i32
      %and3A_38 = vector.broadcast %and3A_37 : i32 to vector<128x128xi32>
      %and3A_39 = arith.andi %reshape3A_36, %and3A_38 : vector<128x128xi32>
      %and3A_40 = arith.constant 8191 : i32
      %and3A_41 = vector.broadcast %and3A_40 : i32 to vector<128x128xi32>
      %and3A_42 = arith.andi %reshape3A_36, %and3A_41 : vector<128x128xi32>
      %shift_left3A_43 = arith.constant 1 : i32
      %shift_left3A_44 = vector.broadcast %shift_left3A_43 : i32 to vector<128x128xi32>
      %shift_left3A_45 = arith.shli %and3A_42, %shift_left3A_44 : vector<128x128xi32>
      %add3A_46 = arith.addi %and3A_39, %shift_left3A_45 : vector<128x128xi32>
      %shift_right_arithmetic3A_47 = arith.constant 13 : i32
      %shift_right_arithmetic3A_48 = vector.broadcast %shift_right_arithmetic3A_47 : i32 to vector<128x128xi32>
      %shift_right_arithmetic3A_49 = arith.shrsi %reshape3A_36, %shift_right_arithmetic3A_48 : vector<128x128xi32>
      %and3A_50 = arith.constant 1 : i32
      %and3A_51 = vector.broadcast %and3A_50 : i32 to vector<128x128xi32>
      %and3A_52 = arith.andi %shift_right_arithmetic3A_49, %and3A_51 : vector<128x128xi32>
      %add3A_53 = arith.addi %add3A_46, %and3A_52 : vector<128x128xi32>
      %swap3A_54 = arith.constant 1 : index
      %swap3A_55 = arith.constant 0 : index
      %swap3A_56 = arith.constant 0 : index
      %swap3A_57 = vector.load %arg4[%swap3A_54, %swap3A_55, %swap3A_56] : memref<6x128x128xi32, #tpu.memory_space<vmem>>, vector<1x128x128xi32>
      %swap3A_58 = vector.shape_cast %swap3A_57 : vector<1x128x128xi32> to vector<128x128xi32>
      %swap3A_59 = vector.shape_cast %add3A_53 : vector<128x128xi32> to vector<1x128x128xi32>
      tpu.vector_store %arg4[%swap3A_54, %swap3A_55, %swap3A_56], %swap3A_59 {strides = array<i32>} : memref<6x128x128xi32, #tpu.memory_space<vmem>>, vector<1x128x128xi32>,
      %get3A_60 = arith.constant 4 : index
      %get3A_61 = arith.constant 0 : index
      %get3A_62 = vector.load %arg2[%get3A_60, %get3A_61] : memref<6x16384xi32, #tpu.memory_space<vmem>>, vector<1x16384xi32>
      %get3A_63 = vector.shape_cast %get3A_62 : vector<1x16384xi32> to vector<16384xi32>
      %reshape3A_64 = vector.shape_cast %get3A_63 : vector<16384xi32> to vector<128x128xi32>
      %and3A_65 = arith.constant -16384 : i32
      %and3A_66 = vector.broadcast %and3A_65 : i32 to vector<128x128xi32>
      %and3A_67 = arith.andi %reshape3A_64, %and3A_66 : vector<128x128xi32>
      %and3A_68 = arith.constant 8191 : i32
      %and3A_69 = vector.broadcast %and3A_68 : i32 to vector<128x128xi32>
      %and3A_70 = arith.andi %reshape3A_64, %and3A_69 : vector<128x128xi32>
      %shift_left3A_71 = arith.constant 1 : i32
      %shift_left3A_72 = vector.broadcast %shift_left3A_71 : i32 to vector<128x128xi32>
      %shift_left3A_73 = arith.shli %and3A_70, %shift_left3A_72 : vector<128x128xi32>
      %add3A_74 = arith.addi %and3A_67, %shift_left3A_73 : vector<128x128xi32>
      %shift_right_arithmetic3A_75 = arith.constant 13 : i32
      %shift_right_arithmetic3A_76 = vector.broadcast %shift_right_arithmetic3A_75 : i32 to vector<128x128xi32>
      %shift_right_arithmetic3A_77 = arith.shrsi %reshape3A_64, %shift_right_arithmetic3A_76 : vector<128x128xi32>
      %and3A_78 = arith.constant 1 : i32
      %and3A_79 = vector.broadcast %and3A_78 : i32 to vector<128x128xi32>
      %and3A_80 = arith.andi %shift_right_arithmetic3A_77, %and3A_79 : vector<128x128xi32>
      %add3A_81 = arith.addi %add3A_74, %and3A_80 : vector<128x128xi32>
      %swap3A_82 = arith.constant 2 : index
      %swap3A_83 = arith.constant 0 : index
      %swap3A_84 = arith.constant 0 : index
      %swap3A_85 = vector.load %arg4[%swap3A_82, %swap3A_83, %swap3A_84] : memref<6x128x128xi32, #tpu.memory_space<vmem>>, vector<1x128x128xi32>
      %swap3A_86 = vector.shape_cast %swap3A_85 : vector<1x128x128xi32> to vector<128x128xi32>
      %swap3A_87 = vector.shape_cast %add3A_81 : vector<128x128xi32> to vector<1x128x128xi32>
      tpu.vector_store %arg4[%swap3A_82, %swap3A_83, %swap3A_84], %swap3A_87 {strides = array<i32>} : memref<6x128x128xi32, #tpu.memory_space<vmem>>, vector<1x128x128xi32>,
      %get3A_88 = arith.constant 1 : index
      %get3A_89 = arith.constant 0 : index
      %get3A_90 = vector.load %arg2[%get3A_88, %get3A_89] : memref<6x16384xi32, #tpu.memory_space<vmem>>, vector<1x16384xi32>
      %get3A_91 = vector.shape_cast %get3A_90 : vector<1x16384xi32> to vector<16384xi32>
      %reshape3A_92 = vector.shape_cast %get3A_91 : vector<16384xi32> to vector<128x128xi32>
      %and3A_93 = arith.constant -16384 : i32
      %and3A_94 = vector.broadcast %and3A_93 : i32 to vector<128x128xi32>
      %and3A_95 = arith.andi %reshape3A_92, %and3A_94 : vector<128x128xi32>
      %and3A_96 = arith.constant 8191 : i32
      %and3A_97 = vector.broadcast %and3A_96 : i32 to vector<128x128xi32>
      %and3A_98 = arith.andi %reshape3A_92, %and3A_97 : vector<128x128xi32>
      %shift_left3A_99 = arith.constant 1 : i32
      %shift_left3A_100 = vector.broadcast %shift_left3A_99 : i32 to vector<128x128xi32>
      %shift_left3A_101 = arith.shli %and3A_98, %shift_left3A_100 : vector<128x128xi32>
      %add3A_102 = arith.addi %and3A_95, %shift_left3A_101 : vector<128x128xi32>
      %shift_right_arithmetic3A_103 = arith.constant 13 : i32
      %shift_right_arithmetic3A_104 = vector.broadcast %shift_right_arithmetic3A_103 : i32 to vector<128x128xi32>
      %shift_right_arithmetic3A_105 = arith.shrsi %reshape3A_92, %shift_right_arithmetic3A_104 : vector<128x128xi32>
      %and3A_106 = arith.constant 1 : i32
      %and3A_107 = vector.broadcast %and3A_106 : i32 to vector<128x128xi32>
      %and3A_108 = arith.andi %shift_right_arithmetic3A_105, %and3A_107 : vector<128x128xi32>
      %add3A_109 = arith.addi %add3A_102, %and3A_108 : vector<128x128xi32>
      %swap3A_110 = arith.constant 3 : index
      %swap3A_111 = arith.constant 0 : index
      %swap3A_112 = arith.constant 0 : index
      %swap3A_113 = vector.load %arg4[%swap3A_110, %swap3A_111, %swap3A_112] : memref<6x128x128xi32, #tpu.memory_space<vmem>>, vector<1x128x128xi32>
      %swap3A_114 = vector.shape_cast %swap3A_113 : vector<1x128x128xi32> to vector<128x128xi32>
      %swap3A_115 = vector.shape_cast %add3A_109 : vector<128x128xi32> to vector<1x128x128xi32>
      tpu.vector_store %arg4[%swap3A_110, %swap3A_111, %swap3A_112], %swap3A_115 {strides = array<i32>} : memref<6x128x128xi32, #tpu.memory_space<vmem>>, vector<1x128x128xi32>,
      %get3A_116 = arith.constant 3 : index
      %get3A_117 = arith.constant 0 : index
      %get3A_118 = vector.load %arg2[%get3A_116, %get3A_117] : memref<6x16384xi32, #tpu.memory_space<vmem>>, vector<1x16384xi32>
      %get3A_119 = vector.shape_cast %get3A_118 : vector<1x16384xi32> to vector<16384xi32>
      %reshape3A_120 = vector.shape_cast %get3A_119 : vector<16384xi32> to vector<128x128xi32>
      %and3A_121 = arith.constant -16384 : i32
      %and3A_122 = vector.broadcast %and3A_121 : i32 to vector<128x128xi32>
      %and3A_123 = arith.andi %reshape3A_120, %and3A_122 : vector<128x128xi32>
      %and3A_124 = arith.constant 8191 : i32
      %and3A_125 = vector.broadcast %and3A_124 : i32 to vector<128x128xi32>
      %and3A_126 = arith.andi %reshape3A_120, %and3A_125 : vector<128x128xi32>
      %shift_left3A_127 = arith.constant 1 : i32
      %shift_left3A_128 = vector.broadcast %shift_left3A_127 : i32 to vector<128x128xi32>
      %shift_left3A_129 = arith.shli %and3A_126, %shift_left3A_128 : vector<128x128xi32>
      %add3A_130 = arith.addi %and3A_123, %shift_left3A_129 : vector<128x128xi32>
      %shift_right_arithmetic3A_131 = arith.constant 13 : i32
      %shift_right_arithmetic3A_132 = vector.broadcast %shift_right_arithmetic3A_131 : i32 to vector<128x128xi32>
      %shift_right_arithmetic3A_133 = arith.shrsi %reshape3A_120, %shift_right_arithmetic3A_132 : vector<128x128xi32>
      %and3A_134 = arith.constant 1 : i32
      %and3A_135 = vector.broadcast %and3A_134 : i32 to vector<128x128xi32>
      %and3A_136 = arith.andi %shift_right_arithmetic3A_133, %and3A_135 : vector<128x128xi32>
      %add3A_137 = arith.addi %add3A_130, %and3A_136 : vector<128x128xi32>
      %swap3A_138 = arith.constant 4 : index
      %swap3A_139 = arith.constant 0 : index
      %swap3A_140 = arith.constant 0 : index
      %swap3A_141 = vector.load %arg4[%swap3A_138, %swap3A_139, %swap3A_140] : memref<6x128x128xi32, #tpu.memory_space<vmem>>, vector<1x128x128xi32>
      %swap3A_142 = vector.shape_cast %swap3A_141 : vector<1x128x128xi32> to vector<128x128xi32>
      %swap3A_143 = vector.shape_cast %add3A_137 : vector<128x128xi32> to vector<1x128x128xi32>
      tpu.vector_store %arg4[%swap3A_138, %swap3A_139, %swap3A_140], %swap3A_143 {strides = array<i32>} : memref<6x128x128xi32, #tpu.memory_space<vmem>>, vector<1x128x128xi32>,
      %get3A_144 = arith.constant 5 : index
      %get3A_145 = arith.constant 0 : index
      %get3A_146 = vector.load %arg2[%get3A_144, %get3A_145] : memref<6x16384xi32, #tpu.memory_space<vmem>>, vector<1x16384xi32>
      %get3A_147 = vector.shape_cast %get3A_146 : vector<1x16384xi32> to vector<16384xi32>
      %reshape3A_148 = vector.shape_cast %get3A_147 : vector<16384xi32> to vector<128x128xi32>
      %and3A_149 = arith.constant -16384 : i32
      %and3A_150 = vector.broadcast %and3A_149 : i32 to vector<128x128xi32>
      %and3A_151 = arith.andi %reshape3A_148, %and3A_150 : vector<128x128xi32>
      %and3A_152 = arith.constant 8191 : i32
      %and3A_153 = vector.broadcast %and3A_152 : i32 to vector<128x128xi32>
      %and3A_154 = arith.andi %reshape3A_148, %and3A_153 : vector<128x128xi32>
      %shift_left3A_155 = arith.constant 1 : i32
      %shift_left3A_156 = vector.broadcast %shift_left3A_155 : i32 to vector<128x128xi32>
      %shift_left3A_157 = arith.shli %and3A_154, %shift_left3A_156 : vector<128x128xi32>
      %add3A_158 = arith.addi %and3A_151, %shift_left3A_157 : vector<128x128xi32>
      %shift_right_arithmetic3A_159 = arith.constant 13 : i32
      %shift_right_arithmetic3A_160 = vector.broadcast %shift_right_arithmetic3A_159 : i32 to vector<128x128xi32>
      %shift_right_arithmetic3A_161 = arith.shrsi %reshape3A_148, %shift_right_arithmetic3A_160 : vector<128x128xi32>
      %and3A_162 = arith.constant 1 : i32
      %and3A_163 = vector.broadcast %and3A_162 : i32 to vector<128x128xi32>
      %and3A_164 = arith.andi %shift_right_arithmetic3A_161, %and3A_163 : vector<128x128xi32>
      %add3A_165 = arith.addi %add3A_158, %and3A_164 : vector<128x128xi32>
      %swap3A_166 = arith.constant 5 : index
      %swap3A_167 = arith.constant 0 : index
      %swap3A_168 = arith.constant 0 : index
      %swap3A_169 = vector.load %arg4[%swap3A_166, %swap3A_167, %swap3A_168] : memref<6x128x128xi32, #tpu.memory_space<vmem>>, vector<1x128x128xi32>
      %swap3A_170 = vector.shape_cast %swap3A_169 : vector<1x128x128xi32> to vector<128x128xi32>
      %swap3A_171 = vector.shape_cast %add3A_165 : vector<128x128xi32> to vector<1x128x128xi32>
      tpu.vector_store %arg4[%swap3A_166, %swap3A_167, %swap3A_168], %swap3A_171 {strides = array<i32>} : memref<6x128x128xi32, #tpu.memory_space<vmem>>, vector<1x128x128xi32>,
    } else {
    }
    return
  }
  func.func @transform_0(%arg0: i32) -> (i32, i32) {
    %c0_i32 = arith.constant 0 : i32
    %c0_i32_0 = arith.constant 0 : i32
    return %c0_i32, %arg0 : i32, i32
  }
  func.func @transform_1(%arg0: i32) -> (i32, i32) {
    %c0_i32 = arith.constant 0 : i32
    %c0_i32_0 = arith.constant 0 : i32
    %c0_i32_1 = arith.constant 0 : i32
    return %c0_i32, %c0_i32_0 : i32, i32
  }
  func.func @transform_2(%arg0: i32) -> (i32, i32) {
    %c0_i32 = arith.constant 0 : i32
    %c0_i32_0 = arith.constant 0 : i32
    return %arg0, %c0_i32 : i32, i32
  }
  func.func @transform_3(%arg0: i32) -> (i32, i32, i32) {
    %c0_i32 = arith.constant 0 : i32
    %c0_i32_0 = arith.constant 0 : i32
    %c0_i32_1 = arith.constant 0 : i32
    %c0_i32_2 = arith.constant 0 : i32
    return %c0_i32, %c0_i32_0, %c0_i32_1 : i32, i32, i32
  }
}

module attributes {stable_mosaic.version = 14 : i64} {
  func.func @mlp_k(%arg0: i32, %arg1: memref<3x4096x128xf32, #tpu.memory_space<vmem>>, %arg2: memref<3x128x128xf32, #tpu.memory_space<vmem>>, %arg3: memref<1x128xf32, #tpu.memory_space<vmem>>, %arg4: memref<128x128xf32, #tpu.memory_space<vmem>>, %arg5: memref<1x128xf32, #tpu.memory_space<vmem>>, %arg6: memref<4096x128xf32, #tpu.memory_space<vmem>>) attributes {dimension_semantics = [#tpu.dimension_semantics<arbitrary>], iteration_bounds = array<i64: 4>, scalar_prefetch = 0 : i64, scratch_operands = 0 : i64, tpu.core_type = #tpu.core_type<tc>, window_params = [{transform_indices = @transform_0, window_bounds = array<i64: 3, 4096, 128>}, {pipeline_mode = #tpu.pipeline_mode<synchronous>, transform_indices = @transform_1, window_bounds = array<i64: 3, 128, 128>}, {pipeline_mode = #tpu.pipeline_mode<synchronous>, transform_indices = @transform_2, window_bounds = array<i64: 1, 128>}, {pipeline_mode = #tpu.pipeline_mode<synchronous>, transform_indices = @transform_3, window_bounds = array<i64: 128, 128>}, {pipeline_mode = #tpu.pipeline_mode<synchronous>, transform_indices = @transform_4, window_bounds = array<i64: 1, 128>}, {transform_indices = @transform_5, window_bounds = array<i64: 4096, 128>}]} {
    %get3A = arith.constant 0 : index
    %get3A_0 = arith.constant 0 : index
    %get3A_1 = vector.load %arg3[%get3A, %get3A_0] : memref<1x128xf32, #tpu.memory_space<vmem>>, vector<1x128xf32>
    %get3A_2 = arith.constant 0 : index
    %get3A_3 = arith.constant 0 : index
    %get3A_4 = arith.constant 0 : index
    %get3A_5 = vector.load %arg1[%get3A_2, %get3A_3, %get3A_4] : memref<3x4096x128xf32, #tpu.memory_space<vmem>>, vector<1x4096x128xf32>
    %get3A_6 = vector.shape_cast %get3A_5 : vector<1x4096x128xf32> to vector<4096x128xf32>
    %get3A_7 = arith.constant 0 : index
    %get3A_8 = arith.constant 0 : index
    %get3A_9 = arith.constant 0 : index
    %get3A_10 = vector.load %arg2[%get3A_7, %get3A_8, %get3A_9] : memref<3x128x128xf32, #tpu.memory_space<vmem>>, vector<1x128x128xf32>
    %get3A_11 = vector.shape_cast %get3A_10 : vector<1x128x128xf32> to vector<128x128xf32>
    %dot_general3A = arith.constant dense<0.000000e+00> : vector<4096x128xf32>
    %dot_general3A_12 = tpu.matmul %get3A_6, %get3A_11, %dot_general3A {dimension_numbers = #tpu.dot_dimension_numbers<[1], [0], [0], [1], [0, 0, 1, 1], [], []>, transpose_lhs_hint = false} : vector<4096x128xf32>, vector<128x128xf32>, vector<4096x128xf32> -> vector<4096x128xf32>
    %add3A = vector.broadcast %get3A_1 : vector<1x128xf32> to vector<4096x128xf32>
    %add3A_13 = arith.addf %add3A, %dot_general3A_12 : vector<4096x128xf32>
    %get3A_14 = arith.constant 1 : index
    %get3A_15 = arith.constant 0 : index
    %get3A_16 = arith.constant 0 : index
    %get3A_17 = vector.load %arg1[%get3A_14, %get3A_15, %get3A_16] : memref<3x4096x128xf32, #tpu.memory_space<vmem>>, vector<1x4096x128xf32>
    %get3A_18 = vector.shape_cast %get3A_17 : vector<1x4096x128xf32> to vector<4096x128xf32>
    %get3A_19 = arith.constant 1 : index
    %get3A_20 = arith.constant 0 : index
    %get3A_21 = arith.constant 0 : index
    %get3A_22 = vector.load %arg2[%get3A_19, %get3A_20, %get3A_21] : memref<3x128x128xf32, #tpu.memory_space<vmem>>, vector<1x128x128xf32>
    %get3A_23 = vector.shape_cast %get3A_22 : vector<1x128x128xf32> to vector<128x128xf32>
    %dot_general3A_24 = arith.constant dense<0.000000e+00> : vector<4096x128xf32>
    %dot_general3A_25 = tpu.matmul %get3A_18, %get3A_23, %dot_general3A_24 {dimension_numbers = #tpu.dot_dimension_numbers<[1], [0], [0], [1], [0, 0, 1, 1], [], []>, transpose_lhs_hint = false} : vector<4096x128xf32>, vector<128x128xf32>, vector<4096x128xf32> -> vector<4096x128xf32>
    %add3A_26 = arith.addf %add3A_13, %dot_general3A_25 : vector<4096x128xf32>
    %get3A_27 = arith.constant 2 : index
    %get3A_28 = arith.constant 0 : index
    %get3A_29 = arith.constant 0 : index
    %get3A_30 = vector.load %arg1[%get3A_27, %get3A_28, %get3A_29] : memref<3x4096x128xf32, #tpu.memory_space<vmem>>, vector<1x4096x128xf32>
    %get3A_31 = vector.shape_cast %get3A_30 : vector<1x4096x128xf32> to vector<4096x128xf32>
    %get3A_32 = arith.constant 2 : index
    %get3A_33 = arith.constant 0 : index
    %get3A_34 = arith.constant 0 : index
    %get3A_35 = vector.load %arg2[%get3A_32, %get3A_33, %get3A_34] : memref<3x128x128xf32, #tpu.memory_space<vmem>>, vector<1x128x128xf32>
    %get3A_36 = vector.shape_cast %get3A_35 : vector<1x128x128xf32> to vector<128x128xf32>
    %dot_general3A_37 = arith.constant dense<0.000000e+00> : vector<4096x128xf32>
    %dot_general3A_38 = tpu.matmul %get3A_31, %get3A_36, %dot_general3A_37 {dimension_numbers = #tpu.dot_dimension_numbers<[1], [0], [0], [1], [0, 0, 1, 1], [], []>, transpose_lhs_hint = false} : vector<4096x128xf32>, vector<128x128xf32>, vector<4096x128xf32> -> vector<4096x128xf32>
    %add3A_39 = arith.addf %add3A_26, %dot_general3A_38 : vector<4096x128xf32>
    %tanh3A = math.tanh %add3A_39 : vector<4096x128xf32>
    %get3A_40 = arith.constant 0 : index
    %get3A_41 = arith.constant 0 : index
    %get3A_42 = vector.load %arg4[%get3A_40, %get3A_41] : memref<128x128xf32, #tpu.memory_space<vmem>>, vector<128x128xf32>
    %dot_general3A_43 = arith.constant dense<0.000000e+00> : vector<4096x128xf32>
    %dot_general3A_44 = tpu.matmul %tanh3A, %get3A_42, %dot_general3A_43 {dimension_numbers = #tpu.dot_dimension_numbers<[1], [0], [0], [1], [0, 0, 1, 1], [], []>, transpose_lhs_hint = false} : vector<4096x128xf32>, vector<128x128xf32>, vector<4096x128xf32> -> vector<4096x128xf32>
    %get3A_45 = arith.constant 0 : index
    %get3A_46 = arith.constant 0 : index
    %get3A_47 = vector.load %arg5[%get3A_45, %get3A_46] : memref<1x128xf32, #tpu.memory_space<vmem>>, vector<1x128xf32>
    %add3A_48 = vector.broadcast %get3A_47 : vector<1x128xf32> to vector<4096x128xf32>
    %add3A_49 = arith.addf %dot_general3A_44, %add3A_48 : vector<4096x128xf32>
    %swap3A = arith.constant 0 : index
    %swap3A_50 = arith.constant 0 : index
    %swap3A_51 = vector.load %arg6[%swap3A, %swap3A_50] : memref<4096x128xf32, #tpu.memory_space<vmem>>, vector<4096x128xf32>
    tpu.vector_store %arg6[%swap3A, %swap3A_50], %add3A_49 {strides = array<i32>} : memref<4096x128xf32, #tpu.memory_space<vmem>>, vector<4096x128xf32>,
    return
  }
  func.func @transform_0(%arg0: i32) -> (i32, i32, i32) {
    %c0_i32 = arith.constant 0 : i32
    %c0_i32_0 = arith.constant 0 : i32
    %c0_i32_1 = arith.constant 0 : i32
    return %c0_i32, %arg0, %c0_i32_0 : i32, i32, i32
  }
  func.func @transform_1(%arg0: i32) -> (i32, i32, i32) {
    %c0_i32 = arith.constant 0 : i32
    %c0_i32_0 = arith.constant 0 : i32
    %c0_i32_1 = arith.constant 0 : i32
    %c0_i32_2 = arith.constant 0 : i32
    return %c0_i32, %c0_i32_0, %c0_i32_1 : i32, i32, i32
  }
  func.func @transform_2(%arg0: i32) -> (i32, i32) {
    %c0_i32 = arith.constant 0 : i32
    %c0_i32_0 = arith.constant 0 : i32
    %c0_i32_1 = arith.constant 0 : i32
    return %c0_i32, %c0_i32_0 : i32, i32
  }
  func.func @transform_3(%arg0: i32) -> (i32, i32) {
    %c0_i32 = arith.constant 0 : i32
    %c0_i32_0 = arith.constant 0 : i32
    %c0_i32_1 = arith.constant 0 : i32
    return %c0_i32, %c0_i32_0 : i32, i32
  }
  func.func @transform_4(%arg0: i32) -> (i32, i32) {
    %c0_i32 = arith.constant 0 : i32
    %c0_i32_0 = arith.constant 0 : i32
    %c0_i32_1 = arith.constant 0 : i32
    return %c0_i32, %c0_i32_0 : i32, i32
  }
  func.func @transform_5(%arg0: i32) -> (i32, i32) {
    %c0_i32 = arith.constant 0 : i32
    %c0_i32_0 = arith.constant 0 : i32
    return %arg0, %c0_i32 : i32, i32
  }
}

</mosaic_0001>

<sc_bundles>
// kernel: kernel.5.cloned.1.call-start
scs
__scs_entry_jumppad:
0x0: {  	(pc) =	sbr.rel $0x88, $3  }
0x1: {  	(tag) =	ssettag $0x0;
	lr =	simm.s32 $0x1  }
0x2: {  	[smem:$0x3F9B] =	sst lr;
	_ =	strace $0xD0000000  }
0x3: {  	_ = 	snop  }
0x4: {  	_ = 	snop  }
0x5: {  	_ = 	snop  }
0x6: {  	_ = 	snop  }
0x7: {  	_ = 	snop  }
__scs_overlays_trampoline_lowered:
0x8: {  	[smem:$0x3FAA] =	sst s0  }
0x9: {  	[smem:$0x3FAB] =	sst s1  }
0xa: {  	[smem:$0x3FAC] =	sst s2  }
0xb: {  	[smem:$0x3FAD] =	sst s3  }
0xc: {  	[smem:$0x3FAE] =	sst s4  }
0xd: {  	[smem:$0x3FAF] =	sst s5  }
0xe: {  	[smem:$0x3FB0] =	sst s6  }
0xf: {  	[smem:$0x3FB1] =	sst s7  }
0x10: {  	[smem:$0x3FB2] =	sst s8  }
0x11: {  	[smem:$0x3FB3] =	sst s9;
	s0 =	simm.s32 @!p0 $0x0  }
0x12: {  	s1 =	sld [smem:$0x3F99];
	s0 =	simm.s32 @p0 $0x1  }
0x13: {  	[smem:$0x3FB4] =	sst s0;
	s0 =	simm.s32 @!p1 $0x0  }
0x14: {  	s2 =	sld [smem:$0x3F98];
	s0 =	simm.s32 @p1 $0x1  }
0x15: {  	[smem:$0x3FB5] =	sst s0;
	s0 =	simm.s32 @!p2 $0x0  }
0x16: {  	s3 =	sld [smem:$0x3FDB];
	s0 =	simm.s32 @p2 $0x1  }
0x17: {  	s4 =	simm.s32 $0x1BF5;
	[smem:$0x3FB7] =	sst s0  }
0x18: {  	s0 =	sld [smem:$0x3F9A];
	_ =	swait.ge [sflag:s4], $0x0  }
0x19: {  	s7 =	sld [smem:$0x3F9B]  }
0x1a: {  	s8 =	sadd.s32 $0xFFFFE003, lr  }
0x1b: {  	s9 =	sadd.s32 $0xFFFFFEF7, lr;
	s5 =	simm.s32 $0xFFFFFFFF;
	p2 =	slt.u32 s8, $0xFFFFF086  }
0x1c: {  	p1 =	slt.u32 s9, $0xF7A;
	s5 =	simm.s32 @!p2 $0x0  }
0x1d: {  	s5 =	simm.s32 @p1 $0x1;
	p0 =	seq.s32 s7, s2  }
0x1e: {  	s7 =	smul.u32 @!p0 $0xF7A, s2;
	p2 =	seq.s32 @!p0 s5, $0x0  }
0x1f: {  	s9 =	smul.u32 $0xF7A, s1;
	s8 =	simm.s32 @!p0 $0x1BF5;
	p2 =	por !p2, p0  }
0x20: {  	[sflag:s8] =	ssyncset.s32 @!p0 $0xFFFFF086;
	s6 =	sadd.s32 @!p0 s3, s7;
	s7 =	simm.s32 @!p0 $0x108  }
0x21: {  	s3 =	sadd.s32 s3, s9;
	s6 =	sadd.s32 @!p0 $0x88, s6;
	s7 =	simm.s32 @p2 $0x1082  }
0x22: {  	[simem:s7], [sflag:s8] =	dma.local @!p0 [hbm:s6], $0xF7A  }
0x23: {  	s9 =	sor.u32 $0xD0000000, s2;
	s6 =	simm.s32 $0x108;
	_ =	swait.ge @!p0 [sflag:s8], $0x0  }
0x24: {  	s3 =	sadd.s32 $0x88, s3;
	s6 =	simm.s32 @!p1 $0x1082;
	[sflag:s4] =	ssyncset.s32 $0xFFFFF086  }
0x25: {  	[simem:s6], [sflag:s4] =	dma.local [hbm:s3], $0xF7A  }
0x26: {  	[smem:$0x3F9B] =	sst s1;
	(tag) =	ssettag s2;
	_ =	strace s9  }
0x27: {  	s1 =	sld [smem:$0x3FAB]  }
0x28: {  	s2 =	sld [smem:$0x3FAC]  }
0x29: {  	s4 =	sld [smem:$0x3FAE]  }
0x2a: {  	p0 =	seq.s32 s5, $0x0;
	s5 =	sld [smem:$0x3FAF]  }
0x2b: {  	s6 =	sld [smem:$0x3FB0]  }
0x2c: {  	s7 =	sld [smem:$0x3FB1]  }
0x2d: {  	s3 =	simm.s32 $0x108;
	s8 =	sld [smem:$0x3FB2]  }
0x2e: {  	s3 =	simm.s32 @!p0 $0x1082;
	s9 =	sld [smem:$0x3FB3]  }
0x2f: {  	lr =	sadd.s32 s0, s3;
	s0 =	sld [smem:$0x3FAA]  }
0x30: {  	s3 =	sld [smem:$0x3FAD]  }
0x31: {  	[smem:$0x3FB6] =	sst s10  }
0x32: {  	s10 =	sld [smem:$0x3FB4];
	_ =	sdelay $0x3  }
0x33: {  	p0 =	seq.s32 s10, $0x1;
	s10 =	sld [smem:$0x3FB6];
	_ =	sdelay $0x3  }
0x34: {  	[smem:$0x3FB6] =	sst s10  }
0x35: {  	s10 =	sld [smem:$0x3FB5];
	_ =	sdelay $0x3  }
0x36: {  	p1 =	seq.s32 s10, $0x1;
	s10 =	sld [smem:$0x3FB6];
	_ =	sdelay $0x3  }
0x37: {  	[smem:$0x3FB6] =	sst s10  }
0x38: {  	s10 =	sld [smem:$0x3FB7]  }
0x39: {  	_ = 	snop;
	(pc) =	sbr.ind lr, $3  }
0x3a: {  	_ = 	snop  }
0x3b: {  	_ = 	snop  }
0x3c: {  	p2 =	seq.s32 s10, $0x1;
	s10 =	sld [smem:$0x3FB6]  }
0x3d: {  	_ =	shalt  }
0x3e: {  	_ =	shalt  }
0x3f: {  	_ =	shalt  }
0x40: {  	_ =	shalt  }
0x41: {  	_ =	shalt  }
0x42: {  	_ =	shalt  }
0x43: {  	_ =	shalt  }
0x44: {  	_ =	shalt  }
0x45: {  	_ =	shalt  }
0x46: {  	_ =	shalt  }
0x47: {  	_ =	shalt  }
0x48: {  	_ =	shalt  }
0x49: {  	_ =	shalt  }
0x4a: {  	_ =	shalt  }
0x4b: {  	_ =	shalt  }
0x4c: {  	_ =	shalt  }
0x4d: {  	_ =	shalt  }
0x4e: {  	_ =	shalt  }
0x4f: {  	_ =	shalt  }
0x50: {  	_ =	shalt  }
0x51: {  	_ =	shalt  }
0x52: {  	_ =	shalt  }
0x53: {  	_ =	shalt  }
0x54: {  	_ =	shalt  }
0x55: {  	_ =	shalt  }
0x56: {  	_ =	shalt  }
0x57: {  	_ =	shalt  }
0x58: {  	_ =	shalt  }
0x59: {  	_ =	shalt  }
0x5a: {  	_ =	shalt  }
0x5b: {  	_ =	shalt  }
0x5c: {  	_ =	shalt  }
0x5d: {  	_ =	shalt  }
0x5e: {  	_ =	shalt  }
0x5f: {  	_ =	shalt  }
0x60: {  	_ =	shalt  }
0x61: {  	_ =	shalt  }
0x62: {  	_ =	shalt  }
0x63: {  	_ =	shalt  }
0x64: {  	_ =	shalt  }
0x65: {  	_ =	shalt  }
0x66: {  	_ =	shalt  }
0x67: {  	_ =	shalt  }
0x68: {  	_ =	shalt  }
0x69: {  	_ =	shalt  }
0x6a: {  	_ =	shalt  }
0x6b: {  	_ =	shalt  }
0x6c: {  	_ =	shalt  }
0x6d: {  	_ =	shalt  }
0x6e: {  	_ =	shalt  }
0x6f: {  	_ =	shalt  }
0x70: {  	_ =	shalt  }
0x71: {  	_ =	shalt  }
0x72: {  	_ =	shalt  }
0x73: {  	_ =	shalt  }
0x74: {  	_ =	shalt  }
0x75: {  	_ =	shalt  }
0x76: {  	_ =	shalt  }
0x77: {  	_ =	shalt  }
0x78: {  	_ =	shalt  }
0x79: {  	_ =	shalt  }
0x7a: {  	_ =	shalt  }
0x7b: {  	_ =	shalt  }
0x7c: {  	_ =	shalt  }
0x7d: {  	_ =	shalt  }
0x7e: {  	_ =	shalt  }
0x7f: {  	_ =	shalt  }
0x80: {  	_ =	shalt  }
0x81: {  	_ =	shalt  }
0x82: {  	_ =	shalt  }
0x83: {  	_ =	shalt  }
0x84: {  	_ =	shalt  }
0x85: {  	_ =	shalt  }
0x86: {  	_ =	shalt  }
0x87: {  	_ =	shalt  }
.Lfunc_end0:
.L_simem_size_0:
called_computation_lowered:
.L_overlay_start_0:
0x88: {  	s2 =	sld [smem:$0x3FD9]  }
0x89: {  	s3 =	sld [smem:$0x3FFE];
	_ =	sdelay $0x1  }
0x8a: {  	s1 =	srdreg.scid  }
0x8b: {  	s0 =	sand.u32 $0x1, s1  }
0x8c: {  	s17 =	sshll.u32 s0, $0xA;
	s2 =	sadd.s32 s3, s2  }
0x8d: {  	s2 =	sadd.s32 s2, s17  }
0x8e: {  	[smem:$0x3FC2] =	sst s2  }
0x8f: {  	_ = 	snop  }
0x90: {  	s2 =	sld [smem:$0x3FD0];
	(tm) =	ssettm $0x1  }
0x91: {  	s18 =	sld [smem:$0x3FFB];
	_ =	sdelay $0x3  }
0x92: {  	_ =	strace s18  }
0x93: {  	s3 =	sld [smem:$0x3FFC];
	_ =	sdelay $0x3  }
0x94: {  	_ =	strace s3  }
0x95: {  	s3 =	sld [smem:$0x3FFD];
	_ =	sdelay $0x3  }
0x96: {  	_ =	strace s3  }
0x97: {  	_ =	strace $0x8FFFFFFF  }
0x98: {  	s19 =	sld [smem:$0x3FDB];
	_ =	sdelay $0x1  }
0x99: {  	s4 =	simm.s32 $_scs_section_size  }
0x9a: {  	s5 =	simm.s32 $_size__tile_overlayer_lowered;
	s6 =	simm.s32 $_tile_overlayer_lowered  }
0x9b: {  	s22 =	simm.s32 $0x1BFF;
	s21 =	sshll.u32 s6, $0x1;
	s3 =	sadd.s32 s4, s19  }
0x9c: {  	s7 =	simm.s32 $0x0;
	s20 =	sshll.u32 s5, $0x1;
	s5 =	sadd.s32 s21, s3  }
0x9d: {  	[timem:s7], [sflag:s22] =	dma.local [hbm:s5], s20  }
0x9e: {  	_ =	swait.ge [sflag:s22], s20  }
0x9f: {  	s4 =	ssub.s32 $0x0, s20;
	[sflag:s22] =	ssyncset.done $0x0  }
0xa0: {  	[sflag:s22] =	ssyncadd.s32 s4;
	_ =	sdelay $0x1  }
0xa1: {  	s23 =	simm.s32 $0x1B8B  }
0xa2: {  	_ =	swait.ge [sflag:s23], $0x1  }
0xa3: {  	[sflag:s23] =	ssyncset.done $0x0  }
0xa4: {  	s25 =	simm.s32 $0x1B8E;
	s24 =	sld [smem:$0x3FFE];
	[sflag:s23] =	ssyncadd.s32 $0xFFFFFFFF  }
0xa5: {  	s26 =	simm.s32 $execute0_lowered;
	[smem:$0x3FD2] =	sst s25  }
0xa6: {  	s5 =	sshll.u32 s26, $0x1;
	_ =	strace $0x80000046;
	[dreg:$0x1] =	wrdreg $0xFFFFFFFF  }
0xa7: {  	s28 =	simm.s32 $_size_execute0_lowered;
	s3 =	sadd.s32 s3, s5;
	[dreg:$0x0] =	wrdreg $0x0  }
0xa8: {  	s5 =	sshll.u32 s28, $0x1;
	[dreg:$0x2] =	wrdreg s3  }
0xa9: {  	[dreg:$0x3] =	wrdreg s5  }
0xaa: {  	[dreg:$0x4] =	wrdreg $0xC0  }
0xab: {  	_ =	task [dreg:s7], $0x5FFFF  }
0xac: {  	[dreg:$0x1] =	wrdreg $0xFFFFFFFF  }
0xad: {  	[dreg:$0x0] =	wrdreg $0x60  }
0xae: {  	[dreg:$0x2] =	wrdreg s24  }
0xaf: {  	[dreg:$0x3] =	wrdreg s2  }
0xb0: {  	[dreg:$0x4] =	wrdreg $0x9  }
0xb1: {  	_ =	task.clear_ibuf [dreg:s7], $0x5FFFF;
	_ =	strace $0x90000046  }
0xb2: {  	s29 =	simm.s32 $0x9;
	_ =	strace $0x80000048  }
0xb3: {  	_ =	swait.ge [sflag:s29], $0x1  }
0xb4: {  	[sflag:s29] =	ssyncadd.s32 $0xFFFFFFFF  }
0xb5: {  	_ =	strace $0x90000048  }
0xb6: {  	_ =	sfence  }
0xb7: {  	s30 =	sld [smem:$0x0];
	_ =	sdelay $0x2  }
0xb8: {  	s31 =	sshll.u32 s1, $0xD;
	s1 =	sshrl.u32 s1, $0x2  }
0xb9: {  	s3 =	sand.u32 $0x4000, s31;
	s1 =	sadd.s32 s1, s30  }
0xba: {  	s0 =	sor.u32 s3, s0;
	s1 =	sshll.u32 s1, $0x11  }
0xbb: {  	s0 =	sor.u32 s1, s0  }
0xbc: {  	s0 =	sadd.s32 $0x8F2B, s0  }
0xbd: {  	[sflag:s0] =	ssyncadd.remote.s32 $0x1  }
0xbe: {  	_ =	sfence.sel $0xFFFF  }
0xbf: {  	[dreg:$0x0] =	wrdreg $0xFFFFFFFF;
	(pc) =	sbr.abs _section_cstart, $3  }
0xc0: {  	[dreg:$0x1] =	wrdreg $0xFFFFFFFF  }
0xc1: {  	_ =	task.clear_ibuf [dreg:s7], $0x2FFFF;
	_ =	strace $0x9FFFFFFF  }
0xc2: {  	(tm) =	ssettm $0x7FFFFFFF  }
0xc3: {  	_ =	shalt  }
tec
execute0_lowered:
.L_overlay_start_1:
0x0: {  	(tag) =	ssettag $0x1  }
0x1: {  	s0 =	srdreg.scid;
	s1 =	stileid.u32  }
0x2: {  	s3 =	rddreg [dreg:$0x0];
	s2 =	simm.s32 $0x0;
	s31 =	simm.s32 $0x1  }
0x3: {  	s28 =	simm.s32 $0x600;
	s4 =	sand.u32 $0x1, s0;
	s23 =	sshll.u32 s1, $0x1  }
0x4: {  	s29 =	simm.s32 $0xC600;
	s30 =	simm.s32 $0x4;
	s0 =	sor.u32 s4, s23  }
0x5: {  	p0 =	por $0x0, $0x0;
	[smem:$0x7FF] =	sst s2;
	s5 =	smul.u32 $0xC00, s0  }
0x6: {  	s1 =	rddreg [dreg:$0x1];
	_ =	strace $0x80000047;
	s4 =	ssub.s32 $0x2, s4  }
0x7: {  	s0 =	smul.u32 $0x6000, s0;
	s6 =	sshrl.u32 s5, $0x1;
	s9 =	sor.u32 $0x200, s5  }
0x8: {  	s10 =	sshrl.u32 s5, $0x4;
	s26 =	sadd.s32 $0x400, s5;
	s15 =	sadd.s32 $0x600, s5  }
0x9: {  	s20 =	sadd.s32 $0x800, s5;
	s5 =	sadd.s32 $0xA00, s5;
	s7 =	sand.u32 $0xC000, s6  }
0xa: {  	s6 =	sand.u32 $0x3E00, s6;
	s11 =	sshrl.u32 s9, $0x1;
	s10 =	sadd.s32 s1, s10  }
0xb: {  	s12 =	sshrl.u32 s26, $0x4;
	s16 =	sshrl.u32 s15, $0x1;
	s9 =	sshll.u32 s9, $0x3  }
0xc: {  	s21 =	sshrl.u32 s20, $0x1;
	s22 =	sshrl.u32 s20, $0x4;
	s8 =	sadd.s32 $0xC000, s7  }
0xd: {  	s11 =	sand.u32 $0x3F00, s11;
	[dreg:$0x3] =	wrdreg s10;
	s23 =	sadd.s32 s1, s22  }
0xe: {  	s22 =	simm.s32 $0x4600;
	s6 =	sor.u32 s6, s8;
	s7 =	sor.u32 s7, s11  }
0xf: {  	s25 =	sor.u32 s11, s8;
	s11 =	sshrl.u32 s26, $0x1;
	[dreg:$0xf] =	wrdreg s23  }
0x10: {  	s8 =	sshll.u32 s26, $0x3;
	s26 =	sshrl.u32 s5, $0x4;
	s23 =	simm.s32 $0x10600  }
0x11: {  	s6 =	sshrl.u32 s6, $0x3;
	s24 =	sshrl.u32 s7, $0x3;
	s7 =	sshrl.u32 s25, $0x3  }
0x12: {  	s25 =	sshrl.u32 s5, $0x1;
	s6 =	sadd.s32 s1, s6;
	s10 =	sadd.s32 s1, s7  }
0x13: {  	s7 =	sadd.s32 $0xC000, s11;
	s11 =	sadd.s32 $0xC000, s16;
	s16 =	sshll.u32 s20, $0x3  }
0x14: {  	s20 =	simm.s32 $0x200;
	[dreg:$0x4] =	wrdreg s6;
	s6 =	sadd.s32 s1, s24  }
0x15: {  	[dreg:$0x6] =	wrdreg s10;
	s7 =	sshrl.u32 s7, $0x3;
	s10 =	sadd.s32 $0xE1200, s3  }
0x16: {  	s11 =	sshrl.u32 s11, $0x3;
	[dreg:$0x5] =	wrdreg s6;
	s6 =	sadd.s32 s1, s12  }
0x17: {  	s13 =	sadd.s32 s1, s7;
	s14 =	sadd.s32 s10, s0;
	[dreg:$0x7] =	wrdreg s6  }
0x18: {  	s12 =	sshrl.u32 s15, $0x4;
	s18 =	sadd.s32 s1, s11;
	[dreg:$0x8] =	wrdreg s13  }
0x19: {  	s19 =	sadd.s32 s10, s9;
	s24 =	sadd.s32 s10, s8;
	[dreg:$0x9] =	wrdreg s14  }
0x1a: {  	s11 =	simm.s32 $0x400;
	s6 =	sadd.s32 $0xE1208, s3;
	[dreg:$0xc] =	wrdreg s18  }
0x1b: {  	s17 =	sadd.s32 s1, s12;
	s3 =	sadd.s32 $0x1200, s3;
	[dreg:$0xd] =	wrdreg s19  }
0x1c: {  	[dreg:$0x11] =	wrdreg s24;
	s12 =	sadd.s32 s1, s26;
	s13 =	sshll.u32 s15, $0x3  }
0x1d: {  	s14 =	sshrl.u32 s4, $0x1;
	s26 =	simm.s32 $0x2;
	s19 =	simm.s32 $0x3  }
0x1e: {  	s0 =	sadd.s32 s0, s6;
	[dreg:$0xb] =	wrdreg s17;
	s9 =	sadd.s32 s9, s6  }
0x1f: {  	s8 =	sadd.s32 s8, s6;
	[dreg:$0x13] =	wrdreg s12;
	s15 =	sadd.s32 s10, s13  }
0x20: {  	s7 =	ssub.s32 s4, s14;
	s24 =	sadd.s32 s13, s6;
	[dreg:$0xa] =	wrdreg s0  }
0x21: {  	s14 =	sadd.s32 s10, s16;
	s17 =	sshll.u32 s5, $0x3;
	[dreg:$0xe] =	wrdreg s9  }
0x22: {  	s12 =	simm.s32 $0x500;
	s13 =	simm.s32 $0x7;
	[dreg:$0x12] =	wrdreg s8  }
0x23: {  	s0 =	sadd.s32 $0xC000, s21;
	[dreg:$0x15] =	wrdreg s15;
	s15 =	sadd.s32 s16, s6  }
0x24: {  	s4 =	sadd.s32 s10, s17;
	s5 =	sadd.s32 s17, s6;
	s18 =	smax.u32 s7, $0x1  }
0x25: {  	s7 =	simm.s32 $0x100;
	s21 =	simm.s32 $0x300;
	s0 =	sshrl.u32 s0, $0x3  }
0x26: {  	s8 =	simm.s32 $0x40;
	p1 =	sne.s32 s18, $0x1;
	s0 =	sadd.s32 s1, s0  }
.Ltmp0:
0x27: {  	[dreg:$0x10] =	wrdreg s0;
	s0 =	sadd.s32 $0xC000, s25;
	(pc) =	sbr.rel @!p1 .LBB2_3-.Ltmp0, $4  }
0x28: {  	s9 =	simm.s32 $0x80;
	s16 =	simm.s32 $0x8600;
	s0 =	sshrl.u32 s0, $0x3  }
0x29: {  	s17 =	simm.s32 $0x14600;
	s10 =	simm.s32 $0x8;
	s0 =	sadd.s32 s1, s0  }
0x2a: {  	s6 =	simm.s32 $0x9;
	s25 =	simm.s32 $0x5;
	[dreg:$0x14] =	wrdreg s0  }
0x2b: {  	s1 =	sadd.s32 $0xFFFFFFFF, s18;
	s18 =	simm.s32 $0x6;
	s0 =	rddreg [dreg:$0x3]  }
0x2c: {  	[dreg:$0x16] =	wrdreg s1  }
0x2d: {  	[tilespmem:s2], [sflag:$0x1] =	stream.linear.gather [hbm4b:s0+s2], $0x100, $0x38;
	[tilespmem:$0x18600] =	vst v63  }
0x2e: {  	s1 =	rddreg [dreg:$0x4]  }
0x2f: {  	[tilespmem:s7], [sflag:$0x1] =	stream.linear.gather [hbm4b:s1+s2], $0x100, $0x38;
	[tilespmem:$0x18600] =	vst v63  }
0x30: {  	s0 =	rddreg [dreg:$0x5]  }
0x31: {  	[tilespmem:s20], [sflag:$0x2] =	stream.linear.gather [hbm4b:s0+s2], $0x100, $0x38;
	[tilespmem:$0x18600] =	vst v63  }
0x32: {  	s1 =	rddreg [dreg:$0x6]  }
0x33: {  	[tilespmem:s21], [sflag:$0x2] =	stream.linear.gather [hbm4b:s1+s2], $0x100, $0x38;
	[tilespmem:$0x18600] =	vst v63  }
0x34: {  	_ =	swait.ge [sflag:s31], $0x100  }
0x35: {  	[sflag:s31] =	ssyncset.done $0x0  }
0x36: {  	[sflag:s31] =	ssyncadd.s32 $0xFFFFFF00  }
0x37: {  	_ =	swait.ge [sflag:s31], $0x100  }
0x38: {  	[sflag:s31] =	ssyncset.done $0x0  }
0x39: {  	[sflag:s31] =	ssyncadd.s32 $0xFFFFFF00  }
0x3a: {  	[tilespmem:s28], [sflag:$0x4] =	stream.indirect.gather [hbm4b:s3+s7], $0x40, s2, s7, $0xb8;
	[tilespmem:$0x18600] =	vst v63  }
0x3b: {  	_ = 	snop  }
0x3c: {  	[tilespmem:s29], [sflag:$0x4] =	stream.indirect.gather [hbm4b:s3+s7], $0x40, s7, s7, $0xb8;
	[tilespmem:$0x18600] =	vst v63  }
0x3d: {  	s0 =	rddreg [dreg:$0x7]  }
0x3e: {  	[tilespmem:s11], [sflag:$0x3] =	stream.linear.gather [hbm4b:s0+s2], $0x100, $0x38;
	[tilespmem:$0x18600] =	vst v63  }
0x3f: {  	s1 =	rddreg [dreg:$0x8]  }
0x40: {  	[tilespmem:s12], [sflag:$0x3] =	stream.linear.gather [hbm4b:s1+s2], $0x100, $0x38;
	[tilespmem:$0x18600] =	vst v63  }
0x41: {  	_ =	swait.ge [sflag:s30], $0x4000  }
0x42: {  	[sflag:s30] =	ssyncset.done $0x0  }
0x43: {  	[sflag:s30] =	ssyncadd.s32 $0xFFFFC000  }
0x44: {  	_ =	swait.ge [sflag:s30], $0x4000  }
0x45: {  	[sflag:s30] =	ssyncset.done $0x0  }
0x46: {  	s0 =	rddreg [dreg:$0x9];
	[sflag:s30] =	ssyncadd.s32 $0xFFFFC000  }
0x47: {  	[hbm4b:s0+s8] =	stream.strided.scatter [tilespmem:s28], [sflag:$0x7], $0x4000, s9, s8, $0x38;
	[tilespmem:$0x18600] =	vst v63  }
0x48: {  	s1 =	rddreg [dreg:$0xa]  }
0x49: {  	[hbm4b:s1+s8] =	stream.strided.scatter [tilespmem:s29], [sflag:$0x7], $0x4000, s9, s8, $0x38;
	[tilespmem:$0x18600] =	vst v63  }
0x4a: {  	_ =	swait.ge [sflag:s26], $0x100  }
0x4b: {  	[sflag:s26] =	ssyncset.done $0x0  }
0x4c: {  	[sflag:s26] =	ssyncadd.s32 $0xFFFFFF00  }
0x4d: {  	_ =	swait.ge [sflag:s26], $0x100  }
0x4e: {  	[sflag:s26] =	ssyncset.done $0x0  }
0x4f: {  	[sflag:s26] =	ssyncadd.s32 $0xFFFFFF00  }
0x50: {  	[tilespmem:s22], [sflag:$0x5] =	stream.indirect.gather [hbm4b:s3+s7], $0x40, s20, s7, $0xb8;
	[tilespmem:$0x18600] =	vst v63  }
0x51: {  	_ = 	snop  }
0x52: {  	[tilespmem:s23], [sflag:$0x5] =	stream.indirect.gather [hbm4b:s3+s7], $0x40, s21, s7, $0xb8;
	[tilespmem:$0x18600] =	vst v63  }
0x53: {  	s0 =	rddreg [dreg:$0xb]  }
0x54: {  	[tilespmem:s2], [sflag:$0x1] =	stream.linear.gather [hbm4b:s0+s2], $0x100, $0x38;
	[tilespmem:$0x18600] =	vst v63  }
0x55: {  	s1 =	rddreg [dreg:$0xc]  }
0x56: {  	[tilespmem:s7], [sflag:$0x1] =	stream.linear.gather [hbm4b:s1+s2], $0x100, $0x38;
	[tilespmem:$0x18600] =	vst v63  }
0x57: {  	_ =	swait.ge [sflag:s25], $0x4000  }
0x58: {  	[sflag:s25] =	ssyncset.done $0x0  }
0x59: {  	[sflag:s25] =	ssyncadd.s32 $0xFFFFC000  }
0x5a: {  	_ =	swait.ge [sflag:s25], $0x4000  }
0x5b: {  	[sflag:s25] =	ssyncset.done $0x0  }
0x5c: {  	s0 =	rddreg [dreg:$0xd];
	[sflag:s25] =	ssyncadd.s32 $0xFFFFC000  }
0x5d: {  	[hbm4b:s0+s8] =	stream.strided.scatter [tilespmem:s22], [sflag:$0x8], $0x4000, s9, s8, $0x38;
	[tilespmem:$0x18600] =	vst v63  }
0x5e: {  	s1 =	rddreg [dreg:$0xe]  }
0x5f: {  	[hbm4b:s1+s8] =	stream.strided.scatter [tilespmem:s23], [sflag:$0x8], $0x4000, s9, s8, $0x38;
	[tilespmem:$0x18600] =	vst v63  }
0x60: {  	_ =	swait.ge [sflag:s19], $0x100  }
0x61: {  	[sflag:s19] =	ssyncset.done $0x0  }
0x62: {  	[sflag:s19] =	ssyncadd.s32 $0xFFFFFF00  }
0x63: {  	_ =	swait.ge [sflag:s19], $0x100  }
0x64: {  	[sflag:s19] =	ssyncset.done $0x0  }
0x65: {  	[sflag:s19] =	ssyncadd.s32 $0xFFFFFF00  }
0x66: {  	[tilespmem:s16], [sflag:$0x6] =	stream.indirect.gather [hbm4b:s3+s7], $0x40, s11, s7, $0xb8;
	[tilespmem:$0x18600] =	vst v63  }
0x67: {  	_ = 	snop  }
0x68: {  	[tilespmem:s17], [sflag:$0x6] =	stream.indirect.gather [hbm4b:s3+s7], $0x40, s12, s7, $0xb8;
	[tilespmem:$0x18600] =	vst v63  }
0x69: {  	s0 =	rddreg [dreg:$0xf]  }
0x6a: {  	[tilespmem:s20], [sflag:$0x2] =	stream.linear.gather [hbm4b:s0+s2], $0x100, $0x38;
	[tilespmem:$0x18600] =	vst v63  }
0x6b: {  	s1 =	rddreg [dreg:$0x10]  }
0x6c: {  	[tilespmem:s21], [sflag:$0x2] =	stream.linear.gather [hbm4b:s1+s2], $0x100, $0x38;
	[tilespmem:$0x18600] =	vst v63  }
0x6d: {  	_ =	swait.ge [sflag:s18], $0x4000  }
0x6e: {  	[sflag:s18] =	ssyncset.done $0x0  }
0x6f: {  	[sflag:s18] =	ssyncadd.s32 $0xFFFFC000  }
0x70: {  	_ =	swait.ge [sflag:s18], $0x4000  }
0x71: {  	[sflag:s18] =	ssyncset.done $0x0  }
0x72: {  	s0 =	rddreg [dreg:$0x11];
	[sflag:s18] =	ssyncadd.s32 $0xFFFFC000  }
0x73: {  	[hbm4b:s0+s8] =	stream.strided.scatter [tilespmem:s16], [sflag:$0x9], $0x4000, s9, s8, $0x38;
	[tilespmem:$0x18600] =	vst v63  }
0x74: {  	s1 =	rddreg [dreg:$0x12]  }
0x75: {  	[hbm4b:s1+s8] =	stream.strided.scatter [tilespmem:s17], [sflag:$0x9], $0x4000, s9, s8, $0x38;
	[tilespmem:$0x18600] =	vst v63  }
0x76: {  	_ =	swait.ge [sflag:s13], $0x4000  }
0x77: {  	[sflag:s13] =	ssyncset.done $0x0  }
0x78: {  	[sflag:s13] =	ssyncadd.s32 $0xFFFFC000  }
0x79: {  	_ =	swait.ge [sflag:s13], $0x4000  }
0x7a: {  	[sflag:s13] =	ssyncset.done $0x0  }
0x7b: {  	[sflag:s13] =	ssyncadd.s32 $0xFFFFC000  }
0x7c: {  	_ =	swait.ge [sflag:s31], $0x100  }
0x7d: {  	[sflag:s31] =	ssyncset.done $0x0  }
0x7e: {  	[sflag:s31] =	ssyncadd.s32 $0xFFFFFF00  }
0x7f: {  	_ =	swait.ge [sflag:s31], $0x100  }
0x80: {  	[sflag:s31] =	ssyncset.done $0x0  }
0x81: {  	[sflag:s31] =	ssyncadd.s32 $0xFFFFFF00  }
0x82: {  	[tilespmem:s28], [sflag:$0x4] =	stream.indirect.gather [hbm4b:s3+s7], $0x40, s2, s7, $0xb8;
	[tilespmem:$0x18600] =	vst v63  }
0x83: {  	_ = 	snop  }
0x84: {  	[tilespmem:s29], [sflag:$0x4] =	stream.indirect.gather [hbm4b:s3+s7], $0x40, s7, s7, $0xb8;
	[tilespmem:$0x18600] =	vst v63  }
0x85: {  	s0 =	rddreg [dreg:$0x13]  }
0x86: {  	[tilespmem:s11], [sflag:$0x3] =	stream.linear.gather [hbm4b:s0+s2], $0x100, $0x38;
	[tilespmem:$0x18600] =	vst v63  }
0x87: {  	s1 =	rddreg [dreg:$0x14]  }
0x88: {  	[tilespmem:s12], [sflag:$0x3] =	stream.linear.gather [hbm4b:s1+s2], $0x100, $0x38;
	[tilespmem:$0x18600] =	vst v63  }
0x89: {  	_ =	swait.ge [sflag:s30], $0x4000  }
0x8a: {  	[sflag:s30] =	ssyncset.done $0x0  }
0x8b: {  	[sflag:s30] =	ssyncadd.s32 $0xFFFFC000  }
0x8c: {  	_ =	swait.ge [sflag:s30], $0x4000  }
0x8d: {  	[sflag:s30] =	ssyncset.done $0x0  }
0x8e: {  	s1 =	rddreg [dreg:$0x15];
	[sflag:s30] =	ssyncadd.s32 $0xFFFFC000  }
0x8f: {  	[hbm4b:s1+s8] =	stream.strided.scatter [tilespmem:s28], [sflag:$0x7], $0x4000, s9, s8, $0x38;
	[tilespmem:$0x18600] =	vst v63  }
0x90: {  	_ = 	snop  }
0x91: {  	[hbm4b:s24+s8] =	stream.strided.scatter [tilespmem:s29], [sflag:$0x7], $0x4000, s9, s8, $0x38;
	[tilespmem:$0x18600] =	vst v63  }
0x92: {  	_ =	swait.ge [sflag:s10], $0x4000  }
0x93: {  	[sflag:s10] =	ssyncset.done $0x0  }
0x94: {  	[sflag:s10] =	ssyncadd.s32 $0xFFFFC000  }
0x95: {  	_ =	swait.ge [sflag:s10], $0x4000  }
0x96: {  	[sflag:s10] =	ssyncset.done $0x0  }
0x97: {  	[sflag:s10] =	ssyncadd.s32 $0xFFFFC000  }
0x98: {  	_ =	swait.ge [sflag:s26], $0x100  }
0x99: {  	[sflag:s26] =	ssyncset.done $0x0  }
0x9a: {  	[sflag:s26] =	ssyncadd.s32 $0xFFFFFF00  }
0x9b: {  	_ =	swait.ge [sflag:s26], $0x100  }
0x9c: {  	[sflag:s26] =	ssyncset.done $0x0  }
0x9d: {  	[sflag:s26] =	ssyncadd.s32 $0xFFFFFF00  }
0x9e: {  	[tilespmem:s22], [sflag:$0x5] =	stream.indirect.gather [hbm4b:s3+s7], $0x40, s20, s7, $0xb8;
	[tilespmem:$0x18600] =	vst v63  }
0x9f: {  	_ = 	snop  }
0xa0: {  	[tilespmem:s23], [sflag:$0x5] =	stream.indirect.gather [hbm4b:s3+s7], $0x40, s21, s7, $0xb8;
	[tilespmem:$0x18600] =	vst v63  }
0xa1: {  	_ =	swait.ge [sflag:s25], $0x4000  }
0xa2: {  	[sflag:s25] =	ssyncset.done $0x0  }
0xa3: {  	[sflag:s25] =	ssyncadd.s32 $0xFFFFC000  }
0xa4: {  	_ =	swait.ge [sflag:s25], $0x4000  }
0xa5: {  	[sflag:s25] =	ssyncset.done $0x0  }
0xa6: {  	[sflag:s25] =	ssyncadd.s32 $0xFFFFC000  }
0xa7: {  	[hbm4b:s14+s8] =	stream.strided.scatter [tilespmem:s22], [sflag:$0x8], $0x4000, s9, s8, $0x38;
	[tilespmem:$0x18600] =	vst v63  }
0xa8: {  	_ = 	snop  }
0xa9: {  	[hbm4b:s15+s8] =	stream.strided.scatter [tilespmem:s23], [sflag:$0x8], $0x4000, s9, s8, $0x38;
	[tilespmem:$0x18600] =	vst v63  }
0xaa: {  	_ =	swait.ge [sflag:s6], $0x4000  }
0xab: {  	[sflag:s6] =	ssyncset.done $0x0  }
0xac: {  	[sflag:s6] =	ssyncadd.s32 $0xFFFFC000  }
0xad: {  	_ =	swait.ge [sflag:s6], $0x4000  }
0xae: {  	[sflag:s6] =	ssyncset.done $0x0  }
0xaf: {  	[sflag:s6] =	ssyncadd.s32 $0xFFFFC000  }
0xb0: {  	_ =	swait.ge [sflag:s19], $0x100  }
0xb1: {  	[sflag:s19] =	ssyncset.done $0x0  }
0xb2: {  	[sflag:s19] =	ssyncadd.s32 $0xFFFFFF00  }
0xb3: {  	_ =	swait.ge [sflag:s19], $0x100  }
0xb4: {  	[sflag:s19] =	ssyncset.done $0x0  }
0xb5: {  	[sflag:s19] =	ssyncadd.s32 $0xFFFFFF00  }
0xb6: {  	[tilespmem:s16], [sflag:$0x6] =	stream.indirect.gather [hbm4b:s3+s7], $0x40, s11, s7, $0xb8;
	[tilespmem:$0x18600] =	vst v63  }
0xb7: {  	_ = 	snop  }
0xb8: {  	[tilespmem:s17], [sflag:$0x6] =	stream.indirect.gather [hbm4b:s3+s7], $0x40, s12, s7, $0xb8;
	[tilespmem:$0x18600] =	vst v63  }
0xb9: {  	_ =	swait.ge [sflag:s18], $0x4000  }
0xba: {  	[sflag:s18] =	ssyncset.done $0x0  }
0xbb: {  	[sflag:s18] =	ssyncadd.s32 $0xFFFFC000  }
0xbc: {  	_ =	swait.ge [sflag:s18], $0x4000  }
0xbd: {  	[sflag:s18] =	ssyncset.done $0x0  }
0xbe: {  	[sflag:s18] =	ssyncadd.s32 $0xFFFFC000  }
0xbf: {  	[hbm4b:s4+s8] =	stream.strided.scatter [tilespmem:s16], [sflag:$0x9], $0x4000, s9, s8, $0x38;
	[tilespmem:$0x18600] =	vst v63  }
0xc0: {  	_ = 	snop  }
0xc1: {  	[hbm4b:s5+s8] =	stream.strided.scatter [tilespmem:s17], [sflag:$0x9], $0x4000, s9, s8, $0x38;
	[tilespmem:$0x18600] =	vst v63  }
0xc2: {  	_ =	swait.ge [sflag:s13], $0x4000  }
0xc3: {  	[sflag:s13] =	ssyncset.done $0x0  }
0xc4: {  	[sflag:s13] =	ssyncadd.s32 $0xFFFFC000  }
0xc5: {  	_ =	swait.ge [sflag:s13], $0x4000  }
0xc6: {  	[sflag:s13] =	ssyncset.done $0x0  }
0xc7: {  	[sflag:s13] =	ssyncadd.s32 $0xFFFFC000  }
0xc8: {  	_ =	swait.ge [sflag:s10], $0x4000  }
0xc9: {  	[sflag:s10] =	ssyncset.done $0x0  }
0xca: {  	[sflag:s10] =	ssyncadd.s32 $0xFFFFC000  }
0xcb: {  	_ =	swait.ge [sflag:s10], $0x4000  }
0xcc: {  	[sflag:s10] =	ssyncset.done $0x0  }
0xcd: {  	[sflag:s10] =	ssyncadd.s32 $0xFFFFC000  }
0xce: {  	_ =	swait.ge [sflag:s6], $0x4000  }
0xcf: {  	s1 =	rddreg [dreg:$0x16]  }
0xd0: {  	p1 =	sne.s32 s1, $0x1  }
.Ltmp1:
0xd1: {  	_ = 	snop;
	(pc) =	sbr.rel @!p1 .LBB2_3-.Ltmp1, $4  }
0xd2: {  	[sflag:s6] =	ssyncset.done $0x0  }
0xd3: {  	[sflag:s6] =	ssyncadd.s32 $0xFFFFC000  }
0xd4: {  	p0 =	por $0x1, $0x1;
	_ =	swait.ge [sflag:s6], $0x4000  }
0xd5: {  	s1 =	sadd.s32 $0xFFFFFFFF, s1;
	s0 =	rddreg [dreg:$0x3];
	[sflag:s6] =	ssyncset.done $0x0  }
.LBB2_2:
0xd6: {  	[sflag:s6] =	ssyncadd.s32 $0xFFFFC000  }
0xd7: {  	s11 =	smov.u32 s24;
	s24 =	smov.u32 s15;
	s15 =	smov.u32 s14  }
0xd8: {  	[tilespmem:s2], [sflag:$0x1] =	stream.linear.gather [hbm4b:s0+s2], $0x100, $0x38;
	[tilespmem:$0x18600] =	vst v63  }
0xd9: {  	s14 =	smov.u32 s5;
	s5 =	smov.u32 s4;
	s4 =	rddreg [dreg:$0x4]  }
0xda: {  	[tilespmem:s7], [sflag:$0x1] =	stream.linear.gather [hbm4b:s4+s2], $0x100, $0x38;
	[tilespmem:$0x18600] =	vst v63  }
0xdb: {  	s0 =	rddreg [dreg:$0x5]  }
0xdc: {  	[tilespmem:s20], [sflag:$0x2] =	stream.linear.gather [hbm4b:s0+s2], $0x100, $0x38;
	[tilespmem:$0x18600] =	vst v63  }
0xdd: {  	s4 =	rddreg [dreg:$0x6]  }
0xde: {  	[tilespmem:s21], [sflag:$0x2] =	stream.linear.gather [hbm4b:s4+s2], $0x100, $0x38;
	[tilespmem:$0x18600] =	vst v63  }
0xdf: {  	_ =	swait.ge [sflag:s31], $0x100  }
0xe0: {  	[sflag:s31] =	ssyncset.done $0x0  }
0xe1: {  	[sflag:s31] =	ssyncadd.s32 $0xFFFFFF00  }
0xe2: {  	_ =	swait.ge [sflag:s31], $0x100  }
0xe3: {  	[sflag:s31] =	ssyncset.done $0x0  }
0xe4: {  	[sflag:s31] =	ssyncadd.s32 $0xFFFFFF00  }
0xe5: {  	[tilespmem:s28], [sflag:$0x4] =	stream.indirect.gather [hbm4b:s3+s7], $0x40, s2, s7, $0xb8;
	[tilespmem:$0x18600] =	vst v63  }
0xe6: {  	_ = 	snop  }
0xe7: {  	[tilespmem:s29], [sflag:$0x4] =	stream.indirect.gather [hbm4b:s3+s7], $0x40, s7, s7, $0xb8;
	[tilespmem:$0x18600] =	vst v63  }
0xe8: {  	s12 =	simm.s32 $0x400;
	s0 =	rddreg [dreg:$0x7]  }
0xe9: {  	[tilespmem:s12], [sflag:$0x3] =	stream.linear.gather [hbm4b:s0+s2], $0x100, $0x38;
	[tilespmem:$0x18600] =	vst v63  }
0xea: {  	s16 =	simm.s32 $0x500;
	s4 =	rddreg [dreg:$0x8]  }
0xeb: {  	[tilespmem:s16], [sflag:$0x3] =	stream.linear.gather [hbm4b:s4+s2], $0x100, $0x38;
	[tilespmem:$0x18600] =	vst v63  }
0xec: {  	_ =	swait.ge [sflag:s30], $0x4000  }
0xed: {  	[sflag:s30] =	ssyncset.done $0x0  }
0xee: {  	[sflag:s30] =	ssyncadd.s32 $0xFFFFC000  }
0xef: {  	_ =	swait.ge [sflag:s30], $0x4000  }
0xf0: {  	[sflag:s30] =	ssyncset.done $0x0  }
0xf1: {  	s0 =	rddreg [dreg:$0x9];
	[sflag:s30] =	ssyncadd.s32 $0xFFFFC000  }
0xf2: {  	[hbm4b:s0+s8] =	stream.strided.scatter [tilespmem:s28], [sflag:$0x7], $0x4000, s9, s8, $0x38;
	[tilespmem:$0x18600] =	vst v63  }
0xf3: {  	s4 =	rddreg [dreg:$0xa]  }
0xf4: {  	[hbm4b:s4+s8] =	stream.strided.scatter [tilespmem:s29], [sflag:$0x7], $0x4000, s9, s8, $0x38;
	[tilespmem:$0x18600] =	vst v63  }
0xf5: {  	_ =	swait.ge [sflag:s26], $0x100  }
0xf6: {  	[sflag:s26] =	ssyncset.done $0x0  }
0xf7: {  	[sflag:s26] =	ssyncadd.s32 $0xFFFFFF00  }
0xf8: {  	_ =	swait.ge [sflag:s26], $0x100  }
0xf9: {  	[sflag:s26] =	ssyncset.done $0x0  }
0xfa: {  	[sflag:s26] =	ssyncadd.s32 $0xFFFFFF00  }
0xfb: {  	[tilespmem:s22], [sflag:$0x5] =	stream.indirect.gather [hbm4b:s3+s7], $0x40, s20, s7, $0xb8;
	[tilespmem:$0x18600] =	vst v63  }
0xfc: {  	_ = 	snop  }
0xfd: {  	[tilespmem:s23], [sflag:$0x5] =	stream.indirect.gather [hbm4b:s3+s7], $0x40, s21, s7, $0xb8;
	[tilespmem:$0x18600] =	vst v63  }
0xfe: {  	s0 =	rddreg [dreg:$0xb]  }
0xff: {  	[tilespmem:s2], [sflag:$0x1] =	stream.linear.gather [hbm4b:s0+s2], $0x100, $0x38;
	[tilespmem:$0x18600] =	vst v63  }
0x100: {  	s4 =	rddreg [dreg:$0xc]  }
0x101: {  	[tilespmem:s7], [sflag:$0x1] =	stream.linear.gather [hbm4b:s4+s2], $0x100, $0x38;
	[tilespmem:$0x18600] =	vst v63  }
0x102: {  	_ =	swait.ge [sflag:s25], $0x4000  }
0x103: {  	[sflag:s25] =	ssyncset.done $0x0  }
0x104: {  	[sflag:s25] =	ssyncadd.s32 $0xFFFFC000  }
0x105: {  	_ =	swait.ge [sflag:s25], $0x4000  }
0x106: {  	[sflag:s25] =	ssyncset.done $0x0  }
0x107: {  	s0 =	rddreg [dreg:$0xd];
	[sflag:s25] =	ssyncadd.s32 $0xFFFFC000  }
0x108: {  	[hbm4b:s0+s8] =	stream.strided.scatter [tilespmem:s22], [sflag:$0x8], $0x4000, s9, s8, $0x38;
	[tilespmem:$0x18600] =	vst v63  }
0x109: {  	s4 =	rddreg [dreg:$0xe]  }
0x10a: {  	[hbm4b:s4+s8] =	stream.strided.scatter [tilespmem:s23], [sflag:$0x8], $0x4000, s9, s8, $0x38;
	[tilespmem:$0x18600] =	vst v63  }
0x10b: {  	_ =	swait.ge [sflag:s19], $0x100  }
0x10c: {  	[sflag:s19] =	ssyncset.done $0x0  }
0x10d: {  	[sflag:s19] =	ssyncadd.s32 $0xFFFFFF00  }
0x10e: {  	_ =	swait.ge [sflag:s19], $0x100  }
0x10f: {  	[sflag:s19] =	ssyncset.done $0x0  }
0x110: {  	s17 =	simm.s32 $0x8600;
	[sflag:s19] =	ssyncadd.s32 $0xFFFFFF00  }
0x111: {  	[tilespmem:s17], [sflag:$0x6] =	stream.indirect.gather [hbm4b:s3+s7], $0x40, s12, s7, $0xb8;
	[tilespmem:$0x18600] =	vst v63  }
0x112: {  	s17 =	simm.s32 $0x14600  }
0x113: {  	[tilespmem:s17], [sflag:$0x6] =	stream.indirect.gather [hbm4b:s3+s7], $0x40, s16, s7, $0xb8;
	[tilespmem:$0x18600] =	vst v63  }
0x114: {  	s0 =	rddreg [dreg:$0xf]  }
0x115: {  	[tilespmem:s20], [sflag:$0x2] =	stream.linear.gather [hbm4b:s0+s2], $0x100, $0x38;
	[tilespmem:$0x18600] =	vst v63  }
0x116: {  	s4 =	rddreg [dreg:$0x10]  }
0x117: {  	[tilespmem:s21], [sflag:$0x2] =	stream.linear.gather [hbm4b:s4+s2], $0x100, $0x38;
	[tilespmem:$0x18600] =	vst v63  }
0x118: {  	_ =	swait.ge [sflag:s18], $0x4000  }
0x119: {  	[sflag:s18] =	ssyncset.done $0x0  }
0x11a: {  	[sflag:s18] =	ssyncadd.s32 $0xFFFFC000  }
0x11b: {  	_ =	swait.ge [sflag:s18], $0x4000  }
0x11c: {  	[sflag:s18] =	ssyncset.done $0x0  }
0x11d: {  	s16 =	simm.s32 $0x8600;
	s0 =	rddreg [dreg:$0x11];
	[sflag:s18] =	ssyncadd.s32 $0xFFFFC000  }
0x11e: {  	[hbm4b:s0+s8] =	stream.strided.scatter [tilespmem:s16], [sflag:$0x9], $0x4000, s9, s8, $0x38;
	[tilespmem:$0x18600] =	vst v63  }
0x11f: {  	s4 =	rddreg [dreg:$0x12]  }
0x120: {  	[hbm4b:s4+s8] =	stream.strided.scatter [tilespmem:s17], [sflag:$0x9], $0x4000, s9, s8, $0x38;
	[tilespmem:$0x18600] =	vst v63  }
0x121: {  	_ =	swait.ge [sflag:s13], $0x4000  }
0x122: {  	[sflag:s13] =	ssyncset.done $0x0  }
0x123: {  	[sflag:s13] =	ssyncadd.s32 $0xFFFFC000  }
0x124: {  	_ =	swait.ge [sflag:s13], $0x4000  }
0x125: {  	[sflag:s13] =	ssyncset.done $0x0  }
0x126: {  	[sflag:s13] =	ssyncadd.s32 $0xFFFFC000  }
0x127: {  	_ =	swait.ge [sflag:s31], $0x100  }
0x128: {  	[sflag:s31] =	ssyncset.done $0x0  }
0x129: {  	[sflag:s31] =	ssyncadd.s32 $0xFFFFFF00  }
0x12a: {  	_ =	swait.ge [sflag:s31], $0x100  }
0x12b: {  	[sflag:s31] =	ssyncset.done $0x0  }
0x12c: {  	[sflag:s31] =	ssyncadd.s32 $0xFFFFFF00  }
0x12d: {  	[tilespmem:s28], [sflag:$0x4] =	stream.indirect.gather [hbm4b:s3+s7], $0x40, s2, s7, $0xb8;
	[tilespmem:$0x18600] =	vst v63  }
0x12e: {  	_ = 	snop  }
0x12f: {  	[tilespmem:s29], [sflag:$0x4] =	stream.indirect.gather [hbm4b:s3+s7], $0x40, s7, s7, $0xb8;
	[tilespmem:$0x18600] =	vst v63  }
0x130: {  	s0 =	rddreg [dreg:$0x13]  }
0x131: {  	[tilespmem:s12], [sflag:$0x3] =	stream.linear.gather [hbm4b:s0+s2], $0x100, $0x38;
	[tilespmem:$0x18600] =	vst v63  }
0x132: {  	s4 =	rddreg [dreg:$0x14];
	s12 =	simm.s32 $0x500  }
0x133: {  	[tilespmem:s12], [sflag:$0x3] =	stream.linear.gather [hbm4b:s4+s2], $0x100, $0x38;
	[tilespmem:$0x18600] =	vst v63  }
0x134: {  	_ =	swait.ge [sflag:s30], $0x4000  }
0x135: {  	[sflag:s30] =	ssyncset.done $0x0  }
0x136: {  	[sflag:s30] =	ssyncadd.s32 $0xFFFFC000  }
0x137: {  	_ =	swait.ge [sflag:s30], $0x4000  }
0x138: {  	s4 =	smov.u32 s5;
	[sflag:s30] =	ssyncset.done $0x0  }
0x139: {  	s5 =	smov.u32 s14;
	s0 =	rddreg [dreg:$0x15];
	[sflag:s30] =	ssyncadd.s32 $0xFFFFC000  }
0x13a: {  	[hbm4b:s0+s8] =	stream.strided.scatter [tilespmem:s28], [sflag:$0x7], $0x4000, s9, s8, $0x38;
	[tilespmem:$0x18600] =	vst v63  }
0x13b: {  	s14 =	smov.u32 s15;
	s15 =	smov.u32 s24;
	s24 =	smov.u32 s11  }
0x13c: {  	[hbm4b:s24+s8] =	stream.strided.scatter [tilespmem:s29], [sflag:$0x7], $0x4000, s9, s8, $0x38;
	[tilespmem:$0x18600] =	vst v63  }
0x13d: {  	_ =	swait.ge [sflag:s10], $0x4000  }
0x13e: {  	[sflag:s10] =	ssyncset.done $0x0  }
0x13f: {  	[sflag:s10] =	ssyncadd.s32 $0xFFFFC000  }
0x140: {  	_ =	swait.ge [sflag:s10], $0x4000  }
0x141: {  	[sflag:s10] =	ssyncset.done $0x0  }
0x142: {  	[sflag:s10] =	ssyncadd.s32 $0xFFFFC000  }
0x143: {  	_ =	swait.ge [sflag:s26], $0x100  }
0x144: {  	[sflag:s26] =	ssyncset.done $0x0  }
0x145: {  	[sflag:s26] =	ssyncadd.s32 $0xFFFFFF00  }
0x146: {  	_ =	swait.ge [sflag:s26], $0x100  }
0x147: {  	[sflag:s26] =	ssyncset.done $0x0  }
0x148: {  	[sflag:s26] =	ssyncadd.s32 $0xFFFFFF00  }
0x149: {  	[tilespmem:s22], [sflag:$0x5] =	stream.indirect.gather [hbm4b:s3+s7], $0x40, s20, s7, $0xb8;
	[tilespmem:$0x18600] =	vst v63  }
0x14a: {  	_ = 	snop  }
0x14b: {  	[tilespmem:s23], [sflag:$0x5] =	stream.indirect.gather [hbm4b:s3+s7], $0x40, s21, s7, $0xb8;
	[tilespmem:$0x18600] =	vst v63  }
0x14c: {  	_ =	swait.ge [sflag:s25], $0x4000  }
0x14d: {  	[sflag:s25] =	ssyncset.done $0x0  }
0x14e: {  	[sflag:s25] =	ssyncadd.s32 $0xFFFFC000  }
0x14f: {  	_ =	swait.ge [sflag:s25], $0x4000  }
0x150: {  	[sflag:s25] =	ssyncset.done $0x0  }
0x151: {  	[sflag:s25] =	ssyncadd.s32 $0xFFFFC000  }
0x152: {  	[hbm4b:s14+s8] =	stream.strided.scatter [tilespmem:s22], [sflag:$0x8], $0x4000, s9, s8, $0x38;
	[tilespmem:$0x18600] =	vst v63  }
0x153: {  	_ = 	snop  }
0x154: {  	[hbm4b:s15+s8] =	stream.strided.scatter [tilespmem:s23], [sflag:$0x8], $0x4000, s9, s8, $0x38;
	[tilespmem:$0x18600] =	vst v63  }
0x155: {  	_ =	swait.ge [sflag:s6], $0x4000  }
0x156: {  	[sflag:s6] =	ssyncset.done $0x0  }
0x157: {  	[sflag:s6] =	ssyncadd.s32 $0xFFFFC000  }
0x158: {  	_ =	swait.ge [sflag:s6], $0x4000  }
0x159: {  	[sflag:s6] =	ssyncset.done $0x0  }
0x15a: {  	[sflag:s6] =	ssyncadd.s32 $0xFFFFC000  }
0x15b: {  	_ =	swait.ge [sflag:s19], $0x100  }
0x15c: {  	[sflag:s19] =	ssyncset.done $0x0  }
0x15d: {  	[sflag:s19] =	ssyncadd.s32 $0xFFFFFF00  }
0x15e: {  	_ =	swait.ge [sflag:s19], $0x100  }
0x15f: {  	[sflag:s19] =	ssyncset.done $0x0  }
0x160: {  	s11 =	simm.s32 $0x400;
	[sflag:s19] =	ssyncadd.s32 $0xFFFFFF00  }
0x161: {  	[tilespmem:s16], [sflag:$0x6] =	stream.indirect.gather [hbm4b:s3+s7], $0x40, s11, s7, $0xb8;
	[tilespmem:$0x18600] =	vst v63  }
0x162: {  	_ = 	snop  }
0x163: {  	[tilespmem:s17], [sflag:$0x6] =	stream.indirect.gather [hbm4b:s3+s7], $0x40, s12, s7, $0xb8;
	[tilespmem:$0x18600] =	vst v63  }
0x164: {  	_ =	swait.ge [sflag:s18], $0x4000  }
0x165: {  	[sflag:s18] =	ssyncset.done $0x0  }
0x166: {  	[sflag:s18] =	ssyncadd.s32 $0xFFFFC000  }
0x167: {  	_ =	swait.ge [sflag:s18], $0x4000  }
0x168: {  	[sflag:s18] =	ssyncset.done $0x0  }
0x169: {  	[sflag:s18] =	ssyncadd.s32 $0xFFFFC000  }
0x16a: {  	[hbm4b:s4+s8] =	stream.strided.scatter [tilespmem:s16], [sflag:$0x9], $0x4000, s9, s8, $0x38;
	[tilespmem:$0x18600] =	vst v63  }
0x16b: {  	_ = 	snop  }
0x16c: {  	[hbm4b:s5+s8] =	stream.strided.scatter [tilespmem:s17], [sflag:$0x9], $0x4000, s9, s8, $0x38;
	[tilespmem:$0x18600] =	vst v63  }
0x16d: {  	_ =	swait.ge [sflag:s13], $0x4000  }
0x16e: {  	[sflag:s13] =	ssyncset.done $0x0  }
0x16f: {  	[sflag:s13] =	ssyncadd.s32 $0xFFFFC000  }
0x170: {  	_ =	swait.ge [sflag:s13], $0x4000  }
0x171: {  	[sflag:s13] =	ssyncset.done $0x0  }
0x172: {  	[sflag:s13] =	ssyncadd.s32 $0xFFFFC000  }
0x173: {  	_ =	swait.ge [sflag:s10], $0x4000  }
0x174: {  	[sflag:s10] =	ssyncset.done $0x0  }
0x175: {  	[sflag:s10] =	ssyncadd.s32 $0xFFFFC000  }
0x176: {  	_ =	swait.ge [sflag:s10], $0x4000  }
0x177: {  	[sflag:s10] =	ssyncset.done $0x0  }
0x178: {  	p1 =	sne.s32 s1, $0x1;
	[sflag:s10] =	ssyncadd.s32 $0xFFFFC000  }
.Ltmp2:
0x179: {  	_ =	swait.ge [sflag:s6], $0x4000;
	(pc) =	sbr.rel @p1 .LBB2_2-.Ltmp2, $4  }
0x17a: {  	[sflag:s6] =	ssyncset.done $0x0  }
0x17b: {  	[sflag:s6] =	ssyncadd.s32 $0xFFFFC000  }
0x17c: {  	_ =	swait.ge [sflag:s6], $0x4000  }
0x17d: {  	s1 =	sadd.s32 $0xFFFFFFFF, s1;
	s0 =	rddreg [dreg:$0x3];
	[sflag:s6] =	ssyncset.done $0x0  }
.LBB2_3:
0x17e: {  	[sflag:s6] =	ssyncadd.s32 @p0 $0xFFFFC000  }
0x17f: {  	[tilespmem:s2], [sflag:$0x1] =	stream.linear.gather [hbm4b:s0+s2], $0x100, $0x38;
	[tilespmem:$0x18600] =	vst v63  }
0x180: {  	s1 =	rddreg [dreg:$0x4]  }
0x181: {  	[tilespmem:s7], [sflag:$0x1] =	stream.linear.gather [hbm4b:s1+s2], $0x100, $0x38;
	[tilespmem:$0x18600] =	vst v63  }
0x182: {  	s0 =	rddreg [dreg:$0x5]  }
0x183: {  	[tilespmem:s20], [sflag:$0x2] =	stream.linear.gather [hbm4b:s0+s2], $0x100, $0x38;
	[tilespmem:$0x18600] =	vst v63  }
0x184: {  	s1 =	rddreg [dreg:$0x6]  }
0x185: {  	[tilespmem:s21], [sflag:$0x2] =	stream.linear.gather [hbm4b:s1+s2], $0x100, $0x38;
	[tilespmem:$0x18600] =	vst v63  }
0x186: {  	_ =	swait.ge [sflag:s31], $0x100  }
0x187: {  	[sflag:s31] =	ssyncset.done $0x0  }
0x188: {  	[sflag:s31] =	ssyncadd.s32 $0xFFFFFF00  }
0x189: {  	_ =	swait.ge [sflag:s31], $0x100  }
0x18a: {  	[sflag:s31] =	ssyncset.done $0x0  }
0x18b: {  	[sflag:s31] =	ssyncadd.s32 $0xFFFFFF00  }
0x18c: {  	[tilespmem:s28], [sflag:$0x4] =	stream.indirect.gather [hbm4b:s3+s7], $0x40, s2, s7, $0xb8;
	[tilespmem:$0x18600] =	vst v63  }
0x18d: {  	_ = 	snop  }
0x18e: {  	[tilespmem:s29], [sflag:$0x4] =	stream.indirect.gather [hbm4b:s3+s7], $0x40, s7, s7, $0xb8;
	[tilespmem:$0x18600] =	vst v63  }
0x18f: {  	s0 =	rddreg [dreg:$0x7]  }
0x190: {  	[tilespmem:s11], [sflag:$0x3] =	stream.linear.gather [hbm4b:s0+s2], $0x100, $0x38;
	[tilespmem:$0x18600] =	vst v63  }
0x191: {  	s1 =	rddreg [dreg:$0x8]  }
0x192: {  	[tilespmem:s12], [sflag:$0x3] =	stream.linear.gather [hbm4b:s1+s2], $0x100, $0x38;
	[tilespmem:$0x18600] =	vst v63  }
0x193: {  	_ =	swait.ge [sflag:s30], $0x4000  }
0x194: {  	[sflag:s30] =	ssyncset.done $0x0  }
0x195: {  	[sflag:s30] =	ssyncadd.s32 $0xFFFFC000  }
0x196: {  	_ =	swait.ge [sflag:s30], $0x4000  }
0x197: {  	[sflag:s30] =	ssyncset.done $0x0  }
0x198: {  	s0 =	rddreg [dreg:$0x9];
	[sflag:s30] =	ssyncadd.s32 $0xFFFFC000  }
0x199: {  	[hbm4b:s0+s8] =	stream.strided.scatter [tilespmem:s28], [sflag:$0x7], $0x4000, s9, s8, $0x38;
	[tilespmem:$0x18600] =	vst v63  }
0x19a: {  	s1 =	rddreg [dreg:$0xa]  }
0x19b: {  	[hbm4b:s1+s8] =	stream.strided.scatter [tilespmem:s29], [sflag:$0x7], $0x4000, s9, s8, $0x38;
	[tilespmem:$0x18600] =	vst v63  }
0x19c: {  	_ =	swait.ge [sflag:s26], $0x100  }
0x19d: {  	[sflag:s26] =	ssyncset.done $0x0  }
0x19e: {  	[sflag:s26] =	ssyncadd.s32 $0xFFFFFF00  }
0x19f: {  	_ =	swait.ge [sflag:s26], $0x100  }
0x1a0: {  	[sflag:s26] =	ssyncset.done $0x0  }
0x1a1: {  	[sflag:s26] =	ssyncadd.s32 $0xFFFFFF00  }
0x1a2: {  	[tilespmem:s22], [sflag:$0x5] =	stream.indirect.gather [hbm4b:s3+s7], $0x40, s20, s7, $0xb8;
	[tilespmem:$0x18600] =	vst v63  }
0x1a3: {  	_ = 	snop  }
0x1a4: {  	[tilespmem:s23], [sflag:$0x5] =	stream.indirect.gather [hbm4b:s3+s7], $0x40, s21, s7, $0xb8;
	[tilespmem:$0x18600] =	vst v63  }
0x1a5: {  	s0 =	rddreg [dreg:$0xb]  }
0x1a6: {  	[tilespmem:s2], [sflag:$0x1] =	stream.linear.gather [hbm4b:s0+s2], $0x100, $0x38;
	[tilespmem:$0x18600] =	vst v63  }
0x1a7: {  	s1 =	rddreg [dreg:$0xc]  }
0x1a8: {  	[tilespmem:s7], [sflag:$0x1] =	stream.linear.gather [hbm4b:s1+s2], $0x100, $0x38;
	[tilespmem:$0x18600] =	vst v63  }
0x1a9: {  	_ =	swait.ge [sflag:s25], $0x4000  }
0x1aa: {  	[sflag:s25] =	ssyncset.done $0x0  }
0x1ab: {  	[sflag:s25] =	ssyncadd.s32 $0xFFFFC000  }
0x1ac: {  	_ =	swait.ge [sflag:s25], $0x4000  }
0x1ad: {  	[sflag:s25] =	ssyncset.done $0x0  }
0x1ae: {  	s0 =	rddreg [dreg:$0xd];
	[sflag:s25] =	ssyncadd.s32 $0xFFFFC000  }
0x1af: {  	[hbm4b:s0+s8] =	stream.strided.scatter [tilespmem:s22], [sflag:$0x8], $0x4000, s9, s8, $0x38;
	[tilespmem:$0x18600] =	vst v63  }
0x1b0: {  	s1 =	rddreg [dreg:$0xe]  }
0x1b1: {  	[hbm4b:s1+s8] =	stream.strided.scatter [tilespmem:s23], [sflag:$0x8], $0x4000, s9, s8, $0x38;
	[tilespmem:$0x18600] =	vst v63  }
0x1b2: {  	_ =	swait.ge [sflag:s19], $0x100  }
0x1b3: {  	[sflag:s19] =	ssyncset.done $0x0  }
0x1b4: {  	[sflag:s19] =	ssyncadd.s32 $0xFFFFFF00  }
0x1b5: {  	_ =	swait.ge [sflag:s19], $0x100  }
0x1b6: {  	[sflag:s19] =	ssyncset.done $0x0  }
0x1b7: {  	[sflag:s19] =	ssyncadd.s32 $0xFFFFFF00  }
0x1b8: {  	[tilespmem:s16], [sflag:$0x6] =	stream.indirect.gather [hbm4b:s3+s7], $0x40, s11, s7, $0xb8;
	[tilespmem:$0x18600] =	vst v63  }
0x1b9: {  	_ = 	snop  }
0x1ba: {  	[tilespmem:s17], [sflag:$0x6] =	stream.indirect.gather [hbm4b:s3+s7], $0x40, s12, s7, $0xb8;
	[tilespmem:$0x18600] =	vst v63  }
0x1bb: {  	s0 =	rddreg [dreg:$0xf]  }
0x1bc: {  	[tilespmem:s20], [sflag:$0x2] =	stream.linear.gather [hbm4b:s0+s2], $0x100, $0x38;
	[tilespmem:$0x18600] =	vst v63  }
0x1bd: {  	s1 =	rddreg [dreg:$0x10]  }
0x1be: {  	[tilespmem:s21], [sflag:$0x2] =	stream.linear.gather [hbm4b:s1+s2], $0x100, $0x38;
	[tilespmem:$0x18600] =	vst v63  }
0x1bf: {  	_ =	swait.ge [sflag:s18], $0x4000  }
0x1c0: {  	[sflag:s18] =	ssyncset.done $0x0  }
0x1c1: {  	[sflag:s18] =	ssyncadd.s32 $0xFFFFC000  }
0x1c2: {  	_ =	swait.ge [sflag:s18], $0x4000  }
0x1c3: {  	[sflag:s18] =	ssyncset.done $0x0  }
0x1c4: {  	s0 =	rddreg [dreg:$0x11];
	[sflag:s18] =	ssyncadd.s32 $0xFFFFC000  }
0x1c5: {  	[hbm4b:s0+s8] =	stream.strided.scatter [tilespmem:s16], [sflag:$0x9], $0x4000, s9, s8, $0x38;
	[tilespmem:$0x18600] =	vst v63  }
0x1c6: {  	s1 =	rddreg [dreg:$0x12]  }
0x1c7: {  	[hbm4b:s1+s8] =	stream.strided.scatter [tilespmem:s17], [sflag:$0x9], $0x4000, s9, s8, $0x38;
	[tilespmem:$0x18600] =	vst v63  }
0x1c8: {  	_ =	swait.ge [sflag:s13], $0x4000  }
0x1c9: {  	[sflag:s13] =	ssyncset.done $0x0  }
0x1ca: {  	[sflag:s13] =	ssyncadd.s32 $0xFFFFC000  }
0x1cb: {  	_ =	swait.ge [sflag:s13], $0x4000  }
0x1cc: {  	[sflag:s13] =	ssyncset.done $0x0  }
0x1cd: {  	[sflag:s13] =	ssyncadd.s32 $0xFFFFC000  }
0x1ce: {  	_ =	swait.ge [sflag:s31], $0x100  }
0x1cf: {  	[sflag:s31] =	ssyncset.done $0x0  }
0x1d0: {  	[sflag:s31] =	ssyncadd.s32 $0xFFFFFF00  }
0x1d1: {  	_ =	swait.ge [sflag:s31], $0x100  }
0x1d2: {  	[sflag:s31] =	ssyncset.done $0x0  }
0x1d3: {  	[sflag:s31] =	ssyncadd.s32 $0xFFFFFF00  }
0x1d4: {  	[tilespmem:s28], [sflag:$0x4] =	stream.indirect.gather [hbm4b:s3+s7], $0x40, s2, s7, $0xb8;
	[tilespmem:$0x18600] =	vst v63  }
0x1d5: {  	_ = 	snop  }
0x1d6: {  	[tilespmem:s29], [sflag:$0x4] =	stream.indirect.gather [hbm4b:s3+s7], $0x40, s7, s7, $0xb8;
	[tilespmem:$0x18600] =	vst v63  }
0x1d7: {  	s1 =	rddreg [dreg:$0x13]  }
0x1d8: {  	[tilespmem:s11], [sflag:$0x3] =	stream.linear.gather [hbm4b:s1+s2], $0x100, $0x38;
	[tilespmem:$0x18600] =	vst v63  }
0x1d9: {  	s31 =	rddreg [dreg:$0x14]  }
0x1da: {  	[tilespmem:s12], [sflag:$0x3] =	stream.linear.gather [hbm4b:s31+s2], $0x100, $0x38;
	[tilespmem:$0x18600] =	vst v63  }
0x1db: {  	_ =	swait.ge [sflag:s30], $0x4000  }
0x1dc: {  	[sflag:s30] =	ssyncset.done $0x0  }
0x1dd: {  	[sflag:s30] =	ssyncadd.s32 $0xFFFFC000  }
0x1de: {  	_ =	swait.ge [sflag:s30], $0x4000  }
0x1df: {  	[sflag:s30] =	ssyncset.done $0x0  }
0x1e0: {  	s2 =	rddreg [dreg:$0x15];
	[sflag:s30] =	ssyncadd.s32 $0xFFFFC000  }
0x1e1: {  	[hbm4b:s2+s8] =	stream.strided.scatter [tilespmem:s28], [sflag:$0x7], $0x4000, s9, s8, $0x38;
	[tilespmem:$0x18600] =	vst v63  }
0x1e2: {  	_ = 	snop  }
0x1e3: {  	[hbm4b:s24+s8] =	stream.strided.scatter [tilespmem:s29], [sflag:$0x7], $0x4000, s9, s8, $0x38;
	[tilespmem:$0x18600] =	vst v63  }
0x1e4: {  	_ =	swait.ge [sflag:s10], $0x4000  }
0x1e5: {  	[sflag:s10] =	ssyncset.done $0x0  }
0x1e6: {  	[sflag:s10] =	ssyncadd.s32 $0xFFFFC000  }
0x1e7: {  	_ =	swait.ge [sflag:s10], $0x4000  }
0x1e8: {  	[sflag:s10] =	ssyncset.done $0x0  }
0x1e9: {  	[sflag:s10] =	ssyncadd.s32 $0xFFFFC000  }
0x1ea: {  	_ =	swait.ge [sflag:s26], $0x100  }
0x1eb: {  	[sflag:s26] =	ssyncset.done $0x0  }
0x1ec: {  	[sflag:s26] =	ssyncadd.s32 $0xFFFFFF00  }
0x1ed: {  	_ =	swait.ge [sflag:s26], $0x100  }
0x1ee: {  	[sflag:s26] =	ssyncset.done $0x0  }
0x1ef: {  	[sflag:s26] =	ssyncadd.s32 $0xFFFFFF00  }
0x1f0: {  	[tilespmem:s22], [sflag:$0x5] =	stream.indirect.gather [hbm4b:s3+s7], $0x40, s20, s7, $0xb8;
	[tilespmem:$0x18600] =	vst v63  }
0x1f1: {  	_ = 	snop  }
0x1f2: {  	[tilespmem:s23], [sflag:$0x5] =	stream.indirect.gather [hbm4b:s3+s7], $0x40, s21, s7, $0xb8;
	[tilespmem:$0x18600] =	vst v63  }
0x1f3: {  	_ =	swait.ge [sflag:s25], $0x4000  }
0x1f4: {  	[sflag:s25] =	ssyncset.done $0x0  }
0x1f5: {  	[sflag:s25] =	ssyncadd.s32 $0xFFFFC000  }
0x1f6: {  	_ =	swait.ge [sflag:s25], $0x4000  }
0x1f7: {  	[sflag:s25] =	ssyncset.done $0x0  }
0x1f8: {  	[sflag:s25] =	ssyncadd.s32 $0xFFFFC000  }
0x1f9: {  	[hbm4b:s14+s8] =	stream.strided.scatter [tilespmem:s22], [sflag:$0x8], $0x4000, s9, s8, $0x38;
	[tilespmem:$0x18600] =	vst v63  }
0x1fa: {  	_ = 	snop  }
0x1fb: {  	[hbm4b:s15+s8] =	stream.strided.scatter [tilespmem:s23], [sflag:$0x8], $0x4000, s9, s8, $0x38;
	[tilespmem:$0x18600] =	vst v63  }
0x1fc: {  	_ =	swait.ge [sflag:s6], $0x4000  }
0x1fd: {  	[sflag:s6] =	ssyncset.done $0x0  }
0x1fe: {  	[sflag:s6] =	ssyncadd.s32 $0xFFFFC000  }
0x1ff: {  	_ =	swait.ge [sflag:s6], $0x4000  }
0x200: {  	[sflag:s6] =	ssyncset.done $0x0  }
0x201: {  	[sflag:s6] =	ssyncadd.s32 $0xFFFFC000  }
0x202: {  	_ =	swait.ge [sflag:s19], $0x100  }
0x203: {  	[sflag:s19] =	ssyncset.done $0x0  }
0x204: {  	[sflag:s19] =	ssyncadd.s32 $0xFFFFFF00  }
0x205: {  	_ =	swait.ge [sflag:s19], $0x100  }
0x206: {  	[sflag:s19] =	ssyncset.done $0x0  }
0x207: {  	[sflag:s19] =	ssyncadd.s32 $0xFFFFFF00  }
0x208: {  	[tilespmem:s16], [sflag:$0x6] =	stream.indirect.gather [hbm4b:s3+s7], $0x40, s11, s7, $0xb8;
	[tilespmem:$0x18600] =	vst v63  }
0x209: {  	_ = 	snop  }
0x20a: {  	[tilespmem:s17], [sflag:$0x6] =	stream.indirect.gather [hbm4b:s3+s7], $0x40, s12, s7, $0xb8;
	[tilespmem:$0x18600] =	vst v63  }
0x20b: {  	_ =	swait.ge [sflag:s18], $0x4000  }
0x20c: {  	[sflag:s18] =	ssyncset.done $0x0  }
0x20d: {  	[sflag:s18] =	ssyncadd.s32 $0xFFFFC000  }
0x20e: {  	_ =	swait.ge [sflag:s18], $0x4000  }
0x20f: {  	[sflag:s18] =	ssyncset.done $0x0  }
0x210: {  	[sflag:s18] =	ssyncadd.s32 $0xFFFFC000  }
0x211: {  	[hbm4b:s4+s8] =	stream.strided.scatter [tilespmem:s16], [sflag:$0x9], $0x4000, s9, s8, $0x38;
	[tilespmem:$0x18600] =	vst v63  }
0x212: {  	_ = 	snop  }
0x213: {  	[hbm4b:s5+s8] =	stream.strided.scatter [tilespmem:s17], [sflag:$0x9], $0x4000, s9, s8, $0x38;
	[tilespmem:$0x18600] =	vst v63  }
0x214: {  	_ =	swait.ge [sflag:s13], $0x4000  }
0x215: {  	[sflag:s13] =	ssyncset.done $0x0  }
0x216: {  	[sflag:s13] =	ssyncadd.s32 $0xFFFFC000  }
0x217: {  	_ =	swait.ge [sflag:s13], $0x4000  }
0x218: {  	[sflag:s13] =	ssyncset.done $0x0  }
0x219: {  	[sflag:s13] =	ssyncadd.s32 $0xFFFFC000  }
0x21a: {  	_ =	swait.ge [sflag:s10], $0x4000  }
0x21b: {  	[sflag:s10] =	ssyncset.done $0x0  }
0x21c: {  	[sflag:s10] =	ssyncadd.s32 $0xFFFFC000  }
0x21d: {  	_ =	swait.ge [sflag:s10], $0x4000  }
0x21e: {  	[sflag:s10] =	ssyncset.done $0x0  }
0x21f: {  	[sflag:s10] =	ssyncadd.s32 $0xFFFFC000  }
0x220: {  	_ =	swait.ge [sflag:s6], $0x4000  }
0x221: {  	[sflag:s6] =	ssyncset.done $0x0  }
0x222: {  	[sflag:s6] =	ssyncadd.s32 $0xFFFFC000  }
0x223: {  	_ =	swait.ge [sflag:s6], $0x4000  }
0x224: {  	[sflag:s6] =	ssyncset.done $0x0  }
0x225: {  	[sflag:s6] =	ssyncadd.s32 $0xFFFFC000  }
0x226: {  	_ =	sfence.sel $0x180000  }
0x227: {  	[bflag:$0x0] =	sbarrier.arrive $0xFFFF  }
0x228: {  	_ =	strace $0x90000047  }
0x229: {  	s31 =	stileid.u32;
	[bflag:$0x2] =	sbarrier.arrive $0xFFFF  }
0x22a: {  	p0 =	sne.s32 s31, $0x0;
	s0 =	rddreg [dreg:$0x2]  }
0x22b: {  	s0 =	sadd.s32 @!p0 $0x100000, s0  }
0x22c: {  	[sflag:s0] =	ssyncadd.tile.s32 @!p0 $0x1;
	_ =	shalt  }
.Lfunc_end2:
_tile_overlayer_lowered:
.L_overlay_start_2:
0x22d: {  	(tag) =	ssettag $0x2  }
0x22e: {  	s0 =	rddreg [dreg:$0x0];
	s2 =	stileid.u32  }
0x22f: {  	s1 =	rddreg [dreg:$0x1];
	p0 =	sne.s32 s2, $0x0  }
0x230: {  	s3 =	rddreg [dreg:$0x2];
	[bflag:$0x3] =	sbarrier.arrive $0xFFFF;
	s2 =	simm.s32 @!p0 $0x1C0A  }
0x231: {  	[timem:s3], [sflag:s2] =	dma.local @!p0 [hbm:s0], s1  }
0x232: {  	s0 =	simm.s32 @!p0 $0xA  }
0x233: {  	_ =	swait.ge @!p0 [sflag:s0], s1  }
0x234: {  	s1 =	ssub.s32 @!p0 $0x0, s1;
	[sflag:s0] =	ssyncset.done @!p0 $0x0  }
0x235: {  	[sflag:s0] =	ssyncadd.s32 @!p0 s1  }
0x236: {  	[bflag:$0x3] =	sbarrier.arrive $0xFFFF  }
0x237: {  	_ =	shalt  }

</sc_bundles>
